<compile_context>
chip_gen: v7x
topology: tpu7x:2x2x1
jax: 0.10.2.dev20260603
libtpu: 0.0.44.dev20260713+nightly
codegen_flags: <defaults>
</compile_context>

<pallas_src>
import functools
import math

import jax
import jax.numpy as jnp
from jax import lax
from jax.experimental import pallas as pl
from jax.experimental.pallas import tpu as pltpu
from jax.experimental.pallas import tpu_sc as plsc


def kernel(x, pos_table):
    batch, seq_len, d_model = x.shape
    scale = jnp.float32(math.sqrt(d_model))
    info = plsc.get_sparse_core_info()
    nc, ns, lanes = info.num_cores, info.num_subcores, info.num_lanes
    nw = nc * ns
    s_per_w = seq_len // nw
    ch = 8
    n_chunks = s_per_w // ch
    assert n_chunks % 2 == 0 and s_per_w % ch == 0
    n_grp = d_model // (8 * lanes)

    mesh = plsc.VectorSubcoreMesh(core_axis_name="c", subcore_axis_name="s")

    scratch = (
        [pltpu.VMEM((ch, d_model), jnp.float32) for _ in range(2 * batch)]
        + [pltpu.VMEM((ch, d_model), jnp.float32) for _ in range(2)]
        + [pltpu.SemaphoreType.DMA for _ in range(2 * batch)]
        + [pltpu.SemaphoreType.DMA for _ in range(2 * batch)]
        + [pltpu.SemaphoreType.DMA for _ in range(2)]
    )

    @functools.partial(
        pl.kernel,
        mesh=mesh,
        out_type=jax.ShapeDtypeStruct((batch, seq_len, d_model), jnp.float32),
        scratch_types=scratch,
    )
    def sc_k(x_hbm, pos_hbm, out_hbm, *refs):
        xi = [[refs[p * batch + b] for b in range(batch)] for p in range(2)]
        pp = [refs[2 * batch], refs[2 * batch + 1]]
        o = 2 * batch + 2
        sx = [[refs[o + p * batch + b] for b in range(batch)] for p in range(2)]
        o += 2 * batch
        so = [[refs[o + p * batch + b] for b in range(batch)] for p in range(2)]
        o += 2 * batch
        sp = [refs[o], refs[o + 1]]

        wid = lax.axis_index("s") * nc + lax.axis_index("c")
        base = wid * s_per_w

        pltpu.async_copy(pos_hbm.at[pl.ds(base, ch), :], pp[0], sp[0])
        for b in range(batch):
            pltpu.async_copy(x_hbm.at[b, pl.ds(base, ch), :], xi[0][b], sx[0][b])

        def pair_body(p, carry):
            for par in (0, 1):
                c = 2 * p + par
                r0 = base + c * ch
                r1 = r0 + ch

                @pl.when(c + 1 < n_chunks)
                def _():
                    pltpu.async_copy(
                        pos_hbm.at[pl.ds(r1, ch), :], pp[1 - par], sp[1 - par])

                pltpu.make_async_copy(
                    pos_hbm.at[pl.ds(r0, ch), :], pp[par], sp[par]).wait()

                for b in range(batch):
                    @pl.when(c >= 1)
                    def _():
                        pltpu.make_async_copy(
                            xi[1 - par][b], out_hbm.at[b, pl.ds(r0, ch), :],
                            so[1 - par][b]).wait()

                    @pl.when(c + 1 < n_chunks)
                    def _():
                        pltpu.async_copy(
                            x_hbm.at[b, pl.ds(r1, ch), :], xi[1 - par][b],
                            sx[1 - par][b])

                    pltpu.make_async_copy(
                        x_hbm.at[b, pl.ds(r0, ch), :], xi[par][b],
                        sx[par][b]).wait()

                    xr, pr = xi[par][b], pp[par]

                    def row_body(r, c2):
                        def grp_body(g, c3):
                            i0 = g * (8 * lanes)
                            sls = [pl.ds(i0 + k * lanes, lanes)
                                   for k in range(8)]
                            xs = [xr[r, sl] for sl in sls]
                            ps = [pr[r, sl] for sl in sls]
                            rs = [xv * scale + pv
                                  for xv, pv in zip(xs, ps)]
                            for sl, rv in zip(sls, rs):
                                xr[r, sl] = rv
                            return c3

                        return lax.fori_loop(0, n_grp, grp_body, c2)

                    lax.fori_loop(0, ch, row_body, 0)
                    pltpu.async_copy(
                        xr, out_hbm.at[b, pl.ds(r0, ch), :], so[par][b])
            return carry

        lax.fori_loop(0, n_chunks // 2, pair_body, 0)

        rl = base + (n_chunks - 1) * ch
        for b in range(batch):
            pltpu.make_async_copy(
                xi[1][b], out_hbm.at[b, pl.ds(rl, ch), :], so[1][b]).wait()

    return sc_k(x, pos_table[:seq_len])

# --- scband reference (transcript-rebuilt; emitter-appended) ---
"""Pipeline reference for scband-learned-positional-encoding-89575837925623 (READ-ONLY COPY).

The authoritative reference and input builder live on the scoring server;
editing this copy changes nothing except your own understanding.
"""

import jax, jax.numpy as jnp
import numpy as np
import math

D_MODEL = 1024
MAX_SEQ_LEN = 8192
BATCH = 4
SEQ_LEN = 8192

def setup_inputs(seed: int = 0) -> dict:
    key = jax.random.key(seed)
    k1, k2 = jax.random.split(key)
    x = jax.random.normal(k1, (BATCH, SEQ_LEN, D_MODEL), dtype=jnp.float32)
    pos_table = jax.random.normal(k2, (MAX_SEQ_LEN, D_MODEL), dtype=jnp.float32)
    return {"x": x, "pos_table": pos_table}

def reference(x, pos_table):
    batch_size, seq_len, d_model = x.shape
    positions = jnp.arange(seq_len)
    # embedding lookup: gather rows of the learned positional table
    position_encodings = jnp.take(pos_table, positions, axis=0)  # [S, d_model]
    position_encodings = jnp.broadcast_to(position_encodings[None, :, :], (batch_size, seq_len, d_model))
    out = x * math.sqrt(D_MODEL) + position_encodings
    # dropout is identity in eval/inference mode
    return out

if __name__ == "__main__":
    import jax
    _d = setup_inputs()
    print(jax.jit(kernel)(*tuple(_d.values())))

</pallas_src>

<mosaic_0001>
#map = affine_map<(d0, d1) -> (0, 0, 0)>
#map1 = affine_map<(d0, d1) -> (0, 0)>
#map2 = affine_map<(d0, d1) -> (0)>
module attributes {stable_mosaic.version = 14 : i64} {
  func.func @_rewritten_body(%arg0: i32, %arg1: i32, %arg2: memref<4x8192x1024xf32, #tpu.memory_space<hbm>>, %arg3: memref<8192x1024xf32, #tpu.memory_space<hbm>>, %arg4: memref<1xf32, #tpu.memory_space<hbm>>, %arg5: memref<4x8192x1024xf32, #tpu.memory_space<hbm>>, %arg6: memref<8x1024xf32, #tpu.memory_space<vmem>>, %arg7: memref<8x1024xf32, #tpu.memory_space<vmem>>, %arg8: memref<8x1024xf32, #tpu.memory_space<vmem>>, %arg9: memref<8x1024xf32, #tpu.memory_space<vmem>>, %arg10: memref<8x1024xf32, #tpu.memory_space<vmem>>, %arg11: memref<8x1024xf32, #tpu.memory_space<vmem>>, %arg12: memref<8x1024xf32, #tpu.memory_space<vmem>>, %arg13: memref<8x1024xf32, #tpu.memory_space<vmem>>, %arg14: memref<8x1024xf32, #tpu.memory_space<vmem>>, %arg15: memref<8x1024xf32, #tpu.memory_space<vmem>>, %arg16: memref<!tpu.dma_semaphore, #tpu.memory_space<semaphore_mem>>, %arg17: memref<!tpu.dma_semaphore, #tpu.memory_space<semaphore_mem>>, %arg18: memref<!tpu.dma_semaphore, #tpu.memory_space<semaphore_mem>>, %arg19: memref<!tpu.dma_semaphore, #tpu.memory_space<semaphore_mem>>, %arg20: memref<!tpu.dma_semaphore, #tpu.memory_space<semaphore_mem>>, %arg21: memref<!tpu.dma_semaphore, #tpu.memory_space<semaphore_mem>>, %arg22: memref<!tpu.dma_semaphore, #tpu.memory_space<semaphore_mem>>, %arg23: memref<!tpu.dma_semaphore, #tpu.memory_space<semaphore_mem>>, %arg24: memref<!tpu.dma_semaphore, #tpu.memory_space<semaphore_mem>>, %arg25: memref<!tpu.dma_semaphore, #tpu.memory_space<semaphore_mem>>, %arg26: memref<!tpu.dma_semaphore, #tpu.memory_space<semaphore_mem>>, %arg27: memref<!tpu.dma_semaphore, #tpu.memory_space<semaphore_mem>>, %arg28: memref<!tpu.dma_semaphore, #tpu.memory_space<semaphore_mem>>, %arg29: memref<!tpu.dma_semaphore, #tpu.memory_space<semaphore_mem>>, %arg30: memref<!tpu.dma_semaphore, #tpu.memory_space<semaphore_mem>>, %arg31: memref<!tpu.dma_semaphore, #tpu.memory_space<semaphore_mem>>, %arg32: memref<!tpu.dma_semaphore, #tpu.memory_space<semaphore_mem>>, %arg33: memref<!tpu.dma_semaphore, #tpu.memory_space<semaphore_mem>>) attributes {dimension_semantics = [#tpu.dimension_semantics<core_parallel>, #tpu.dimension_semantics<subcore_parallel>], iteration_bounds = array<i64: 2, 16>, scalar_prefetch = 0 : i64, scratch_operands = 28 : i64, tpu.core_type = #tpu.core_type<sc_vector_subcore>, window_params = [{transform_indices = #map}, {transform_indices = #map1}, {transform_indices = #map2}, {transform_indices = #map}]} {
    %empty_ref3A = memref.alloca() : memref<16xf32, #tpu.memory_space<vmem>>
    "tpu.region"() ({
      %run_scoped3A = tpu.sem_alloc : memref<!tpu.dma_semaphore, #tpu.memory_space<semaphore_mem>>
      %dma_start3A_70 = arith.constant 0 : i32
      %dma_start3A_71 = tpu.memref_slice %empty_ref3A[%dma_start3A_70] : memref<16xf32, #tpu.memory_space<vmem>> -> memref<1xf32, #tpu.memory_space<vmem>>
      %dma_start3A_72 = arith.constant 0 : i32
      %dma_start3A_73 = tpu.memref_slice %empty_ref3A[%dma_start3A_72] : memref<16xf32, #tpu.memory_space<vmem>> -> memref<1xf32, #tpu.memory_space<vmem>>
      tpu.enqueue_dma source(%arg4 : memref<1xf32, #tpu.memory_space<hbm>>) target(%dma_start3A_73 : memref<1xf32, #tpu.memory_space<vmem>>) target_semaphore(%run_scoped3A : memref<!tpu.dma_semaphore, #tpu.memory_space<semaphore_mem>>)
      %dma_wait3A_74 = arith.constant 0 : i32
      %dma_wait3A_75 = tpu.memref_slice %empty_ref3A[%dma_wait3A_74] : memref<16xf32, #tpu.memory_space<vmem>> -> memref<1xf32, #tpu.memory_space<vmem>>
      %dma_wait3A_76 = arith.constant 0 : i32
      %dma_wait3A_77 = tpu.memref_slice %empty_ref3A[%dma_wait3A_76] : memref<16xf32, #tpu.memory_space<vmem>> -> memref<1xf32, #tpu.memory_space<vmem>>
      tpu.wait_dma2 semaphore(%run_scoped3A : memref<!tpu.dma_semaphore, #tpu.memory_space<semaphore_mem>>) src(%arg4 : memref<1xf32, #tpu.memory_space<hbm>>) dst(%dma_wait3A_77 : memref<1xf32, #tpu.memory_space<vmem>>)
      tpu.yield
    }) : () -> ()
    %get3A = arith.constant 0 : index
    %get3A_0 = tpu.vector_load %empty_ref3A[%get3A] {strides = array<i32>} : memref<16xf32, #tpu.memory_space<vmem>>, vector<16xf32>,
    %get3A_1 = vector.shape_cast %get3A_0 : vector<16xf32> to vector<16xf32>
    %slice3A = vector.extract_strided_slice %get3A_1 {offsets = [0], sizes = [1], strides = [1]} : vector<16xf32> to vector<1xf32>
    %squeeze3A = vector.extract %slice3A[0] : f32 from vector<1xf32>
    %mul3A = arith.constant 2 : i32
    %mul3A_2 = arith.muli %arg1, %mul3A : i32
    %add3A = arith.addi %mul3A_2, %arg0 : i32
    %mul3A_3 = arith.constant 256 : i32
    %mul3A_4 = arith.muli %add3A, %mul3A_3 : i32
    %dma_start3A = arith.constant 0 : i32
    %dma_start3A_5 = tpu.memref_slice %arg3[%mul3A_4, %dma_start3A] : memref<8192x1024xf32, #tpu.memory_space<hbm>> -> memref<8x1024xf32, #tpu.memory_space<hbm>>
    %dma_start3A_6 = arith.constant 0 : i32
    %dma_start3A_7 = tpu.memref_slice %arg3[%mul3A_4, %dma_start3A_6] : memref<8192x1024xf32, #tpu.memory_space<hbm>> -> memref<8x1024xf32, #tpu.memory_space<hbm>>
    tpu.enqueue_dma source(%dma_start3A_7 : memref<8x1024xf32, #tpu.memory_space<hbm>>) target(%arg14 : memref<8x1024xf32, #tpu.memory_space<vmem>>) target_semaphore(%arg32 : memref<!tpu.dma_semaphore, #tpu.memory_space<semaphore_mem>>)
    %dma_start3A_8 = arith.constant 0 : i32
    %dma_start3A_9 = arith.constant 0 : i32
    %dma_start3A_10 = tpu.memref_slice %arg2[%dma_start3A_8, %mul3A_4, %dma_start3A_9] : memref<4x8192x1024xf32, #tpu.memory_space<hbm>> -> memref<1x8x1024xf32, #tpu.memory_space<hbm>>
    %dma_start3A_11 = tpu.memref_squeeze %dma_start3A_10 : memref<1x8x1024xf32, #tpu.memory_space<hbm>> -> memref<8x1024xf32, #tpu.memory_space<hbm>>
    %dma_start3A_12 = arith.constant 0 : i32
    %dma_start3A_13 = tpu.memref_slice %arg2[%dma_start3A_8, %mul3A_4, %dma_start3A_12] : memref<4x8192x1024xf32, #tpu.memory_space<hbm>> -> memref<1x8x1024xf32, #tpu.memory_space<hbm>>
    %dma_start3A_14 = tpu.memref_squeeze %dma_start3A_13 : memref<1x8x1024xf32, #tpu.memory_space<hbm>> -> memref<8x1024xf32, #tpu.memory_space<hbm>>
    tpu.enqueue_dma source(%dma_start3A_14 : memref<8x1024xf32, #tpu.memory_space<hbm>>) target(%arg6 : memref<8x1024xf32, #tpu.memory_space<vmem>>) target_semaphore(%arg16 : memref<!tpu.dma_semaphore, #tpu.memory_space<semaphore_mem>>)
    %dma_start3A_15 = arith.constant 1 : i32
    %dma_start3A_16 = arith.constant 0 : i32
    %dma_start3A_17 = tpu.memref_slice %arg2[%dma_start3A_15, %mul3A_4, %dma_start3A_16] : memref<4x8192x1024xf32, #tpu.memory_space<hbm>> -> memref<1x8x1024xf32, #tpu.memory_space<hbm>>
    %dma_start3A_18 = tpu.memref_squeeze %dma_start3A_17 : memref<1x8x1024xf32, #tpu.memory_space<hbm>> -> memref<8x1024xf32, #tpu.memory_space<hbm>>
    %dma_start3A_19 = arith.constant 0 : i32
    %dma_start3A_20 = tpu.memref_slice %arg2[%dma_start3A_15, %mul3A_4, %dma_start3A_19] : memref<4x8192x1024xf32, #tpu.memory_space<hbm>> -> memref<1x8x1024xf32, #tpu.memory_space<hbm>>
    %dma_start3A_21 = tpu.memref_squeeze %dma_start3A_20 : memref<1x8x1024xf32, #tpu.memory_space<hbm>> -> memref<8x1024xf32, #tpu.memory_space<hbm>>
    tpu.enqueue_dma source(%dma_start3A_21 : memref<8x1024xf32, #tpu.memory_space<hbm>>) target(%arg7 : memref<8x1024xf32, #tpu.memory_space<vmem>>) target_semaphore(%arg17 : memref<!tpu.dma_semaphore, #tpu.memory_space<semaphore_mem>>)
    %dma_start3A_22 = arith.constant 2 : i32
    %dma_start3A_23 = arith.constant 0 : i32
    %dma_start3A_24 = tpu.memref_slice %arg2[%dma_start3A_22, %mul3A_4, %dma_start3A_23] : memref<4x8192x1024xf32, #tpu.memory_space<hbm>> -> memref<1x8x1024xf32, #tpu.memory_space<hbm>>
    %dma_start3A_25 = tpu.memref_squeeze %dma_start3A_24 : memref<1x8x1024xf32, #tpu.memory_space<hbm>> -> memref<8x1024xf32, #tpu.memory_space<hbm>>
    %dma_start3A_26 = arith.constant 0 : i32
    %dma_start3A_27 = tpu.memref_slice %arg2[%dma_start3A_22, %mul3A_4, %dma_start3A_26] : memref<4x8192x1024xf32, #tpu.memory_space<hbm>> -> memref<1x8x1024xf32, #tpu.memory_space<hbm>>
    %dma_start3A_28 = tpu.memref_squeeze %dma_start3A_27 : memref<1x8x1024xf32, #tpu.memory_space<hbm>> -> memref<8x1024xf32, #tpu.memory_space<hbm>>
    tpu.enqueue_dma source(%dma_start3A_28 : memref<8x1024xf32, #tpu.memory_space<hbm>>) target(%arg8 : memref<8x1024xf32, #tpu.memory_space<vmem>>) target_semaphore(%arg18 : memref<!tpu.dma_semaphore, #tpu.memory_space<semaphore_mem>>)
    %dma_start3A_29 = arith.constant 3 : i32
    %dma_start3A_30 = arith.constant 0 : i32
    %dma_start3A_31 = tpu.memref_slice %arg2[%dma_start3A_29, %mul3A_4, %dma_start3A_30] : memref<4x8192x1024xf32, #tpu.memory_space<hbm>> -> memref<1x8x1024xf32, #tpu.memory_space<hbm>>
    %dma_start3A_32 = tpu.memref_squeeze %dma_start3A_31 : memref<1x8x1024xf32, #tpu.memory_space<hbm>> -> memref<8x1024xf32, #tpu.memory_space<hbm>>
    %dma_start3A_33 = arith.constant 0 : i32
    %dma_start3A_34 = tpu.memref_slice %arg2[%dma_start3A_29, %mul3A_4, %dma_start3A_33] : memref<4x8192x1024xf32, #tpu.memory_space<hbm>> -> memref<1x8x1024xf32, #tpu.memory_space<hbm>>
    %dma_start3A_35 = tpu.memref_squeeze %dma_start3A_34 : memref<1x8x1024xf32, #tpu.memory_space<hbm>> -> memref<8x1024xf32, #tpu.memory_space<hbm>>
    tpu.enqueue_dma source(%dma_start3A_35 : memref<8x1024xf32, #tpu.memory_space<hbm>>) target(%arg9 : memref<8x1024xf32, #tpu.memory_space<vmem>>) target_semaphore(%arg19 : memref<!tpu.dma_semaphore, #tpu.memory_space<semaphore_mem>>)
    %scan3A = arith.constant 0 : i32
    %scan3A_36 = arith.constant 0 : i32
    %scan3A_37 = arith.constant 16 : i32
    %scan3A_38 = arith.addi %scan3A_36, %scan3A_37 : i32
    %scan3A_39 = arith.constant 1 : i32
    scf.for %scan3A_70 = %scan3A_36 to %scan3A_38 step %scan3A_39  : i32 {
      %mul3A_71 = arith.constant 2 : i32
      %mul3A_72 = arith.muli %mul3A_71, %scan3A_70 : i32
      %add3A_73 = arith.constant 0 : i32
      %add3A_74 = arith.addi %mul3A_72, %add3A_73 : i32
      %mul3A_75 = arith.constant 8 : i32
      %mul3A_76 = arith.muli %add3A_74, %mul3A_75 : i32
      %add3A_77 = arith.addi %mul3A_4, %mul3A_76 : i32
      %add3A_78 = arith.constant 8 : i32
      %add3A_79 = arith.addi %add3A_77, %add3A_78 : i32
      %add3A_80 = arith.constant 1 : i32
      %add3A_81 = arith.addi %add3A_74, %add3A_80 : i32
      %lt3A = arith.constant 32 : i32
      %lt3A_82 = arith.cmpi slt, %add3A_81, %lt3A : i32
      %convert_element_type3A = arith.extui %lt3A_82 : i1 to i32
      %cond3A = arith.constant 0 : i32
      %cond3A_83 = arith.cmpi ne, %convert_element_type3A, %cond3A : i32
      scf.if %cond3A_83 {
        %dma_start3A_363 = arith.constant 0 : i32
        %dma_start3A_364 = tpu.memref_slice %arg3[%add3A_79, %dma_start3A_363] : memref<8192x1024xf32, #tpu.memory_space<hbm>> -> memref<8x1024xf32, #tpu.memory_space<hbm>>
        %dma_start3A_365 = arith.constant 0 : i32
        %dma_start3A_366 = tpu.memref_slice %arg3[%add3A_79, %dma_start3A_365] : memref<8192x1024xf32, #tpu.memory_space<hbm>> -> memref<8x1024xf32, #tpu.memory_space<hbm>>
        tpu.enqueue_dma source(%dma_start3A_366 : memref<8x1024xf32, #tpu.memory_space<hbm>>) target(%arg15 : memref<8x1024xf32, #tpu.memory_space<vmem>>) target_semaphore(%arg33 : memref<!tpu.dma_semaphore, #tpu.memory_space<semaphore_mem>>)
      } else {
      }
      %dma_wait3A_84 = arith.constant 0 : i32
      %dma_wait3A_85 = tpu.memref_slice %arg3[%add3A_77, %dma_wait3A_84] : memref<8192x1024xf32, #tpu.memory_space<hbm>> -> memref<8x1024xf32, #tpu.memory_space<hbm>>
      %dma_wait3A_86 = arith.constant 0 : i32
      %dma_wait3A_87 = tpu.memref_slice %arg3[%add3A_77, %dma_wait3A_86] : memref<8192x1024xf32, #tpu.memory_space<hbm>> -> memref<8x1024xf32, #tpu.memory_space<hbm>>
      tpu.wait_dma2 semaphore(%arg32 : memref<!tpu.dma_semaphore, #tpu.memory_space<semaphore_mem>>) src(%dma_wait3A_87 : memref<8x1024xf32, #tpu.memory_space<hbm>>) dst(%arg14 : memref<8x1024xf32, #tpu.memory_space<vmem>>)
      %ge3A = arith.constant 1 : i32
      %ge3A_88 = arith.cmpi sge, %add3A_74, %ge3A : i32
      %convert_element_type3A_89 = arith.extui %ge3A_88 : i1 to i32
      %cond3A_90 = arith.constant 0 : i32
      %cond3A_91 = arith.cmpi ne, %convert_element_type3A_89, %cond3A_90 : i32
      scf.if %cond3A_91 {
        %dma_wait3A_363 = arith.constant 0 : i32
        %dma_wait3A_364 = arith.constant 0 : i32
        %dma_wait3A_365 = tpu.memref_slice %arg5[%dma_wait3A_363, %add3A_77, %dma_wait3A_364] : memref<4x8192x1024xf32, #tpu.memory_space<hbm>> -> memref<1x8x1024xf32, #tpu.memory_space<hbm>>
        %dma_wait3A_366 = tpu.memref_squeeze %dma_wait3A_365 : memref<1x8x1024xf32, #tpu.memory_space<hbm>> -> memref<8x1024xf32, #tpu.memory_space<hbm>>
        %dma_wait3A_367 = arith.constant 0 : i32
        %dma_wait3A_368 = tpu.memref_slice %arg5[%dma_wait3A_363, %add3A_77, %dma_wait3A_367] : memref<4x8192x1024xf32, #tpu.memory_space<hbm>> -> memref<1x8x1024xf32, #tpu.memory_space<hbm>>
        %dma_wait3A_369 = tpu.memref_squeeze %dma_wait3A_368 : memref<1x8x1024xf32, #tpu.memory_space<hbm>> -> memref<8x1024xf32, #tpu.memory_space<hbm>>
        tpu.wait_dma2 semaphore(%arg28 : memref<!tpu.dma_semaphore, #tpu.memory_space<semaphore_mem>>) src(%arg10 : memref<8x1024xf32, #tpu.memory_space<vmem>>) dst(%dma_wait3A_369 : memref<8x1024xf32, #tpu.memory_space<hbm>>)
      } else {
      }
      %add3A_92 = arith.constant 1 : i32
      %add3A_93 = arith.addi %add3A_74, %add3A_92 : i32
      %lt3A_94 = arith.constant 32 : i32
      %lt3A_95 = arith.cmpi slt, %add3A_93, %lt3A_94 : i32
      %convert_element_type3A_96 = arith.extui %lt3A_95 : i1 to i32
      %cond3A_97 = arith.constant 0 : i32
      %cond3A_98 = arith.cmpi ne, %convert_element_type3A_96, %cond3A_97 : i32
      scf.if %cond3A_98 {
        %dma_start3A_363 = arith.constant 0 : i32
        %dma_start3A_364 = arith.constant 0 : i32
        %dma_start3A_365 = tpu.memref_slice %arg2[%dma_start3A_363, %add3A_79, %dma_start3A_364] : memref<4x8192x1024xf32, #tpu.memory_space<hbm>> -> memref<1x8x1024xf32, #tpu.memory_space<hbm>>
        %dma_start3A_366 = tpu.memref_squeeze %dma_start3A_365 : memref<1x8x1024xf32, #tpu.memory_space<hbm>> -> memref<8x1024xf32, #tpu.memory_space<hbm>>
        %dma_start3A_367 = arith.constant 0 : i32
        %dma_start3A_368 = tpu.memref_slice %arg2[%dma_start3A_363, %add3A_79, %dma_start3A_367] : memref<4x8192x1024xf32, #tpu.memory_space<hbm>> -> memref<1x8x1024xf32, #tpu.memory_space<hbm>>
        %dma_start3A_369 = tpu.memref_squeeze %dma_start3A_368 : memref<1x8x1024xf32, #tpu.memory_space<hbm>> -> memref<8x1024xf32, #tpu.memory_space<hbm>>
        tpu.enqueue_dma source(%dma_start3A_369 : memref<8x1024xf32, #tpu.memory_space<hbm>>) target(%arg10 : memref<8x1024xf32, #tpu.memory_space<vmem>>) target_semaphore(%arg20 : memref<!tpu.dma_semaphore, #tpu.memory_space<semaphore_mem>>)
      } else {
      }
      %dma_wait3A_99 = arith.constant 0 : i32
      %dma_wait3A_100 = arith.constant 0 : i32
      %dma_wait3A_101 = tpu.memref_slice %arg2[%dma_wait3A_99, %add3A_77, %dma_wait3A_100] : memref<4x8192x1024xf32, #tpu.memory_space<hbm>> -> memref<1x8x1024xf32, #tpu.memory_space<hbm>>
      %dma_wait3A_102 = tpu.memref_squeeze %dma_wait3A_101 : memref<1x8x1024xf32, #tpu.memory_space<hbm>> -> memref<8x1024xf32, #tpu.memory_space<hbm>>
      %dma_wait3A_103 = arith.constant 0 : i32
      %dma_wait3A_104 = tpu.memref_slice %arg2[%dma_wait3A_99, %add3A_77, %dma_wait3A_103] : memref<4x8192x1024xf32, #tpu.memory_space<hbm>> -> memref<1x8x1024xf32, #tpu.memory_space<hbm>>
      %dma_wait3A_105 = tpu.memref_squeeze %dma_wait3A_104 : memref<1x8x1024xf32, #tpu.memory_space<hbm>> -> memref<8x1024xf32, #tpu.memory_space<hbm>>
      tpu.wait_dma2 semaphore(%arg16 : memref<!tpu.dma_semaphore, #tpu.memory_space<semaphore_mem>>) src(%dma_wait3A_105 : memref<8x1024xf32, #tpu.memory_space<hbm>>) dst(%arg6 : memref<8x1024xf32, #tpu.memory_space<vmem>>)
      %scan3A_106 = arith.constant 0 : i32
      %scan3A_107 = arith.constant 0 : i32
      %scan3A_108 = arith.constant 8 : i32
      %scan3A_109 = arith.addi %scan3A_107, %scan3A_108 : i32
      %scan3A_110 = arith.constant 1 : i32
      scf.for %scan3A_363 = %scan3A_107 to %scan3A_109 step %scan3A_110  : i32 {
        %scan3A_364 = arith.constant 0 : i32
        %scan3A_365 = arith.constant 8 : i32
        %scan3A_366 = arith.addi %scan3A_364, %scan3A_365 : i32
        %scan3A_367 = arith.constant 1 : i32
        scf.for %scan3A_369 = %scan3A_364 to %scan3A_366 step %scan3A_367  : i32 {
          %mul3A_370 = arith.constant 128 : i32
          %mul3A_371 = arith.muli %scan3A_369, %mul3A_370 : i32
          %add3A_372 = arith.constant 0 : i32
          %add3A_373 = arith.addi %mul3A_371, %add3A_372 : i32
          %add3A_374 = arith.constant 16 : i32
          %add3A_375 = arith.addi %mul3A_371, %add3A_374 : i32
          %add3A_376 = arith.constant 32 : i32
          %add3A_377 = arith.addi %mul3A_371, %add3A_376 : i32
          %add3A_378 = arith.constant 48 : i32
          %add3A_379 = arith.addi %mul3A_371, %add3A_378 : i32
          %add3A_380 = arith.constant 64 : i32
          %add3A_381 = arith.addi %mul3A_371, %add3A_380 : i32
          %add3A_382 = arith.constant 80 : i32
          %add3A_383 = arith.addi %mul3A_371, %add3A_382 : i32
          %add3A_384 = arith.constant 96 : i32
          %add3A_385 = arith.addi %mul3A_371, %add3A_384 : i32
          %add3A_386 = arith.constant 112 : i32
          %add3A_387 = arith.addi %mul3A_371, %add3A_386 : i32
          %get3A_388 = arith.index_cast %scan3A_363 : i32 to index
          %get3A_389 = arith.index_cast %add3A_373 : i32 to index
          %get3A_390 = tpu.vector_load %arg6[%get3A_388, %get3A_389] {strides = array<i32>} : memref<8x1024xf32, #tpu.memory_space<vmem>>, vector<1x16xf32>,
          %get3A_391 = vector.shape_cast %get3A_390 : vector<1x16xf32> to vector<16xf32>
          %get3A_392 = arith.index_cast %scan3A_363 : i32 to index
          %get3A_393 = arith.index_cast %add3A_375 : i32 to index
          %get3A_394 = tpu.vector_load %arg6[%get3A_392, %get3A_393] {strides = array<i32>} : memref<8x1024xf32, #tpu.memory_space<vmem>>, vector<1x16xf32>,
          %get3A_395 = vector.shape_cast %get3A_394 : vector<1x16xf32> to vector<16xf32>
          %get3A_396 = arith.index_cast %scan3A_363 : i32 to index
          %get3A_397 = arith.index_cast %add3A_377 : i32 to index
          %get3A_398 = tpu.vector_load %arg6[%get3A_396, %get3A_397] {strides = array<i32>} : memref<8x1024xf32, #tpu.memory_space<vmem>>, vector<1x16xf32>,
          %get3A_399 = vector.shape_cast %get3A_398 : vector<1x16xf32> to vector<16xf32>
          %get3A_400 = arith.index_cast %scan3A_363 : i32 to index
          %get3A_401 = arith.index_cast %add3A_379 : i32 to index
          %get3A_402 = tpu.vector_load %arg6[%get3A_400, %get3A_401] {strides = array<i32>} : memref<8x1024xf32, #tpu.memory_space<vmem>>, vector<1x16xf32>,
          %get3A_403 = vector.shape_cast %get3A_402 : vector<1x16xf32> to vector<16xf32>
          %get3A_404 = arith.index_cast %scan3A_363 : i32 to index
          %get3A_405 = arith.index_cast %add3A_381 : i32 to index
          %get3A_406 = tpu.vector_load %arg6[%get3A_404, %get3A_405] {strides = array<i32>} : memref<8x1024xf32, #tpu.memory_space<vmem>>, vector<1x16xf32>,
          %get3A_407 = vector.shape_cast %get3A_406 : vector<1x16xf32> to vector<16xf32>
          %get3A_408 = arith.index_cast %scan3A_363 : i32 to index
          %get3A_409 = arith.index_cast %add3A_383 : i32 to index
          %get3A_410 = tpu.vector_load %arg6[%get3A_408, %get3A_409] {strides = array<i32>} : memref<8x1024xf32, #tpu.memory_space<vmem>>, vector<1x16xf32>,
          %get3A_411 = vector.shape_cast %get3A_410 : vector<1x16xf32> to vector<16xf32>
          %get3A_412 = arith.index_cast %scan3A_363 : i32 to index
          %get3A_413 = arith.index_cast %add3A_385 : i32 to index
          %get3A_414 = tpu.vector_load %arg6[%get3A_412, %get3A_413] {strides = array<i32>} : memref<8x1024xf32, #tpu.memory_space<vmem>>, vector<1x16xf32>,
          %get3A_415 = vector.shape_cast %get3A_414 : vector<1x16xf32> to vector<16xf32>
          %get3A_416 = arith.index_cast %scan3A_363 : i32 to index
          %get3A_417 = arith.index_cast %add3A_387 : i32 to index
          %get3A_418 = tpu.vector_load %arg6[%get3A_416, %get3A_417] {strides = array<i32>} : memref<8x1024xf32, #tpu.memory_space<vmem>>, vector<1x16xf32>,
          %get3A_419 = vector.shape_cast %get3A_418 : vector<1x16xf32> to vector<16xf32>
          %get3A_420 = arith.index_cast %scan3A_363 : i32 to index
          %get3A_421 = arith.index_cast %add3A_373 : i32 to index
          %get3A_422 = tpu.vector_load %arg14[%get3A_420, %get3A_421] {strides = array<i32>} : memref<8x1024xf32, #tpu.memory_space<vmem>>, vector<1x16xf32>,
          %get3A_423 = vector.shape_cast %get3A_422 : vector<1x16xf32> to vector<16xf32>
          %get3A_424 = arith.index_cast %scan3A_363 : i32 to index
          %get3A_425 = arith.index_cast %add3A_375 : i32 to index
          %get3A_426 = tpu.vector_load %arg14[%get3A_424, %get3A_425] {strides = array<i32>} : memref<8x1024xf32, #tpu.memory_space<vmem>>, vector<1x16xf32>,
          %get3A_427 = vector.shape_cast %get3A_426 : vector<1x16xf32> to vector<16xf32>
          %get3A_428 = arith.index_cast %scan3A_363 : i32 to index
          %get3A_429 = arith.index_cast %add3A_377 : i32 to index
          %get3A_430 = tpu.vector_load %arg14[%get3A_428, %get3A_429] {strides = array<i32>} : memref<8x1024xf32, #tpu.memory_space<vmem>>, vector<1x16xf32>,
          %get3A_431 = vector.shape_cast %get3A_430 : vector<1x16xf32> to vector<16xf32>
          %get3A_432 = arith.index_cast %scan3A_363 : i32 to index
          %get3A_433 = arith.index_cast %add3A_379 : i32 to index
          %get3A_434 = tpu.vector_load %arg14[%get3A_432, %get3A_433] {strides = array<i32>} : memref<8x1024xf32, #tpu.memory_space<vmem>>, vector<1x16xf32>,
          %get3A_435 = vector.shape_cast %get3A_434 : vector<1x16xf32> to vector<16xf32>
          %get3A_436 = arith.index_cast %scan3A_363 : i32 to index
          %get3A_437 = arith.index_cast %add3A_381 : i32 to index
          %get3A_438 = tpu.vector_load %arg14[%get3A_436, %get3A_437] {strides = array<i32>} : memref<8x1024xf32, #tpu.memory_space<vmem>>, vector<1x16xf32>,
          %get3A_439 = vector.shape_cast %get3A_438 : vector<1x16xf32> to vector<16xf32>
          %get3A_440 = arith.index_cast %scan3A_363 : i32 to index
          %get3A_441 = arith.index_cast %add3A_383 : i32 to index
          %get3A_442 = tpu.vector_load %arg14[%get3A_440, %get3A_441] {strides = array<i32>} : memref<8x1024xf32, #tpu.memory_space<vmem>>, vector<1x16xf32>,
          %get3A_443 = vector.shape_cast %get3A_442 : vector<1x16xf32> to vector<16xf32>
          %get3A_444 = arith.index_cast %scan3A_363 : i32 to index
          %get3A_445 = arith.index_cast %add3A_385 : i32 to index
          %get3A_446 = tpu.vector_load %arg14[%get3A_444, %get3A_445] {strides = array<i32>} : memref<8x1024xf32, #tpu.memory_space<vmem>>, vector<1x16xf32>,
          %get3A_447 = vector.shape_cast %get3A_446 : vector<1x16xf32> to vector<16xf32>
          %get3A_448 = arith.index_cast %scan3A_363 : i32 to index
          %get3A_449 = arith.index_cast %add3A_387 : i32 to index
          %get3A_450 = tpu.vector_load %arg14[%get3A_448, %get3A_449] {strides = array<i32>} : memref<8x1024xf32, #tpu.memory_space<vmem>>, vector<1x16xf32>,
          %get3A_451 = vector.shape_cast %get3A_450 : vector<1x16xf32> to vector<16xf32>
          %mul3A_452 = vector.broadcast %squeeze3A : f32 to vector<16xf32>
          %mul3A_453 = arith.mulf %get3A_391, %mul3A_452 : vector<16xf32>
          %add3A_454 = arith.addf %mul3A_453, %get3A_423 : vector<16xf32>
          %mul3A_455 = vector.broadcast %squeeze3A : f32 to vector<16xf32>
          %mul3A_456 = arith.mulf %get3A_395, %mul3A_455 : vector<16xf32>
          %add3A_457 = arith.addf %mul3A_456, %get3A_427 : vector<16xf32>
          %mul3A_458 = vector.broadcast %squeeze3A : f32 to vector<16xf32>
          %mul3A_459 = arith.mulf %get3A_399, %mul3A_458 : vector<16xf32>
          %add3A_460 = arith.addf %mul3A_459, %get3A_431 : vector<16xf32>
          %mul3A_461 = vector.broadcast %squeeze3A : f32 to vector<16xf32>
          %mul3A_462 = arith.mulf %get3A_403, %mul3A_461 : vector<16xf32>
          %add3A_463 = arith.addf %mul3A_462, %get3A_435 : vector<16xf32>
          %mul3A_464 = vector.broadcast %squeeze3A : f32 to vector<16xf32>
          %mul3A_465 = arith.mulf %get3A_407, %mul3A_464 : vector<16xf32>
          %add3A_466 = arith.addf %mul3A_465, %get3A_439 : vector<16xf32>
          %mul3A_467 = vector.broadcast %squeeze3A : f32 to vector<16xf32>
          %mul3A_468 = arith.mulf %get3A_411, %mul3A_467 : vector<16xf32>
          %add3A_469 = arith.addf %mul3A_468, %get3A_443 : vector<16xf32>
          %mul3A_470 = vector.broadcast %squeeze3A : f32 to vector<16xf32>
          %mul3A_471 = arith.mulf %get3A_415, %mul3A_470 : vector<16xf32>
          %add3A_472 = arith.addf %mul3A_471, %get3A_447 : vector<16xf32>
          %mul3A_473 = vector.broadcast %squeeze3A : f32 to vector<16xf32>
          %mul3A_474 = arith.mulf %get3A_419, %mul3A_473 : vector<16xf32>
          %add3A_475 = arith.addf %mul3A_474, %get3A_451 : vector<16xf32>
          %swap3A = arith.index_cast %scan3A_363 : i32 to index
          %swap3A_476 = arith.index_cast %add3A_373 : i32 to index
          %swap3A_477 = tpu.vector_load %arg6[%swap3A, %swap3A_476] {strides = array<i32>} : memref<8x1024xf32, #tpu.memory_space<vmem>>, vector<1x16xf32>,
          %swap3A_478 = vector.shape_cast %swap3A_477 : vector<1x16xf32> to vector<16xf32>
          %swap3A_479 = vector.shape_cast %add3A_454 : vector<16xf32> to vector<1x16xf32>
          tpu.vector_store %arg6[%swap3A, %swap3A_476], %swap3A_479 {strides = array<i32>} : memref<8x1024xf32, #tpu.memory_space<vmem>>, vector<1x16xf32>,
          %swap3A_480 = arith.index_cast %scan3A_363 : i32 to index
          %swap3A_481 = arith.index_cast %add3A_375 : i32 to index
          %swap3A_482 = tpu.vector_load %arg6[%swap3A_480, %swap3A_481] {strides = array<i32>} : memref<8x1024xf32, #tpu.memory_space<vmem>>, vector<1x16xf32>,
          %swap3A_483 = vector.shape_cast %swap3A_482 : vector<1x16xf32> to vector<16xf32>
          %swap3A_484 = vector.shape_cast %add3A_457 : vector<16xf32> to vector<1x16xf32>
          tpu.vector_store %arg6[%swap3A_480, %swap3A_481], %swap3A_484 {strides = array<i32>} : memref<8x1024xf32, #tpu.memory_space<vmem>>, vector<1x16xf32>,
          %swap3A_485 = arith.index_cast %scan3A_363 : i32 to index
          %swap3A_486 = arith.index_cast %add3A_377 : i32 to index
          %swap3A_487 = tpu.vector_load %arg6[%swap3A_485, %swap3A_486] {strides = array<i32>} : memref<8x1024xf32, #tpu.memory_space<vmem>>, vector<1x16xf32>,
          %swap3A_488 = vector.shape_cast %swap3A_487 : vector<1x16xf32> to vector<16xf32>
          %swap3A_489 = vector.shape_cast %add3A_460 : vector<16xf32> to vector<1x16xf32>
          tpu.vector_store %arg6[%swap3A_485, %swap3A_486], %swap3A_489 {strides = array<i32>} : memref<8x1024xf32, #tpu.memory_space<vmem>>, vector<1x16xf32>,
          %swap3A_490 = arith.index_cast %scan3A_363 : i32 to index
          %swap3A_491 = arith.index_cast %add3A_379 : i32 to index
          %swap3A_492 = tpu.vector_load %arg6[%swap3A_490, %swap3A_491] {strides = array<i32>} : memref<8x1024xf32, #tpu.memory_space<vmem>>, vector<1x16xf32>,
          %swap3A_493 = vector.shape_cast %swap3A_492 : vector<1x16xf32> to vector<16xf32>
          %swap3A_494 = vector.shape_cast %add3A_463 : vector<16xf32> to vector<1x16xf32>
          tpu.vector_store %arg6[%swap3A_490, %swap3A_491], %swap3A_494 {strides = array<i32>} : memref<8x1024xf32, #tpu.memory_space<vmem>>, vector<1x16xf32>,
          %swap3A_495 = arith.index_cast %scan3A_363 : i32 to index
          %swap3A_496 = arith.index_cast %add3A_381 : i32 to index
          %swap3A_497 = tpu.vector_load %arg6[%swap3A_495, %swap3A_496] {strides = array<i32>} : memref<8x1024xf32, #tpu.memory_space<vmem>>, vector<1x16xf32>,
          %swap3A_498 = vector.shape_cast %swap3A_497 : vector<1x16xf32> to vector<16xf32>
          %swap3A_499 = vector.shape_cast %add3A_466 : vector<16xf32> to vector<1x16xf32>
          tpu.vector_store %arg6[%swap3A_495, %swap3A_496], %swap3A_499 {strides = array<i32>} : memref<8x1024xf32, #tpu.memory_space<vmem>>, vector<1x16xf32>,
          %swap3A_500 = arith.index_cast %scan3A_363 : i32 to index
          %swap3A_501 = arith.index_cast %add3A_383 : i32 to index
          %swap3A_502 = tpu.vector_load %arg6[%swap3A_500, %swap3A_501] {strides = array<i32>} : memref<8x1024xf32, #tpu.memory_space<vmem>>, vector<1x16xf32>,
          %swap3A_503 = vector.shape_cast %swap3A_502 : vector<1x16xf32> to vector<16xf32>
          %swap3A_504 = vector.shape_cast %add3A_469 : vector<16xf32> to vector<1x16xf32>
          tpu.vector_store %arg6[%swap3A_500, %swap3A_501], %swap3A_504 {strides = array<i32>} : memref<8x1024xf32, #tpu.memory_space<vmem>>, vector<1x16xf32>,
          %swap3A_505 = arith.index_cast %scan3A_363 : i32 to index
          %swap3A_506 = arith.index_cast %add3A_385 : i32 to index
          %swap3A_507 = tpu.vector_load %arg6[%swap3A_505, %swap3A_506] {strides = array<i32>} : memref<8x1024xf32, #tpu.memory_space<vmem>>, vector<1x16xf32>,
          %swap3A_508 = vector.shape_cast %swap3A_507 : vector<1x16xf32> to vector<16xf32>
          %swap3A_509 = vector.shape_cast %add3A_472 : vector<16xf32> to vector<1x16xf32>
          tpu.vector_store %arg6[%swap3A_505, %swap3A_506], %swap3A_509 {strides = array<i32>} : memref<8x1024xf32, #tpu.memory_space<vmem>>, vector<1x16xf32>,
          %swap3A_510 = arith.index_cast %scan3A_363 : i32 to index
          %swap3A_511 = arith.index_cast %add3A_387 : i32 to index
          %swap3A_512 = tpu.vector_load %arg6[%swap3A_510, %swap3A_511] {strides = array<i32>} : memref<8x1024xf32, #tpu.memory_space<vmem>>, vector<1x16xf32>,
          %swap3A_513 = vector.shape_cast %swap3A_512 : vector<1x16xf32> to vector<16xf32>
          %swap3A_514 = vector.shape_cast %add3A_475 : vector<16xf32> to vector<1x16xf32>
          tpu.vector_store %arg6[%swap3A_510, %swap3A_511], %swap3A_514 {strides = array<i32>} : memref<8x1024xf32, #tpu.memory_space<vmem>>, vector<1x16xf32>,
        }
        %scan3A_368 = arith.constant 8 : i32
      }
      %scan3A_111 = arith.constant 8 : i32
      %dma_start3A_112 = arith.constant 0 : i32
      %dma_start3A_113 = arith.constant 0 : i32
      %dma_start3A_114 = tpu.memref_slice %arg5[%dma_start3A_112, %add3A_77, %dma_start3A_113] : memref<4x8192x1024xf32, #tpu.memory_space<hbm>> -> memref<1x8x1024xf32, #tpu.memory_space<hbm>>
      %dma_start3A_115 = tpu.memref_squeeze %dma_start3A_114 : memref<1x8x1024xf32, #tpu.memory_space<hbm>> -> memref<8x1024xf32, #tpu.memory_space<hbm>>
      %dma_start3A_116 = arith.constant 0 : i32
      %dma_start3A_117 = tpu.memref_slice %arg5[%dma_start3A_112, %add3A_77, %dma_start3A_116] : memref<4x8192x1024xf32, #tpu.memory_space<hbm>> -> memref<1x8x1024xf32, #tpu.memory_space<hbm>>
      %dma_start3A_118 = tpu.memref_squeeze %dma_start3A_117 : memref<1x8x1024xf32, #tpu.memory_space<hbm>> -> memref<8x1024xf32, #tpu.memory_space<hbm>>
      tpu.enqueue_dma source(%arg6 : memref<8x1024xf32, #tpu.memory_space<vmem>>) target(%dma_start3A_118 : memref<8x1024xf32, #tpu.memory_space<hbm>>) target_semaphore(%arg24 : memref<!tpu.dma_semaphore, #tpu.memory_space<semaphore_mem>>)
      %ge3A_119 = arith.constant 1 : i32
      %ge3A_120 = arith.cmpi sge, %add3A_74, %ge3A_119 : i32
      %convert_element_type3A_121 = arith.extui %ge3A_120 : i1 to i32
      %cond3A_122 = arith.constant 0 : i32
      %cond3A_123 = arith.cmpi ne, %convert_element_type3A_121, %cond3A_122 : i32
      scf.if %cond3A_123 {
        %dma_wait3A_363 = arith.constant 1 : i32
        %dma_wait3A_364 = arith.constant 0 : i32
        %dma_wait3A_365 = tpu.memref_slice %arg5[%dma_wait3A_363, %add3A_77, %dma_wait3A_364] : memref<4x8192x1024xf32, #tpu.memory_space<hbm>> -> memref<1x8x1024xf32, #tpu.memory_space<hbm>>
        %dma_wait3A_366 = tpu.memref_squeeze %dma_wait3A_365 : memref<1x8x1024xf32, #tpu.memory_space<hbm>> -> memref<8x1024xf32, #tpu.memory_space<hbm>>
        %dma_wait3A_367 = arith.constant 0 : i32
        %dma_wait3A_368 = tpu.memref_slice %arg5[%dma_wait3A_363, %add3A_77, %dma_wait3A_367] : memref<4x8192x1024xf32, #tpu.memory_space<hbm>> -> memref<1x8x1024xf32, #tpu.memory_space<hbm>>
        %dma_wait3A_369 = tpu.memref_squeeze %dma_wait3A_368 : memref<1x8x1024xf32, #tpu.memory_space<hbm>> -> memref<8x1024xf32, #tpu.memory_space<hbm>>
        tpu.wait_dma2 semaphore(%arg29 : memref<!tpu.dma_semaphore, #tpu.memory_space<semaphore_mem>>) src(%arg11 : memref<8x1024xf32, #tpu.memory_space<vmem>>) dst(%dma_wait3A_369 : memref<8x1024xf32, #tpu.memory_space<hbm>>)
      } else {
      }
      %add3A_124 = arith.constant 1 : i32
      %add3A_125 = arith.addi %add3A_74, %add3A_124 : i32
      %lt3A_126 = arith.constant 32 : i32
      %lt3A_127 = arith.cmpi slt, %add3A_125, %lt3A_126 : i32
      %convert_element_type3A_128 = arith.extui %lt3A_127 : i1 to i32
      %cond3A_129 = arith.constant 0 : i32
      %cond3A_130 = arith.cmpi ne, %convert_element_type3A_128, %cond3A_129 : i32
      scf.if %cond3A_130 {
        %dma_start3A_363 = arith.constant 1 : i32
        %dma_start3A_364 = arith.constant 0 : i32
        %dma_start3A_365 = tpu.memref_slice %arg2[%dma_start3A_363, %add3A_79, %dma_start3A_364] : memref<4x8192x1024xf32, #tpu.memory_space<hbm>> -> memref<1x8x1024xf32, #tpu.memory_space<hbm>>
        %dma_start3A_366 = tpu.memref_squeeze %dma_start3A_365 : memref<1x8x1024xf32, #tpu.memory_space<hbm>> -> memref<8x1024xf32, #tpu.memory_space<hbm>>
        %dma_start3A_367 = arith.constant 0 : i32
        %dma_start3A_368 = tpu.memref_slice %arg2[%dma_start3A_363, %add3A_79, %dma_start3A_367] : memref<4x8192x1024xf32, #tpu.memory_space<hbm>> -> memref<1x8x1024xf32, #tpu.memory_space<hbm>>
        %dma_start3A_369 = tpu.memref_squeeze %dma_start3A_368 : memref<1x8x1024xf32, #tpu.memory_space<hbm>> -> memref<8x1024xf32, #tpu.memory_space<hbm>>
        tpu.enqueue_dma source(%dma_start3A_369 : memref<8x1024xf32, #tpu.memory_space<hbm>>) target(%arg11 : memref<8x1024xf32, #tpu.memory_space<vmem>>) target_semaphore(%arg21 : memref<!tpu.dma_semaphore, #tpu.memory_space<semaphore_mem>>)
      } else {
      }
      %dma_wait3A_131 = arith.constant 1 : i32
      %dma_wait3A_132 = arith.constant 0 : i32
      %dma_wait3A_133 = tpu.memref_slice %arg2[%dma_wait3A_131, %add3A_77, %dma_wait3A_132] : memref<4x8192x1024xf32, #tpu.memory_space<hbm>> -> memref<1x8x1024xf32, #tpu.memory_space<hbm>>
      %dma_wait3A_134 = tpu.memref_squeeze %dma_wait3A_133 : memref<1x8x1024xf32, #tpu.memory_space<hbm>> -> memref<8x1024xf32, #tpu.memory_space<hbm>>
      %dma_wait3A_135 = arith.constant 0 : i32
      %dma_wait3A_136 = tpu.memref_slice %arg2[%dma_wait3A_131, %add3A_77, %dma_wait3A_135] : memref<4x8192x1024xf32, #tpu.memory_space<hbm>> -> memref<1x8x1024xf32, #tpu.memory_space<hbm>>
      %dma_wait3A_137 = tpu.memref_squeeze %dma_wait3A_136 : memref<1x8x1024xf32, #tpu.memory_space<hbm>> -> memref<8x1024xf32, #tpu.memory_space<hbm>>
      tpu.wait_dma2 semaphore(%arg17 : memref<!tpu.dma_semaphore, #tpu.memory_space<semaphore_mem>>) src(%dma_wait3A_137 : memref<8x1024xf32, #tpu.memory_space<hbm>>) dst(%arg7 : memref<8x1024xf32, #tpu.memory_space<vmem>>)
      %scan3A_138 = arith.constant 0 : i32
      %scan3A_139 = arith.constant 0 : i32
      %scan3A_140 = arith.constant 8 : i32
      %scan3A_141 = arith.addi %scan3A_139, %scan3A_140 : i32
      %scan3A_142 = arith.constant 1 : i32
      scf.for %scan3A_363 = %scan3A_139 to %scan3A_141 step %scan3A_142  : i32 {
        %scan3A_364 = arith.constant 0 : i32
        %scan3A_365 = arith.constant 8 : i32
        %scan3A_366 = arith.addi %scan3A_364, %scan3A_365 : i32
        %scan3A_367 = arith.constant 1 : i32
        scf.for %scan3A_369 = %scan3A_364 to %scan3A_366 step %scan3A_367  : i32 {
          %mul3A_370 = arith.constant 128 : i32
          %mul3A_371 = arith.muli %scan3A_369, %mul3A_370 : i32
          %add3A_372 = arith.constant 0 : i32
          %add3A_373 = arith.addi %mul3A_371, %add3A_372 : i32
          %add3A_374 = arith.constant 16 : i32
          %add3A_375 = arith.addi %mul3A_371, %add3A_374 : i32
          %add3A_376 = arith.constant 32 : i32
          %add3A_377 = arith.addi %mul3A_371, %add3A_376 : i32
          %add3A_378 = arith.constant 48 : i32
          %add3A_379 = arith.addi %mul3A_371, %add3A_378 : i32
          %add3A_380 = arith.constant 64 : i32
          %add3A_381 = arith.addi %mul3A_371, %add3A_380 : i32
          %add3A_382 = arith.constant 80 : i32
          %add3A_383 = arith.addi %mul3A_371, %add3A_382 : i32
          %add3A_384 = arith.constant 96 : i32
          %add3A_385 = arith.addi %mul3A_371, %add3A_384 : i32
          %add3A_386 = arith.constant 112 : i32
          %add3A_387 = arith.addi %mul3A_371, %add3A_386 : i32
          %get3A_388 = arith.index_cast %scan3A_363 : i32 to index
          %get3A_389 = arith.index_cast %add3A_373 : i32 to index
          %get3A_390 = tpu.vector_load %arg7[%get3A_388, %get3A_389] {strides = array<i32>} : memref<8x1024xf32, #tpu.memory_space<vmem>>, vector<1x16xf32>,
          %get3A_391 = vector.shape_cast %get3A_390 : vector<1x16xf32> to vector<16xf32>
          %get3A_392 = arith.index_cast %scan3A_363 : i32 to index
          %get3A_393 = arith.index_cast %add3A_375 : i32 to index
          %get3A_394 = tpu.vector_load %arg7[%get3A_392, %get3A_393] {strides = array<i32>} : memref<8x1024xf32, #tpu.memory_space<vmem>>, vector<1x16xf32>,
          %get3A_395 = vector.shape_cast %get3A_394 : vector<1x16xf32> to vector<16xf32>
          %get3A_396 = arith.index_cast %scan3A_363 : i32 to index
          %get3A_397 = arith.index_cast %add3A_377 : i32 to index
          %get3A_398 = tpu.vector_load %arg7[%get3A_396, %get3A_397] {strides = array<i32>} : memref<8x1024xf32, #tpu.memory_space<vmem>>, vector<1x16xf32>,
          %get3A_399 = vector.shape_cast %get3A_398 : vector<1x16xf32> to vector<16xf32>
          %get3A_400 = arith.index_cast %scan3A_363 : i32 to index
          %get3A_401 = arith.index_cast %add3A_379 : i32 to index
          %get3A_402 = tpu.vector_load %arg7[%get3A_400, %get3A_401] {strides = array<i32>} : memref<8x1024xf32, #tpu.memory_space<vmem>>, vector<1x16xf32>,
          %get3A_403 = vector.shape_cast %get3A_402 : vector<1x16xf32> to vector<16xf32>
          %get3A_404 = arith.index_cast %scan3A_363 : i32 to index
          %get3A_405 = arith.index_cast %add3A_381 : i32 to index
          %get3A_406 = tpu.vector_load %arg7[%get3A_404, %get3A_405] {strides = array<i32>} : memref<8x1024xf32, #tpu.memory_space<vmem>>, vector<1x16xf32>,
          %get3A_407 = vector.shape_cast %get3A_406 : vector<1x16xf32> to vector<16xf32>
          %get3A_408 = arith.index_cast %scan3A_363 : i32 to index
          %get3A_409 = arith.index_cast %add3A_383 : i32 to index
          %get3A_410 = tpu.vector_load %arg7[%get3A_408, %get3A_409] {strides = array<i32>} : memref<8x1024xf32, #tpu.memory_space<vmem>>, vector<1x16xf32>,
          %get3A_411 = vector.shape_cast %get3A_410 : vector<1x16xf32> to vector<16xf32>
          %get3A_412 = arith.index_cast %scan3A_363 : i32 to index
          %get3A_413 = arith.index_cast %add3A_385 : i32 to index
          %get3A_414 = tpu.vector_load %arg7[%get3A_412, %get3A_413] {strides = array<i32>} : memref<8x1024xf32, #tpu.memory_space<vmem>>, vector<1x16xf32>,
          %get3A_415 = vector.shape_cast %get3A_414 : vector<1x16xf32> to vector<16xf32>
          %get3A_416 = arith.index_cast %scan3A_363 : i32 to index
          %get3A_417 = arith.index_cast %add3A_387 : i32 to index
          %get3A_418 = tpu.vector_load %arg7[%get3A_416, %get3A_417] {strides = array<i32>} : memref<8x1024xf32, #tpu.memory_space<vmem>>, vector<1x16xf32>,
          %get3A_419 = vector.shape_cast %get3A_418 : vector<1x16xf32> to vector<16xf32>
          %get3A_420 = arith.index_cast %scan3A_363 : i32 to index
          %get3A_421 = arith.index_cast %add3A_373 : i32 to index
          %get3A_422 = tpu.vector_load %arg14[%get3A_420, %get3A_421] {strides = array<i32>} : memref<8x1024xf32, #tpu.memory_space<vmem>>, vector<1x16xf32>,
          %get3A_423 = vector.shape_cast %get3A_422 : vector<1x16xf32> to vector<16xf32>
          %get3A_424 = arith.index_cast %scan3A_363 : i32 to index
          %get3A_425 = arith.index_cast %add3A_375 : i32 to index
          %get3A_426 = tpu.vector_load %arg14[%get3A_424, %get3A_425] {strides = array<i32>} : memref<8x1024xf32, #tpu.memory_space<vmem>>, vector<1x16xf32>,
          %get3A_427 = vector.shape_cast %get3A_426 : vector<1x16xf32> to vector<16xf32>
          %get3A_428 = arith.index_cast %scan3A_363 : i32 to index
          %get3A_429 = arith.index_cast %add3A_377 : i32 to index
          %get3A_430 = tpu.vector_load %arg14[%get3A_428, %get3A_429] {strides = array<i32>} : memref<8x1024xf32, #tpu.memory_space<vmem>>, vector<1x16xf32>,
          %get3A_431 = vector.shape_cast %get3A_430 : vector<1x16xf32> to vector<16xf32>
          %get3A_432 = arith.index_cast %scan3A_363 : i32 to index
          %get3A_433 = arith.index_cast %add3A_379 : i32 to index
          %get3A_434 = tpu.vector_load %arg14[%get3A_432, %get3A_433] {strides = array<i32>} : memref<8x1024xf32, #tpu.memory_space<vmem>>, vector<1x16xf32>,
          %get3A_435 = vector.shape_cast %get3A_434 : vector<1x16xf32> to vector<16xf32>
          %get3A_436 = arith.index_cast %scan3A_363 : i32 to index
          %get3A_437 = arith.index_cast %add3A_381 : i32 to index
          %get3A_438 = tpu.vector_load %arg14[%get3A_436, %get3A_437] {strides = array<i32>} : memref<8x1024xf32, #tpu.memory_space<vmem>>, vector<1x16xf32>,
          %get3A_439 = vector.shape_cast %get3A_438 : vector<1x16xf32> to vector<16xf32>
          %get3A_440 = arith.index_cast %scan3A_363 : i32 to index
          %get3A_441 = arith.index_cast %add3A_383 : i32 to index
          %get3A_442 = tpu.vector_load %arg14[%get3A_440, %get3A_441] {strides = array<i32>} : memref<8x1024xf32, #tpu.memory_space<vmem>>, vector<1x16xf32>,
          %get3A_443 = vector.shape_cast %get3A_442 : vector<1x16xf32> to vector<16xf32>
          %get3A_444 = arith.index_cast %scan3A_363 : i32 to index
          %get3A_445 = arith.index_cast %add3A_385 : i32 to index
          %get3A_446 = tpu.vector_load %arg14[%get3A_444, %get3A_445] {strides = array<i32>} : memref<8x1024xf32, #tpu.memory_space<vmem>>, vector<1x16xf32>,
          %get3A_447 = vector.shape_cast %get3A_446 : vector<1x16xf32> to vector<16xf32>
          %get3A_448 = arith.index_cast %scan3A_363 : i32 to index
          %get3A_449 = arith.index_cast %add3A_387 : i32 to index
          %get3A_450 = tpu.vector_load %arg14[%get3A_448, %get3A_449] {strides = array<i32>} : memref<8x1024xf32, #tpu.memory_space<vmem>>, vector<1x16xf32>,
          %get3A_451 = vector.shape_cast %get3A_450 : vector<1x16xf32> to vector<16xf32>
          %mul3A_452 = vector.broadcast %squeeze3A : f32 to vector<16xf32>
          %mul3A_453 = arith.mulf %get3A_391, %mul3A_452 : vector<16xf32>
          %add3A_454 = arith.addf %mul3A_453, %get3A_423 : vector<16xf32>
          %mul3A_455 = vector.broadcast %squeeze3A : f32 to vector<16xf32>
          %mul3A_456 = arith.mulf %get3A_395, %mul3A_455 : vector<16xf32>
          %add3A_457 = arith.addf %mul3A_456, %get3A_427 : vector<16xf32>
          %mul3A_458 = vector.broadcast %squeeze3A : f32 to vector<16xf32>
          %mul3A_459 = arith.mulf %get3A_399, %mul3A_458 : vector<16xf32>
          %add3A_460 = arith.addf %mul3A_459, %get3A_431 : vector<16xf32>
          %mul3A_461 = vector.broadcast %squeeze3A : f32 to vector<16xf32>
          %mul3A_462 = arith.mulf %get3A_403, %mul3A_461 : vector<16xf32>
          %add3A_463 = arith.addf %mul3A_462, %get3A_435 : vector<16xf32>
          %mul3A_464 = vector.broadcast %squeeze3A : f32 to vector<16xf32>
          %mul3A_465 = arith.mulf %get3A_407, %mul3A_464 : vector<16xf32>
          %add3A_466 = arith.addf %mul3A_465, %get3A_439 : vector<16xf32>
          %mul3A_467 = vector.broadcast %squeeze3A : f32 to vector<16xf32>
          %mul3A_468 = arith.mulf %get3A_411, %mul3A_467 : vector<16xf32>
          %add3A_469 = arith.addf %mul3A_468, %get3A_443 : vector<16xf32>
          %mul3A_470 = vector.broadcast %squeeze3A : f32 to vector<16xf32>
          %mul3A_471 = arith.mulf %get3A_415, %mul3A_470 : vector<16xf32>
          %add3A_472 = arith.addf %mul3A_471, %get3A_447 : vector<16xf32>
          %mul3A_473 = vector.broadcast %squeeze3A : f32 to vector<16xf32>
          %mul3A_474 = arith.mulf %get3A_419, %mul3A_473 : vector<16xf32>
          %add3A_475 = arith.addf %mul3A_474, %get3A_451 : vector<16xf32>
          %swap3A = arith.index_cast %scan3A_363 : i32 to index
          %swap3A_476 = arith.index_cast %add3A_373 : i32 to index
          %swap3A_477 = tpu.vector_load %arg7[%swap3A, %swap3A_476] {strides = array<i32>} : memref<8x1024xf32, #tpu.memory_space<vmem>>, vector<1x16xf32>,
          %swap3A_478 = vector.shape_cast %swap3A_477 : vector<1x16xf32> to vector<16xf32>
          %swap3A_479 = vector.shape_cast %add3A_454 : vector<16xf32> to vector<1x16xf32>
          tpu.vector_store %arg7[%swap3A, %swap3A_476], %swap3A_479 {strides = array<i32>} : memref<8x1024xf32, #tpu.memory_space<vmem>>, vector<1x16xf32>,
          %swap3A_480 = arith.index_cast %scan3A_363 : i32 to index
          %swap3A_481 = arith.index_cast %add3A_375 : i32 to index
          %swap3A_482 = tpu.vector_load %arg7[%swap3A_480, %swap3A_481] {strides = array<i32>} : memref<8x1024xf32, #tpu.memory_space<vmem>>, vector<1x16xf32>,
          %swap3A_483 = vector.shape_cast %swap3A_482 : vector<1x16xf32> to vector<16xf32>
          %swap3A_484 = vector.shape_cast %add3A_457 : vector<16xf32> to vector<1x16xf32>
          tpu.vector_store %arg7[%swap3A_480, %swap3A_481], %swap3A_484 {strides = array<i32>} : memref<8x1024xf32, #tpu.memory_space<vmem>>, vector<1x16xf32>,
          %swap3A_485 = arith.index_cast %scan3A_363 : i32 to index
          %swap3A_486 = arith.index_cast %add3A_377 : i32 to index
          %swap3A_487 = tpu.vector_load %arg7[%swap3A_485, %swap3A_486] {strides = array<i32>} : memref<8x1024xf32, #tpu.memory_space<vmem>>, vector<1x16xf32>,
          %swap3A_488 = vector.shape_cast %swap3A_487 : vector<1x16xf32> to vector<16xf32>
          %swap3A_489 = vector.shape_cast %add3A_460 : vector<16xf32> to vector<1x16xf32>
          tpu.vector_store %arg7[%swap3A_485, %swap3A_486], %swap3A_489 {strides = array<i32>} : memref<8x1024xf32, #tpu.memory_space<vmem>>, vector<1x16xf32>,
          %swap3A_490 = arith.index_cast %scan3A_363 : i32 to index
          %swap3A_491 = arith.index_cast %add3A_379 : i32 to index
          %swap3A_492 = tpu.vector_load %arg7[%swap3A_490, %swap3A_491] {strides = array<i32>} : memref<8x1024xf32, #tpu.memory_space<vmem>>, vector<1x16xf32>,
          %swap3A_493 = vector.shape_cast %swap3A_492 : vector<1x16xf32> to vector<16xf32>
          %swap3A_494 = vector.shape_cast %add3A_463 : vector<16xf32> to vector<1x16xf32>
          tpu.vector_store %arg7[%swap3A_490, %swap3A_491], %swap3A_494 {strides = array<i32>} : memref<8x1024xf32, #tpu.memory_space<vmem>>, vector<1x16xf32>,
          %swap3A_495 = arith.index_cast %scan3A_363 : i32 to index
          %swap3A_496 = arith.index_cast %add3A_381 : i32 to index
          %swap3A_497 = tpu.vector_load %arg7[%swap3A_495, %swap3A_496] {strides = array<i32>} : memref<8x1024xf32, #tpu.memory_space<vmem>>, vector<1x16xf32>,
          %swap3A_498 = vector.shape_cast %swap3A_497 : vector<1x16xf32> to vector<16xf32>
          %swap3A_499 = vector.shape_cast %add3A_466 : vector<16xf32> to vector<1x16xf32>
          tpu.vector_store %arg7[%swap3A_495, %swap3A_496], %swap3A_499 {strides = array<i32>} : memref<8x1024xf32, #tpu.memory_space<vmem>>, vector<1x16xf32>,
          %swap3A_500 = arith.index_cast %scan3A_363 : i32 to index
          %swap3A_501 = arith.index_cast %add3A_383 : i32 to index
          %swap3A_502 = tpu.vector_load %arg7[%swap3A_500, %swap3A_501] {strides = array<i32>} : memref<8x1024xf32, #tpu.memory_space<vmem>>, vector<1x16xf32>,
          %swap3A_503 = vector.shape_cast %swap3A_502 : vector<1x16xf32> to vector<16xf32>
          %swap3A_504 = vector.shape_cast %add3A_469 : vector<16xf32> to vector<1x16xf32>
          tpu.vector_store %arg7[%swap3A_500, %swap3A_501], %swap3A_504 {strides = array<i32>} : memref<8x1024xf32, #tpu.memory_space<vmem>>, vector<1x16xf32>,
          %swap3A_505 = arith.index_cast %scan3A_363 : i32 to index
          %swap3A_506 = arith.index_cast %add3A_385 : i32 to index
          %swap3A_507 = tpu.vector_load %arg7[%swap3A_505, %swap3A_506] {strides = array<i32>} : memref<8x1024xf32, #tpu.memory_space<vmem>>, vector<1x16xf32>,
          %swap3A_508 = vector.shape_cast %swap3A_507 : vector<1x16xf32> to vector<16xf32>
          %swap3A_509 = vector.shape_cast %add3A_472 : vector<16xf32> to vector<1x16xf32>
          tpu.vector_store %arg7[%swap3A_505, %swap3A_506], %swap3A_509 {strides = array<i32>} : memref<8x1024xf32, #tpu.memory_space<vmem>>, vector<1x16xf32>,
          %swap3A_510 = arith.index_cast %scan3A_363 : i32 to index
          %swap3A_511 = arith.index_cast %add3A_387 : i32 to index
          %swap3A_512 = tpu.vector_load %arg7[%swap3A_510, %swap3A_511] {strides = array<i32>} : memref<8x1024xf32, #tpu.memory_space<vmem>>, vector<1x16xf32>,
          %swap3A_513 = vector.shape_cast %swap3A_512 : vector<1x16xf32> to vector<16xf32>
          %swap3A_514 = vector.shape_cast %add3A_475 : vector<16xf32> to vector<1x16xf32>
          tpu.vector_store %arg7[%swap3A_510, %swap3A_511], %swap3A_514 {strides = array<i32>} : memref<8x1024xf32, #tpu.memory_space<vmem>>, vector<1x16xf32>,
        }
        %scan3A_368 = arith.constant 8 : i32
      }
      %scan3A_143 = arith.constant 8 : i32
      %dma_start3A_144 = arith.constant 1 : i32
      %dma_start3A_145 = arith.constant 0 : i32
      %dma_start3A_146 = tpu.memref_slice %arg5[%dma_start3A_144, %add3A_77, %dma_start3A_145] : memref<4x8192x1024xf32, #tpu.memory_space<hbm>> -> memref<1x8x1024xf32, #tpu.memory_space<hbm>>
      %dma_start3A_147 = tpu.memref_squeeze %dma_start3A_146 : memref<1x8x1024xf32, #tpu.memory_space<hbm>> -> memref<8x1024xf32, #tpu.memory_space<hbm>>
      %dma_start3A_148 = arith.constant 0 : i32
      %dma_start3A_149 = tpu.memref_slice %arg5[%dma_start3A_144, %add3A_77, %dma_start3A_148] : memref<4x8192x1024xf32, #tpu.memory_space<hbm>> -> memref<1x8x1024xf32, #tpu.memory_space<hbm>>
      %dma_start3A_150 = tpu.memref_squeeze %dma_start3A_149 : memref<1x8x1024xf32, #tpu.memory_space<hbm>> -> memref<8x1024xf32, #tpu.memory_space<hbm>>
      tpu.enqueue_dma source(%arg7 : memref<8x1024xf32, #tpu.memory_space<vmem>>) target(%dma_start3A_150 : memref<8x1024xf32, #tpu.memory_space<hbm>>) target_semaphore(%arg25 : memref<!tpu.dma_semaphore, #tpu.memory_space<semaphore_mem>>)
      %ge3A_151 = arith.constant 1 : i32
      %ge3A_152 = arith.cmpi sge, %add3A_74, %ge3A_151 : i32
      %convert_element_type3A_153 = arith.extui %ge3A_152 : i1 to i32
      %cond3A_154 = arith.constant 0 : i32
      %cond3A_155 = arith.cmpi ne, %convert_element_type3A_153, %cond3A_154 : i32
      scf.if %cond3A_155 {
        %dma_wait3A_363 = arith.constant 2 : i32
        %dma_wait3A_364 = arith.constant 0 : i32
        %dma_wait3A_365 = tpu.memref_slice %arg5[%dma_wait3A_363, %add3A_77, %dma_wait3A_364] : memref<4x8192x1024xf32, #tpu.memory_space<hbm>> -> memref<1x8x1024xf32, #tpu.memory_space<hbm>>
        %dma_wait3A_366 = tpu.memref_squeeze %dma_wait3A_365 : memref<1x8x1024xf32, #tpu.memory_space<hbm>> -> memref<8x1024xf32, #tpu.memory_space<hbm>>
        %dma_wait3A_367 = arith.constant 0 : i32
        %dma_wait3A_368 = tpu.memref_slice %arg5[%dma_wait3A_363, %add3A_77, %dma_wait3A_367] : memref<4x8192x1024xf32, #tpu.memory_space<hbm>> -> memref<1x8x1024xf32, #tpu.memory_space<hbm>>
        %dma_wait3A_369 = tpu.memref_squeeze %dma_wait3A_368 : memref<1x8x1024xf32, #tpu.memory_space<hbm>> -> memref<8x1024xf32, #tpu.memory_space<hbm>>
        tpu.wait_dma2 semaphore(%arg30 : memref<!tpu.dma_semaphore, #tpu.memory_space<semaphore_mem>>) src(%arg12 : memref<8x1024xf32, #tpu.memory_space<vmem>>) dst(%dma_wait3A_369 : memref<8x1024xf32, #tpu.memory_space<hbm>>)
      } else {
      }
      %add3A_156 = arith.constant 1 : i32
      %add3A_157 = arith.addi %add3A_74, %add3A_156 : i32
      %lt3A_158 = arith.constant 32 : i32
      %lt3A_159 = arith.cmpi slt, %add3A_157, %lt3A_158 : i32
      %convert_element_type3A_160 = arith.extui %lt3A_159 : i1 to i32
      %cond3A_161 = arith.constant 0 : i32
      %cond3A_162 = arith.cmpi ne, %convert_element_type3A_160, %cond3A_161 : i32
      scf.if %cond3A_162 {
        %dma_start3A_363 = arith.constant 2 : i32
        %dma_start3A_364 = arith.constant 0 : i32
        %dma_start3A_365 = tpu.memref_slice %arg2[%dma_start3A_363, %add3A_79, %dma_start3A_364] : memref<4x8192x1024xf32, #tpu.memory_space<hbm>> -> memref<1x8x1024xf32, #tpu.memory_space<hbm>>
        %dma_start3A_366 = tpu.memref_squeeze %dma_start3A_365 : memref<1x8x1024xf32, #tpu.memory_space<hbm>> -> memref<8x1024xf32, #tpu.memory_space<hbm>>
        %dma_start3A_367 = arith.constant 0 : i32
        %dma_start3A_368 = tpu.memref_slice %arg2[%dma_start3A_363, %add3A_79, %dma_start3A_367] : memref<4x8192x1024xf32, #tpu.memory_space<hbm>> -> memref<1x8x1024xf32, #tpu.memory_space<hbm>>
        %dma_start3A_369 = tpu.memref_squeeze %dma_start3A_368 : memref<1x8x1024xf32, #tpu.memory_space<hbm>> -> memref<8x1024xf32, #tpu.memory_space<hbm>>
        tpu.enqueue_dma source(%dma_start3A_369 : memref<8x1024xf32, #tpu.memory_space<hbm>>) target(%arg12 : memref<8x1024xf32, #tpu.memory_space<vmem>>) target_semaphore(%arg22 : memref<!tpu.dma_semaphore, #tpu.memory_space<semaphore_mem>>)
      } else {
      }
      %dma_wait3A_163 = arith.constant 2 : i32
      %dma_wait3A_164 = arith.constant 0 : i32
      %dma_wait3A_165 = tpu.memref_slice %arg2[%dma_wait3A_163, %add3A_77, %dma_wait3A_164] : memref<4x8192x1024xf32, #tpu.memory_space<hbm>> -> memref<1x8x1024xf32, #tpu.memory_space<hbm>>
      %dma_wait3A_166 = tpu.memref_squeeze %dma_wait3A_165 : memref<1x8x1024xf32, #tpu.memory_space<hbm>> -> memref<8x1024xf32, #tpu.memory_space<hbm>>
      %dma_wait3A_167 = arith.constant 0 : i32
      %dma_wait3A_168 = tpu.memref_slice %arg2[%dma_wait3A_163, %add3A_77, %dma_wait3A_167] : memref<4x8192x1024xf32, #tpu.memory_space<hbm>> -> memref<1x8x1024xf32, #tpu.memory_space<hbm>>
      %dma_wait3A_169 = tpu.memref_squeeze %dma_wait3A_168 : memref<1x8x1024xf32, #tpu.memory_space<hbm>> -> memref<8x1024xf32, #tpu.memory_space<hbm>>
      tpu.wait_dma2 semaphore(%arg18 : memref<!tpu.dma_semaphore, #tpu.memory_space<semaphore_mem>>) src(%dma_wait3A_169 : memref<8x1024xf32, #tpu.memory_space<hbm>>) dst(%arg8 : memref<8x1024xf32, #tpu.memory_space<vmem>>)
      %scan3A_170 = arith.constant 0 : i32
      %scan3A_171 = arith.constant 0 : i32
      %scan3A_172 = arith.constant 8 : i32
      %scan3A_173 = arith.addi %scan3A_171, %scan3A_172 : i32
      %scan3A_174 = arith.constant 1 : i32
      scf.for %scan3A_363 = %scan3A_171 to %scan3A_173 step %scan3A_174  : i32 {
        %scan3A_364 = arith.constant 0 : i32
        %scan3A_365 = arith.constant 8 : i32
        %scan3A_366 = arith.addi %scan3A_364, %scan3A_365 : i32
        %scan3A_367 = arith.constant 1 : i32
        scf.for %scan3A_369 = %scan3A_364 to %scan3A_366 step %scan3A_367  : i32 {
          %mul3A_370 = arith.constant 128 : i32
          %mul3A_371 = arith.muli %scan3A_369, %mul3A_370 : i32
          %add3A_372 = arith.constant 0 : i32
          %add3A_373 = arith.addi %mul3A_371, %add3A_372 : i32
          %add3A_374 = arith.constant 16 : i32
          %add3A_375 = arith.addi %mul3A_371, %add3A_374 : i32
          %add3A_376 = arith.constant 32 : i32
          %add3A_377 = arith.addi %mul3A_371, %add3A_376 : i32
          %add3A_378 = arith.constant 48 : i32
          %add3A_379 = arith.addi %mul3A_371, %add3A_378 : i32
          %add3A_380 = arith.constant 64 : i32
          %add3A_381 = arith.addi %mul3A_371, %add3A_380 : i32
          %add3A_382 = arith.constant 80 : i32
          %add3A_383 = arith.addi %mul3A_371, %add3A_382 : i32
          %add3A_384 = arith.constant 96 : i32
          %add3A_385 = arith.addi %mul3A_371, %add3A_384 : i32
          %add3A_386 = arith.constant 112 : i32
          %add3A_387 = arith.addi %mul3A_371, %add3A_386 : i32
          %get3A_388 = arith.index_cast %scan3A_363 : i32 to index
          %get3A_389 = arith.index_cast %add3A_373 : i32 to index
          %get3A_390 = tpu.vector_load %arg8[%get3A_388, %get3A_389] {strides = array<i32>} : memref<8x1024xf32, #tpu.memory_space<vmem>>, vector<1x16xf32>,
          %get3A_391 = vector.shape_cast %get3A_390 : vector<1x16xf32> to vector<16xf32>
          %get3A_392 = arith.index_cast %scan3A_363 : i32 to index
          %get3A_393 = arith.index_cast %add3A_375 : i32 to index
          %get3A_394 = tpu.vector_load %arg8[%get3A_392, %get3A_393] {strides = array<i32>} : memref<8x1024xf32, #tpu.memory_space<vmem>>, vector<1x16xf32>,
          %get3A_395 = vector.shape_cast %get3A_394 : vector<1x16xf32> to vector<16xf32>
          %get3A_396 = arith.index_cast %scan3A_363 : i32 to index
          %get3A_397 = arith.index_cast %add3A_377 : i32 to index
          %get3A_398 = tpu.vector_load %arg8[%get3A_396, %get3A_397] {strides = array<i32>} : memref<8x1024xf32, #tpu.memory_space<vmem>>, vector<1x16xf32>,
          %get3A_399 = vector.shape_cast %get3A_398 : vector<1x16xf32> to vector<16xf32>
          %get3A_400 = arith.index_cast %scan3A_363 : i32 to index
          %get3A_401 = arith.index_cast %add3A_379 : i32 to index
          %get3A_402 = tpu.vector_load %arg8[%get3A_400, %get3A_401] {strides = array<i32>} : memref<8x1024xf32, #tpu.memory_space<vmem>>, vector<1x16xf32>,
          %get3A_403 = vector.shape_cast %get3A_402 : vector<1x16xf32> to vector<16xf32>
          %get3A_404 = arith.index_cast %scan3A_363 : i32 to index
          %get3A_405 = arith.index_cast %add3A_381 : i32 to index
          %get3A_406 = tpu.vector_load %arg8[%get3A_404, %get3A_405] {strides = array<i32>} : memref<8x1024xf32, #tpu.memory_space<vmem>>, vector<1x16xf32>,
          %get3A_407 = vector.shape_cast %get3A_406 : vector<1x16xf32> to vector<16xf32>
          %get3A_408 = arith.index_cast %scan3A_363 : i32 to index
          %get3A_409 = arith.index_cast %add3A_383 : i32 to index
          %get3A_410 = tpu.vector_load %arg8[%get3A_408, %get3A_409] {strides = array<i32>} : memref<8x1024xf32, #tpu.memory_space<vmem>>, vector<1x16xf32>,
          %get3A_411 = vector.shape_cast %get3A_410 : vector<1x16xf32> to vector<16xf32>
          %get3A_412 = arith.index_cast %scan3A_363 : i32 to index
          %get3A_413 = arith.index_cast %add3A_385 : i32 to index
          %get3A_414 = tpu.vector_load %arg8[%get3A_412, %get3A_413] {strides = array<i32>} : memref<8x1024xf32, #tpu.memory_space<vmem>>, vector<1x16xf32>,
          %get3A_415 = vector.shape_cast %get3A_414 : vector<1x16xf32> to vector<16xf32>
          %get3A_416 = arith.index_cast %scan3A_363 : i32 to index
          %get3A_417 = arith.index_cast %add3A_387 : i32 to index
          %get3A_418 = tpu.vector_load %arg8[%get3A_416, %get3A_417] {strides = array<i32>} : memref<8x1024xf32, #tpu.memory_space<vmem>>, vector<1x16xf32>,
          %get3A_419 = vector.shape_cast %get3A_418 : vector<1x16xf32> to vector<16xf32>
          %get3A_420 = arith.index_cast %scan3A_363 : i32 to index
          %get3A_421 = arith.index_cast %add3A_373 : i32 to index
          %get3A_422 = tpu.vector_load %arg14[%get3A_420, %get3A_421] {strides = array<i32>} : memref<8x1024xf32, #tpu.memory_space<vmem>>, vector<1x16xf32>,
          %get3A_423 = vector.shape_cast %get3A_422 : vector<1x16xf32> to vector<16xf32>
          %get3A_424 = arith.index_cast %scan3A_363 : i32 to index
          %get3A_425 = arith.index_cast %add3A_375 : i32 to index
          %get3A_426 = tpu.vector_load %arg14[%get3A_424, %get3A_425] {strides = array<i32>} : memref<8x1024xf32, #tpu.memory_space<vmem>>, vector<1x16xf32>,
          %get3A_427 = vector.shape_cast %get3A_426 : vector<1x16xf32> to vector<16xf32>
          %get3A_428 = arith.index_cast %scan3A_363 : i32 to index
          %get3A_429 = arith.index_cast %add3A_377 : i32 to index
          %get3A_430 = tpu.vector_load %arg14[%get3A_428, %get3A_429] {strides = array<i32>} : memref<8x1024xf32, #tpu.memory_space<vmem>>, vector<1x16xf32>,
          %get3A_431 = vector.shape_cast %get3A_430 : vector<1x16xf32> to vector<16xf32>
          %get3A_432 = arith.index_cast %scan3A_363 : i32 to index
          %get3A_433 = arith.index_cast %add3A_379 : i32 to index
          %get3A_434 = tpu.vector_load %arg14[%get3A_432, %get3A_433] {strides = array<i32>} : memref<8x1024xf32, #tpu.memory_space<vmem>>, vector<1x16xf32>,
          %get3A_435 = vector.shape_cast %get3A_434 : vector<1x16xf32> to vector<16xf32>
          %get3A_436 = arith.index_cast %scan3A_363 : i32 to index
          %get3A_437 = arith.index_cast %add3A_381 : i32 to index
          %get3A_438 = tpu.vector_load %arg14[%get3A_436, %get3A_437] {strides = array<i32>} : memref<8x1024xf32, #tpu.memory_space<vmem>>, vector<1x16xf32>,
          %get3A_439 = vector.shape_cast %get3A_438 : vector<1x16xf32> to vector<16xf32>
          %get3A_440 = arith.index_cast %scan3A_363 : i32 to index
          %get3A_441 = arith.index_cast %add3A_383 : i32 to index
          %get3A_442 = tpu.vector_load %arg14[%get3A_440, %get3A_441] {strides = array<i32>} : memref<8x1024xf32, #tpu.memory_space<vmem>>, vector<1x16xf32>,
          %get3A_443 = vector.shape_cast %get3A_442 : vector<1x16xf32> to vector<16xf32>
          %get3A_444 = arith.index_cast %scan3A_363 : i32 to index
          %get3A_445 = arith.index_cast %add3A_385 : i32 to index
          %get3A_446 = tpu.vector_load %arg14[%get3A_444, %get3A_445] {strides = array<i32>} : memref<8x1024xf32, #tpu.memory_space<vmem>>, vector<1x16xf32>,
          %get3A_447 = vector.shape_cast %get3A_446 : vector<1x16xf32> to vector<16xf32>
          %get3A_448 = arith.index_cast %scan3A_363 : i32 to index
          %get3A_449 = arith.index_cast %add3A_387 : i32 to index
          %get3A_450 = tpu.vector_load %arg14[%get3A_448, %get3A_449] {strides = array<i32>} : memref<8x1024xf32, #tpu.memory_space<vmem>>, vector<1x16xf32>,
          %get3A_451 = vector.shape_cast %get3A_450 : vector<1x16xf32> to vector<16xf32>
          %mul3A_452 = vector.broadcast %squeeze3A : f32 to vector<16xf32>
          %mul3A_453 = arith.mulf %get3A_391, %mul3A_452 : vector<16xf32>
          %add3A_454 = arith.addf %mul3A_453, %get3A_423 : vector<16xf32>
          %mul3A_455 = vector.broadcast %squeeze3A : f32 to vector<16xf32>
          %mul3A_456 = arith.mulf %get3A_395, %mul3A_455 : vector<16xf32>
          %add3A_457 = arith.addf %mul3A_456, %get3A_427 : vector<16xf32>
          %mul3A_458 = vector.broadcast %squeeze3A : f32 to vector<16xf32>
          %mul3A_459 = arith.mulf %get3A_399, %mul3A_458 : vector<16xf32>
          %add3A_460 = arith.addf %mul3A_459, %get3A_431 : vector<16xf32>
          %mul3A_461 = vector.broadcast %squeeze3A : f32 to vector<16xf32>
          %mul3A_462 = arith.mulf %get3A_403, %mul3A_461 : vector<16xf32>
          %add3A_463 = arith.addf %mul3A_462, %get3A_435 : vector<16xf32>
          %mul3A_464 = vector.broadcast %squeeze3A : f32 to vector<16xf32>
          %mul3A_465 = arith.mulf %get3A_407, %mul3A_464 : vector<16xf32>
          %add3A_466 = arith.addf %mul3A_465, %get3A_439 : vector<16xf32>
          %mul3A_467 = vector.broadcast %squeeze3A : f32 to vector<16xf32>
          %mul3A_468 = arith.mulf %get3A_411, %mul3A_467 : vector<16xf32>
          %add3A_469 = arith.addf %mul3A_468, %get3A_443 : vector<16xf32>
          %mul3A_470 = vector.broadcast %squeeze3A : f32 to vector<16xf32>
          %mul3A_471 = arith.mulf %get3A_415, %mul3A_470 : vector<16xf32>
          %add3A_472 = arith.addf %mul3A_471, %get3A_447 : vector<16xf32>
          %mul3A_473 = vector.broadcast %squeeze3A : f32 to vector<16xf32>
          %mul3A_474 = arith.mulf %get3A_419, %mul3A_473 : vector<16xf32>
          %add3A_475 = arith.addf %mul3A_474, %get3A_451 : vector<16xf32>
          %swap3A = arith.index_cast %scan3A_363 : i32 to index
          %swap3A_476 = arith.index_cast %add3A_373 : i32 to index
          %swap3A_477 = tpu.vector_load %arg8[%swap3A, %swap3A_476] {strides = array<i32>} : memref<8x1024xf32, #tpu.memory_space<vmem>>, vector<1x16xf32>,
          %swap3A_478 = vector.shape_cast %swap3A_477 : vector<1x16xf32> to vector<16xf32>
          %swap3A_479 = vector.shape_cast %add3A_454 : vector<16xf32> to vector<1x16xf32>
          tpu.vector_store %arg8[%swap3A, %swap3A_476], %swap3A_479 {strides = array<i32>} : memref<8x1024xf32, #tpu.memory_space<vmem>>, vector<1x16xf32>,
          %swap3A_480 = arith.index_cast %scan3A_363 : i32 to index
          %swap3A_481 = arith.index_cast %add3A_375 : i32 to index
          %swap3A_482 = tpu.vector_load %arg8[%swap3A_480, %swap3A_481] {strides = array<i32>} : memref<8x1024xf32, #tpu.memory_space<vmem>>, vector<1x16xf32>,
          %swap3A_483 = vector.shape_cast %swap3A_482 : vector<1x16xf32> to vector<16xf32>
          %swap3A_484 = vector.shape_cast %add3A_457 : vector<16xf32> to vector<1x16xf32>
          tpu.vector_store %arg8[%swap3A_480, %swap3A_481], %swap3A_484 {strides = array<i32>} : memref<8x1024xf32, #tpu.memory_space<vmem>>, vector<1x16xf32>,
          %swap3A_485 = arith.index_cast %scan3A_363 : i32 to index
          %swap3A_486 = arith.index_cast %add3A_377 : i32 to index
          %swap3A_487 = tpu.vector_load %arg8[%swap3A_485, %swap3A_486] {strides = array<i32>} : memref<8x1024xf32, #tpu.memory_space<vmem>>, vector<1x16xf32>,
          %swap3A_488 = vector.shape_cast %swap3A_487 : vector<1x16xf32> to vector<16xf32>
          %swap3A_489 = vector.shape_cast %add3A_460 : vector<16xf32> to vector<1x16xf32>
          tpu.vector_store %arg8[%swap3A_485, %swap3A_486], %swap3A_489 {strides = array<i32>} : memref<8x1024xf32, #tpu.memory_space<vmem>>, vector<1x16xf32>,
          %swap3A_490 = arith.index_cast %scan3A_363 : i32 to index
          %swap3A_491 = arith.index_cast %add3A_379 : i32 to index
          %swap3A_492 = tpu.vector_load %arg8[%swap3A_490, %swap3A_491] {strides = array<i32>} : memref<8x1024xf32, #tpu.memory_space<vmem>>, vector<1x16xf32>,
          %swap3A_493 = vector.shape_cast %swap3A_492 : vector<1x16xf32> to vector<16xf32>
          %swap3A_494 = vector.shape_cast %add3A_463 : vector<16xf32> to vector<1x16xf32>
          tpu.vector_store %arg8[%swap3A_490, %swap3A_491], %swap3A_494 {strides = array<i32>} : memref<8x1024xf32, #tpu.memory_space<vmem>>, vector<1x16xf32>,
          %swap3A_495 = arith.index_cast %scan3A_363 : i32 to index
          %swap3A_496 = arith.index_cast %add3A_381 : i32 to index
          %swap3A_497 = tpu.vector_load %arg8[%swap3A_495, %swap3A_496] {strides = array<i32>} : memref<8x1024xf32, #tpu.memory_space<vmem>>, vector<1x16xf32>,
          %swap3A_498 = vector.shape_cast %swap3A_497 : vector<1x16xf32> to vector<16xf32>
          %swap3A_499 = vector.shape_cast %add3A_466 : vector<16xf32> to vector<1x16xf32>
          tpu.vector_store %arg8[%swap3A_495, %swap3A_496], %swap3A_499 {strides = array<i32>} : memref<8x1024xf32, #tpu.memory_space<vmem>>, vector<1x16xf32>,
          %swap3A_500 = arith.index_cast %scan3A_363 : i32 to index
          %swap3A_501 = arith.index_cast %add3A_383 : i32 to index
          %swap3A_502 = tpu.vector_load %arg8[%swap3A_500, %swap3A_501] {strides = array<i32>} : memref<8x1024xf32, #tpu.memory_space<vmem>>, vector<1x16xf32>,
          %swap3A_503 = vector.shape_cast %swap3A_502 : vector<1x16xf32> to vector<16xf32>
          %swap3A_504 = vector.shape_cast %add3A_469 : vector<16xf32> to vector<1x16xf32>
          tpu.vector_store %arg8[%swap3A_500, %swap3A_501], %swap3A_504 {strides = array<i32>} : memref<8x1024xf32, #tpu.memory_space<vmem>>, vector<1x16xf32>,
          %swap3A_505 = arith.index_cast %scan3A_363 : i32 to index
          %swap3A_506 = arith.index_cast %add3A_385 : i32 to index
          %swap3A_507 = tpu.vector_load %arg8[%swap3A_505, %swap3A_506] {strides = array<i32>} : memref<8x1024xf32, #tpu.memory_space<vmem>>, vector<1x16xf32>,
          %swap3A_508 = vector.shape_cast %swap3A_507 : vector<1x16xf32> to vector<16xf32>
          %swap3A_509 = vector.shape_cast %add3A_472 : vector<16xf32> to vector<1x16xf32>
          tpu.vector_store %arg8[%swap3A_505, %swap3A_506], %swap3A_509 {strides = array<i32>} : memref<8x1024xf32, #tpu.memory_space<vmem>>, vector<1x16xf32>,
          %swap3A_510 = arith.index_cast %scan3A_363 : i32 to index
          %swap3A_511 = arith.index_cast %add3A_387 : i32 to index
          %swap3A_512 = tpu.vector_load %arg8[%swap3A_510, %swap3A_511] {strides = array<i32>} : memref<8x1024xf32, #tpu.memory_space<vmem>>, vector<1x16xf32>,
          %swap3A_513 = vector.shape_cast %swap3A_512 : vector<1x16xf32> to vector<16xf32>
          %swap3A_514 = vector.shape_cast %add3A_475 : vector<16xf32> to vector<1x16xf32>
          tpu.vector_store %arg8[%swap3A_510, %swap3A_511], %swap3A_514 {strides = array<i32>} : memref<8x1024xf32, #tpu.memory_space<vmem>>, vector<1x16xf32>,
        }
        %scan3A_368 = arith.constant 8 : i32
      }
      %scan3A_175 = arith.constant 8 : i32
      %dma_start3A_176 = arith.constant 2 : i32
      %dma_start3A_177 = arith.constant 0 : i32
      %dma_start3A_178 = tpu.memref_slice %arg5[%dma_start3A_176, %add3A_77, %dma_start3A_177] : memref<4x8192x1024xf32, #tpu.memory_space<hbm>> -> memref<1x8x1024xf32, #tpu.memory_space<hbm>>
      %dma_start3A_179 = tpu.memref_squeeze %dma_start3A_178 : memref<1x8x1024xf32, #tpu.memory_space<hbm>> -> memref<8x1024xf32, #tpu.memory_space<hbm>>
      %dma_start3A_180 = arith.constant 0 : i32
      %dma_start3A_181 = tpu.memref_slice %arg5[%dma_start3A_176, %add3A_77, %dma_start3A_180] : memref<4x8192x1024xf32, #tpu.memory_space<hbm>> -> memref<1x8x1024xf32, #tpu.memory_space<hbm>>
      %dma_start3A_182 = tpu.memref_squeeze %dma_start3A_181 : memref<1x8x1024xf32, #tpu.memory_space<hbm>> -> memref<8x1024xf32, #tpu.memory_space<hbm>>
      tpu.enqueue_dma source(%arg8 : memref<8x1024xf32, #tpu.memory_space<vmem>>) target(%dma_start3A_182 : memref<8x1024xf32, #tpu.memory_space<hbm>>) target_semaphore(%arg26 : memref<!tpu.dma_semaphore, #tpu.memory_space<semaphore_mem>>)
      %ge3A_183 = arith.constant 1 : i32
      %ge3A_184 = arith.cmpi sge, %add3A_74, %ge3A_183 : i32
      %convert_element_type3A_185 = arith.extui %ge3A_184 : i1 to i32
      %cond3A_186 = arith.constant 0 : i32
      %cond3A_187 = arith.cmpi ne, %convert_element_type3A_185, %cond3A_186 : i32
      scf.if %cond3A_187 {
        %dma_wait3A_363 = arith.constant 3 : i32
        %dma_wait3A_364 = arith.constant 0 : i32
        %dma_wait3A_365 = tpu.memref_slice %arg5[%dma_wait3A_363, %add3A_77, %dma_wait3A_364] : memref<4x8192x1024xf32, #tpu.memory_space<hbm>> -> memref<1x8x1024xf32, #tpu.memory_space<hbm>>
        %dma_wait3A_366 = tpu.memref_squeeze %dma_wait3A_365 : memref<1x8x1024xf32, #tpu.memory_space<hbm>> -> memref<8x1024xf32, #tpu.memory_space<hbm>>
        %dma_wait3A_367 = arith.constant 0 : i32
        %dma_wait3A_368 = tpu.memref_slice %arg5[%dma_wait3A_363, %add3A_77, %dma_wait3A_367] : memref<4x8192x1024xf32, #tpu.memory_space<hbm>> -> memref<1x8x1024xf32, #tpu.memory_space<hbm>>
        %dma_wait3A_369 = tpu.memref_squeeze %dma_wait3A_368 : memref<1x8x1024xf32, #tpu.memory_space<hbm>> -> memref<8x1024xf32, #tpu.memory_space<hbm>>
        tpu.wait_dma2 semaphore(%arg31 : memref<!tpu.dma_semaphore, #tpu.memory_space<semaphore_mem>>) src(%arg13 : memref<8x1024xf32, #tpu.memory_space<vmem>>) dst(%dma_wait3A_369 : memref<8x1024xf32, #tpu.memory_space<hbm>>)
      } else {
      }
      %add3A_188 = arith.constant 1 : i32
      %add3A_189 = arith.addi %add3A_74, %add3A_188 : i32
      %lt3A_190 = arith.constant 32 : i32
      %lt3A_191 = arith.cmpi slt, %add3A_189, %lt3A_190 : i32
      %convert_element_type3A_192 = arith.extui %lt3A_191 : i1 to i32
      %cond3A_193 = arith.constant 0 : i32
      %cond3A_194 = arith.cmpi ne, %convert_element_type3A_192, %cond3A_193 : i32
      scf.if %cond3A_194 {
        %dma_start3A_363 = arith.constant 3 : i32
        %dma_start3A_364 = arith.constant 0 : i32
        %dma_start3A_365 = tpu.memref_slice %arg2[%dma_start3A_363, %add3A_79, %dma_start3A_364] : memref<4x8192x1024xf32, #tpu.memory_space<hbm>> -> memref<1x8x1024xf32, #tpu.memory_space<hbm>>
        %dma_start3A_366 = tpu.memref_squeeze %dma_start3A_365 : memref<1x8x1024xf32, #tpu.memory_space<hbm>> -> memref<8x1024xf32, #tpu.memory_space<hbm>>
        %dma_start3A_367 = arith.constant 0 : i32
        %dma_start3A_368 = tpu.memref_slice %arg2[%dma_start3A_363, %add3A_79, %dma_start3A_367] : memref<4x8192x1024xf32, #tpu.memory_space<hbm>> -> memref<1x8x1024xf32, #tpu.memory_space<hbm>>
        %dma_start3A_369 = tpu.memref_squeeze %dma_start3A_368 : memref<1x8x1024xf32, #tpu.memory_space<hbm>> -> memref<8x1024xf32, #tpu.memory_space<hbm>>
        tpu.enqueue_dma source(%dma_start3A_369 : memref<8x1024xf32, #tpu.memory_space<hbm>>) target(%arg13 : memref<8x1024xf32, #tpu.memory_space<vmem>>) target_semaphore(%arg23 : memref<!tpu.dma_semaphore, #tpu.memory_space<semaphore_mem>>)
      } else {
      }
      %dma_wait3A_195 = arith.constant 3 : i32
      %dma_wait3A_196 = arith.constant 0 : i32
      %dma_wait3A_197 = tpu.memref_slice %arg2[%dma_wait3A_195, %add3A_77, %dma_wait3A_196] : memref<4x8192x1024xf32, #tpu.memory_space<hbm>> -> memref<1x8x1024xf32, #tpu.memory_space<hbm>>
      %dma_wait3A_198 = tpu.memref_squeeze %dma_wait3A_197 : memref<1x8x1024xf32, #tpu.memory_space<hbm>> -> memref<8x1024xf32, #tpu.memory_space<hbm>>
      %dma_wait3A_199 = arith.constant 0 : i32
      %dma_wait3A_200 = tpu.memref_slice %arg2[%dma_wait3A_195, %add3A_77, %dma_wait3A_199] : memref<4x8192x1024xf32, #tpu.memory_space<hbm>> -> memref<1x8x1024xf32, #tpu.memory_space<hbm>>
      %dma_wait3A_201 = tpu.memref_squeeze %dma_wait3A_200 : memref<1x8x1024xf32, #tpu.memory_space<hbm>> -> memref<8x1024xf32, #tpu.memory_space<hbm>>
      tpu.wait_dma2 semaphore(%arg19 : memref<!tpu.dma_semaphore, #tpu.memory_space<semaphore_mem>>) src(%dma_wait3A_201 : memref<8x1024xf32, #tpu.memory_space<hbm>>) dst(%arg9 : memref<8x1024xf32, #tpu.memory_space<vmem>>)
      %scan3A_202 = arith.constant 0 : i32
      %scan3A_203 = arith.constant 0 : i32
      %scan3A_204 = arith.constant 8 : i32
      %scan3A_205 = arith.addi %scan3A_203, %scan3A_204 : i32
      %scan3A_206 = arith.constant 1 : i32
      scf.for %scan3A_363 = %scan3A_203 to %scan3A_205 step %scan3A_206  : i32 {
        %scan3A_364 = arith.constant 0 : i32
        %scan3A_365 = arith.constant 8 : i32
        %scan3A_366 = arith.addi %scan3A_364, %scan3A_365 : i32
        %scan3A_367 = arith.constant 1 : i32
        scf.for %scan3A_369 = %scan3A_364 to %scan3A_366 step %scan3A_367  : i32 {
          %mul3A_370 = arith.constant 128 : i32
          %mul3A_371 = arith.muli %scan3A_369, %mul3A_370 : i32
          %add3A_372 = arith.constant 0 : i32
          %add3A_373 = arith.addi %mul3A_371, %add3A_372 : i32
          %add3A_374 = arith.constant 16 : i32
          %add3A_375 = arith.addi %mul3A_371, %add3A_374 : i32
          %add3A_376 = arith.constant 32 : i32
          %add3A_377 = arith.addi %mul3A_371, %add3A_376 : i32
          %add3A_378 = arith.constant 48 : i32
          %add3A_379 = arith.addi %mul3A_371, %add3A_378 : i32
          %add3A_380 = arith.constant 64 : i32
          %add3A_381 = arith.addi %mul3A_371, %add3A_380 : i32
          %add3A_382 = arith.constant 80 : i32
          %add3A_383 = arith.addi %mul3A_371, %add3A_382 : i32
          %add3A_384 = arith.constant 96 : i32
          %add3A_385 = arith.addi %mul3A_371, %add3A_384 : i32
          %add3A_386 = arith.constant 112 : i32
          %add3A_387 = arith.addi %mul3A_371, %add3A_386 : i32
          %get3A_388 = arith.index_cast %scan3A_363 : i32 to index
          %get3A_389 = arith.index_cast %add3A_373 : i32 to index
          %get3A_390 = tpu.vector_load %arg9[%get3A_388, %get3A_389] {strides = array<i32>} : memref<8x1024xf32, #tpu.memory_space<vmem>>, vector<1x16xf32>,
          %get3A_391 = vector.shape_cast %get3A_390 : vector<1x16xf32> to vector<16xf32>
          %get3A_392 = arith.index_cast %scan3A_363 : i32 to index
          %get3A_393 = arith.index_cast %add3A_375 : i32 to index
          %get3A_394 = tpu.vector_load %arg9[%get3A_392, %get3A_393] {strides = array<i32>} : memref<8x1024xf32, #tpu.memory_space<vmem>>, vector<1x16xf32>,
          %get3A_395 = vector.shape_cast %get3A_394 : vector<1x16xf32> to vector<16xf32>
          %get3A_396 = arith.index_cast %scan3A_363 : i32 to index
          %get3A_397 = arith.index_cast %add3A_377 : i32 to index
          %get3A_398 = tpu.vector_load %arg9[%get3A_396, %get3A_397] {strides = array<i32>} : memref<8x1024xf32, #tpu.memory_space<vmem>>, vector<1x16xf32>,
          %get3A_399 = vector.shape_cast %get3A_398 : vector<1x16xf32> to vector<16xf32>
          %get3A_400 = arith.index_cast %scan3A_363 : i32 to index
          %get3A_401 = arith.index_cast %add3A_379 : i32 to index
          %get3A_402 = tpu.vector_load %arg9[%get3A_400, %get3A_401] {strides = array<i32>} : memref<8x1024xf32, #tpu.memory_space<vmem>>, vector<1x16xf32>,
          %get3A_403 = vector.shape_cast %get3A_402 : vector<1x16xf32> to vector<16xf32>
          %get3A_404 = arith.index_cast %scan3A_363 : i32 to index
          %get3A_405 = arith.index_cast %add3A_381 : i32 to index
          %get3A_406 = tpu.vector_load %arg9[%get3A_404, %get3A_405] {strides = array<i32>} : memref<8x1024xf32, #tpu.memory_space<vmem>>, vector<1x16xf32>,
          %get3A_407 = vector.shape_cast %get3A_406 : vector<1x16xf32> to vector<16xf32>
          %get3A_408 = arith.index_cast %scan3A_363 : i32 to index
          %get3A_409 = arith.index_cast %add3A_383 : i32 to index
          %get3A_410 = tpu.vector_load %arg9[%get3A_408, %get3A_409] {strides = array<i32>} : memref<8x1024xf32, #tpu.memory_space<vmem>>, vector<1x16xf32>,
          %get3A_411 = vector.shape_cast %get3A_410 : vector<1x16xf32> to vector<16xf32>
          %get3A_412 = arith.index_cast %scan3A_363 : i32 to index
          %get3A_413 = arith.index_cast %add3A_385 : i32 to index
          %get3A_414 = tpu.vector_load %arg9[%get3A_412, %get3A_413] {strides = array<i32>} : memref<8x1024xf32, #tpu.memory_space<vmem>>, vector<1x16xf32>,
          %get3A_415 = vector.shape_cast %get3A_414 : vector<1x16xf32> to vector<16xf32>
          %get3A_416 = arith.index_cast %scan3A_363 : i32 to index
          %get3A_417 = arith.index_cast %add3A_387 : i32 to index
          %get3A_418 = tpu.vector_load %arg9[%get3A_416, %get3A_417] {strides = array<i32>} : memref<8x1024xf32, #tpu.memory_space<vmem>>, vector<1x16xf32>,
          %get3A_419 = vector.shape_cast %get3A_418 : vector<1x16xf32> to vector<16xf32>
          %get3A_420 = arith.index_cast %scan3A_363 : i32 to index
          %get3A_421 = arith.index_cast %add3A_373 : i32 to index
          %get3A_422 = tpu.vector_load %arg14[%get3A_420, %get3A_421] {strides = array<i32>} : memref<8x1024xf32, #tpu.memory_space<vmem>>, vector<1x16xf32>,
          %get3A_423 = vector.shape_cast %get3A_422 : vector<1x16xf32> to vector<16xf32>
          %get3A_424 = arith.index_cast %scan3A_363 : i32 to index
          %get3A_425 = arith.index_cast %add3A_375 : i32 to index
          %get3A_426 = tpu.vector_load %arg14[%get3A_424, %get3A_425] {strides = array<i32>} : memref<8x1024xf32, #tpu.memory_space<vmem>>, vector<1x16xf32>,
          %get3A_427 = vector.shape_cast %get3A_426 : vector<1x16xf32> to vector<16xf32>
          %get3A_428 = arith.index_cast %scan3A_363 : i32 to index
          %get3A_429 = arith.index_cast %add3A_377 : i32 to index
          %get3A_430 = tpu.vector_load %arg14[%get3A_428, %get3A_429] {strides = array<i32>} : memref<8x1024xf32, #tpu.memory_space<vmem>>, vector<1x16xf32>,
          %get3A_431 = vector.shape_cast %get3A_430 : vector<1x16xf32> to vector<16xf32>
          %get3A_432 = arith.index_cast %scan3A_363 : i32 to index
          %get3A_433 = arith.index_cast %add3A_379 : i32 to index
          %get3A_434 = tpu.vector_load %arg14[%get3A_432, %get3A_433] {strides = array<i32>} : memref<8x1024xf32, #tpu.memory_space<vmem>>, vector<1x16xf32>,
          %get3A_435 = vector.shape_cast %get3A_434 : vector<1x16xf32> to vector<16xf32>
          %get3A_436 = arith.index_cast %scan3A_363 : i32 to index
          %get3A_437 = arith.index_cast %add3A_381 : i32 to index
          %get3A_438 = tpu.vector_load %arg14[%get3A_436, %get3A_437] {strides = array<i32>} : memref<8x1024xf32, #tpu.memory_space<vmem>>, vector<1x16xf32>,
          %get3A_439 = vector.shape_cast %get3A_438 : vector<1x16xf32> to vector<16xf32>
          %get3A_440 = arith.index_cast %scan3A_363 : i32 to index
          %get3A_441 = arith.index_cast %add3A_383 : i32 to index
          %get3A_442 = tpu.vector_load %arg14[%get3A_440, %get3A_441] {strides = array<i32>} : memref<8x1024xf32, #tpu.memory_space<vmem>>, vector<1x16xf32>,
          %get3A_443 = vector.shape_cast %get3A_442 : vector<1x16xf32> to vector<16xf32>
          %get3A_444 = arith.index_cast %scan3A_363 : i32 to index
          %get3A_445 = arith.index_cast %add3A_385 : i32 to index
          %get3A_446 = tpu.vector_load %arg14[%get3A_444, %get3A_445] {strides = array<i32>} : memref<8x1024xf32, #tpu.memory_space<vmem>>, vector<1x16xf32>,
          %get3A_447 = vector.shape_cast %get3A_446 : vector<1x16xf32> to vector<16xf32>
          %get3A_448 = arith.index_cast %scan3A_363 : i32 to index
          %get3A_449 = arith.index_cast %add3A_387 : i32 to index
          %get3A_450 = tpu.vector_load %arg14[%get3A_448, %get3A_449] {strides = array<i32>} : memref<8x1024xf32, #tpu.memory_space<vmem>>, vector<1x16xf32>,
          %get3A_451 = vector.shape_cast %get3A_450 : vector<1x16xf32> to vector<16xf32>
          %mul3A_452 = vector.broadcast %squeeze3A : f32 to vector<16xf32>
          %mul3A_453 = arith.mulf %get3A_391, %mul3A_452 : vector<16xf32>
          %add3A_454 = arith.addf %mul3A_453, %get3A_423 : vector<16xf32>
          %mul3A_455 = vector.broadcast %squeeze3A : f32 to vector<16xf32>
          %mul3A_456 = arith.mulf %get3A_395, %mul3A_455 : vector<16xf32>
          %add3A_457 = arith.addf %mul3A_456, %get3A_427 : vector<16xf32>
          %mul3A_458 = vector.broadcast %squeeze3A : f32 to vector<16xf32>
          %mul3A_459 = arith.mulf %get3A_399, %mul3A_458 : vector<16xf32>
          %add3A_460 = arith.addf %mul3A_459, %get3A_431 : vector<16xf32>
          %mul3A_461 = vector.broadcast %squeeze3A : f32 to vector<16xf32>
          %mul3A_462 = arith.mulf %get3A_403, %mul3A_461 : vector<16xf32>
          %add3A_463 = arith.addf %mul3A_462, %get3A_435 : vector<16xf32>
          %mul3A_464 = vector.broadcast %squeeze3A : f32 to vector<16xf32>
          %mul3A_465 = arith.mulf %get3A_407, %mul3A_464 : vector<16xf32>
          %add3A_466 = arith.addf %mul3A_465, %get3A_439 : vector<16xf32>
          %mul3A_467 = vector.broadcast %squeeze3A : f32 to vector<16xf32>
          %mul3A_468 = arith.mulf %get3A_411, %mul3A_467 : vector<16xf32>
          %add3A_469 = arith.addf %mul3A_468, %get3A_443 : vector<16xf32>
          %mul3A_470 = vector.broadcast %squeeze3A : f32 to vector<16xf32>
          %mul3A_471 = arith.mulf %get3A_415, %mul3A_470 : vector<16xf32>
          %add3A_472 = arith.addf %mul3A_471, %get3A_447 : vector<16xf32>
          %mul3A_473 = vector.broadcast %squeeze3A : f32 to vector<16xf32>
          %mul3A_474 = arith.mulf %get3A_419, %mul3A_473 : vector<16xf32>
          %add3A_475 = arith.addf %mul3A_474, %get3A_451 : vector<16xf32>
          %swap3A = arith.index_cast %scan3A_363 : i32 to index
          %swap3A_476 = arith.index_cast %add3A_373 : i32 to index
          %swap3A_477 = tpu.vector_load %arg9[%swap3A, %swap3A_476] {strides = array<i32>} : memref<8x1024xf32, #tpu.memory_space<vmem>>, vector<1x16xf32>,
          %swap3A_478 = vector.shape_cast %swap3A_477 : vector<1x16xf32> to vector<16xf32>
          %swap3A_479 = vector.shape_cast %add3A_454 : vector<16xf32> to vector<1x16xf32>
          tpu.vector_store %arg9[%swap3A, %swap3A_476], %swap3A_479 {strides = array<i32>} : memref<8x1024xf32, #tpu.memory_space<vmem>>, vector<1x16xf32>,
          %swap3A_480 = arith.index_cast %scan3A_363 : i32 to index
          %swap3A_481 = arith.index_cast %add3A_375 : i32 to index
          %swap3A_482 = tpu.vector_load %arg9[%swap3A_480, %swap3A_481] {strides = array<i32>} : memref<8x1024xf32, #tpu.memory_space<vmem>>, vector<1x16xf32>,
          %swap3A_483 = vector.shape_cast %swap3A_482 : vector<1x16xf32> to vector<16xf32>
          %swap3A_484 = vector.shape_cast %add3A_457 : vector<16xf32> to vector<1x16xf32>
          tpu.vector_store %arg9[%swap3A_480, %swap3A_481], %swap3A_484 {strides = array<i32>} : memref<8x1024xf32, #tpu.memory_space<vmem>>, vector<1x16xf32>,
          %swap3A_485 = arith.index_cast %scan3A_363 : i32 to index
          %swap3A_486 = arith.index_cast %add3A_377 : i32 to index
          %swap3A_487 = tpu.vector_load %arg9[%swap3A_485, %swap3A_486] {strides = array<i32>} : memref<8x1024xf32, #tpu.memory_space<vmem>>, vector<1x16xf32>,
          %swap3A_488 = vector.shape_cast %swap3A_487 : vector<1x16xf32> to vector<16xf32>
          %swap3A_489 = vector.shape_cast %add3A_460 : vector<16xf32> to vector<1x16xf32>
          tpu.vector_store %arg9[%swap3A_485, %swap3A_486], %swap3A_489 {strides = array<i32>} : memref<8x1024xf32, #tpu.memory_space<vmem>>, vector<1x16xf32>,
          %swap3A_490 = arith.index_cast %scan3A_363 : i32 to index
          %swap3A_491 = arith.index_cast %add3A_379 : i32 to index
          %swap3A_492 = tpu.vector_load %arg9[%swap3A_490, %swap3A_491] {strides = array<i32>} : memref<8x1024xf32, #tpu.memory_space<vmem>>, vector<1x16xf32>,
          %swap3A_493 = vector.shape_cast %swap3A_492 : vector<1x16xf32> to vector<16xf32>
          %swap3A_494 = vector.shape_cast %add3A_463 : vector<16xf32> to vector<1x16xf32>
          tpu.vector_store %arg9[%swap3A_490, %swap3A_491], %swap3A_494 {strides = array<i32>} : memref<8x1024xf32, #tpu.memory_space<vmem>>, vector<1x16xf32>,
          %swap3A_495 = arith.index_cast %scan3A_363 : i32 to index
          %swap3A_496 = arith.index_cast %add3A_381 : i32 to index
          %swap3A_497 = tpu.vector_load %arg9[%swap3A_495, %swap3A_496] {strides = array<i32>} : memref<8x1024xf32, #tpu.memory_space<vmem>>, vector<1x16xf32>,
          %swap3A_498 = vector.shape_cast %swap3A_497 : vector<1x16xf32> to vector<16xf32>
          %swap3A_499 = vector.shape_cast %add3A_466 : vector<16xf32> to vector<1x16xf32>
          tpu.vector_store %arg9[%swap3A_495, %swap3A_496], %swap3A_499 {strides = array<i32>} : memref<8x1024xf32, #tpu.memory_space<vmem>>, vector<1x16xf32>,
          %swap3A_500 = arith.index_cast %scan3A_363 : i32 to index
          %swap3A_501 = arith.index_cast %add3A_383 : i32 to index
          %swap3A_502 = tpu.vector_load %arg9[%swap3A_500, %swap3A_501] {strides = array<i32>} : memref<8x1024xf32, #tpu.memory_space<vmem>>, vector<1x16xf32>,
          %swap3A_503 = vector.shape_cast %swap3A_502 : vector<1x16xf32> to vector<16xf32>
          %swap3A_504 = vector.shape_cast %add3A_469 : vector<16xf32> to vector<1x16xf32>
          tpu.vector_store %arg9[%swap3A_500, %swap3A_501], %swap3A_504 {strides = array<i32>} : memref<8x1024xf32, #tpu.memory_space<vmem>>, vector<1x16xf32>,
          %swap3A_505 = arith.index_cast %scan3A_363 : i32 to index
          %swap3A_506 = arith.index_cast %add3A_385 : i32 to index
          %swap3A_507 = tpu.vector_load %arg9[%swap3A_505, %swap3A_506] {strides = array<i32>} : memref<8x1024xf32, #tpu.memory_space<vmem>>, vector<1x16xf32>,
          %swap3A_508 = vector.shape_cast %swap3A_507 : vector<1x16xf32> to vector<16xf32>
          %swap3A_509 = vector.shape_cast %add3A_472 : vector<16xf32> to vector<1x16xf32>
          tpu.vector_store %arg9[%swap3A_505, %swap3A_506], %swap3A_509 {strides = array<i32>} : memref<8x1024xf32, #tpu.memory_space<vmem>>, vector<1x16xf32>,
          %swap3A_510 = arith.index_cast %scan3A_363 : i32 to index
          %swap3A_511 = arith.index_cast %add3A_387 : i32 to index
          %swap3A_512 = tpu.vector_load %arg9[%swap3A_510, %swap3A_511] {strides = array<i32>} : memref<8x1024xf32, #tpu.memory_space<vmem>>, vector<1x16xf32>,
          %swap3A_513 = vector.shape_cast %swap3A_512 : vector<1x16xf32> to vector<16xf32>
          %swap3A_514 = vector.shape_cast %add3A_475 : vector<16xf32> to vector<1x16xf32>
          tpu.vector_store %arg9[%swap3A_510, %swap3A_511], %swap3A_514 {strides = array<i32>} : memref<8x1024xf32, #tpu.memory_space<vmem>>, vector<1x16xf32>,
        }
        %scan3A_368 = arith.constant 8 : i32
      }
      %scan3A_207 = arith.constant 8 : i32
      %dma_start3A_208 = arith.constant 3 : i32
      %dma_start3A_209 = arith.constant 0 : i32
      %dma_start3A_210 = tpu.memref_slice %arg5[%dma_start3A_208, %add3A_77, %dma_start3A_209] : memref<4x8192x1024xf32, #tpu.memory_space<hbm>> -> memref<1x8x1024xf32, #tpu.memory_space<hbm>>
      %dma_start3A_211 = tpu.memref_squeeze %dma_start3A_210 : memref<1x8x1024xf32, #tpu.memory_space<hbm>> -> memref<8x1024xf32, #tpu.memory_space<hbm>>
      %dma_start3A_212 = arith.constant 0 : i32
      %dma_start3A_213 = tpu.memref_slice %arg5[%dma_start3A_208, %add3A_77, %dma_start3A_212] : memref<4x8192x1024xf32, #tpu.memory_space<hbm>> -> memref<1x8x1024xf32, #tpu.memory_space<hbm>>
      %dma_start3A_214 = tpu.memref_squeeze %dma_start3A_213 : memref<1x8x1024xf32, #tpu.memory_space<hbm>> -> memref<8x1024xf32, #tpu.memory_space<hbm>>
      tpu.enqueue_dma source(%arg9 : memref<8x1024xf32, #tpu.memory_space<vmem>>) target(%dma_start3A_214 : memref<8x1024xf32, #tpu.memory_space<hbm>>) target_semaphore(%arg27 : memref<!tpu.dma_semaphore, #tpu.memory_space<semaphore_mem>>)
      %mul3A_215 = arith.constant 2 : i32
      %mul3A_216 = arith.muli %mul3A_215, %scan3A_70 : i32
      %add3A_217 = arith.constant 1 : i32
      %add3A_218 = arith.addi %mul3A_216, %add3A_217 : i32
      %mul3A_219 = arith.constant 8 : i32
      %mul3A_220 = arith.muli %add3A_218, %mul3A_219 : i32
      %add3A_221 = arith.addi %mul3A_4, %mul3A_220 : i32
      %add3A_222 = arith.constant 8 : i32
      %add3A_223 = arith.addi %add3A_221, %add3A_222 : i32
      %add3A_224 = arith.constant 1 : i32
      %add3A_225 = arith.addi %add3A_218, %add3A_224 : i32
      %lt3A_226 = arith.constant 32 : i32
      %lt3A_227 = arith.cmpi slt, %add3A_225, %lt3A_226 : i32
      %convert_element_type3A_228 = arith.extui %lt3A_227 : i1 to i32
      %cond3A_229 = arith.constant 0 : i32
      %cond3A_230 = arith.cmpi ne, %convert_element_type3A_228, %cond3A_229 : i32
      scf.if %cond3A_230 {
        %dma_start3A_363 = arith.constant 0 : i32
        %dma_start3A_364 = tpu.memref_slice %arg3[%add3A_223, %dma_start3A_363] : memref<8192x1024xf32, #tpu.memory_space<hbm>> -> memref<8x1024xf32, #tpu.memory_space<hbm>>
        %dma_start3A_365 = arith.constant 0 : i32
        %dma_start3A_366 = tpu.memref_slice %arg3[%add3A_223, %dma_start3A_365] : memref<8192x1024xf32, #tpu.memory_space<hbm>> -> memref<8x1024xf32, #tpu.memory_space<hbm>>
        tpu.enqueue_dma source(%dma_start3A_366 : memref<8x1024xf32, #tpu.memory_space<hbm>>) target(%arg14 : memref<8x1024xf32, #tpu.memory_space<vmem>>) target_semaphore(%arg32 : memref<!tpu.dma_semaphore, #tpu.memory_space<semaphore_mem>>)
      } else {
      }
      %dma_wait3A_231 = arith.constant 0 : i32
      %dma_wait3A_232 = tpu.memref_slice %arg3[%add3A_221, %dma_wait3A_231] : memref<8192x1024xf32, #tpu.memory_space<hbm>> -> memref<8x1024xf32, #tpu.memory_space<hbm>>
      %dma_wait3A_233 = arith.constant 0 : i32
      %dma_wait3A_234 = tpu.memref_slice %arg3[%add3A_221, %dma_wait3A_233] : memref<8192x1024xf32, #tpu.memory_space<hbm>> -> memref<8x1024xf32, #tpu.memory_space<hbm>>
      tpu.wait_dma2 semaphore(%arg33 : memref<!tpu.dma_semaphore, #tpu.memory_space<semaphore_mem>>) src(%dma_wait3A_234 : memref<8x1024xf32, #tpu.memory_space<hbm>>) dst(%arg15 : memref<8x1024xf32, #tpu.memory_space<vmem>>)
      %ge3A_235 = arith.constant 1 : i32
      %ge3A_236 = arith.cmpi sge, %add3A_218, %ge3A_235 : i32
      %convert_element_type3A_237 = arith.extui %ge3A_236 : i1 to i32
      %cond3A_238 = arith.constant 0 : i32
      %cond3A_239 = arith.cmpi ne, %convert_element_type3A_237, %cond3A_238 : i32
      scf.if %cond3A_239 {
        %dma_wait3A_363 = arith.constant 0 : i32
        %dma_wait3A_364 = arith.constant 0 : i32
        %dma_wait3A_365 = tpu.memref_slice %arg5[%dma_wait3A_363, %add3A_221, %dma_wait3A_364] : memref<4x8192x1024xf32, #tpu.memory_space<hbm>> -> memref<1x8x1024xf32, #tpu.memory_space<hbm>>
        %dma_wait3A_366 = tpu.memref_squeeze %dma_wait3A_365 : memref<1x8x1024xf32, #tpu.memory_space<hbm>> -> memref<8x1024xf32, #tpu.memory_space<hbm>>
        %dma_wait3A_367 = arith.constant 0 : i32
        %dma_wait3A_368 = tpu.memref_slice %arg5[%dma_wait3A_363, %add3A_221, %dma_wait3A_367] : memref<4x8192x1024xf32, #tpu.memory_space<hbm>> -> memref<1x8x1024xf32, #tpu.memory_space<hbm>>
        %dma_wait3A_369 = tpu.memref_squeeze %dma_wait3A_368 : memref<1x8x1024xf32, #tpu.memory_space<hbm>> -> memref<8x1024xf32, #tpu.memory_space<hbm>>
        tpu.wait_dma2 semaphore(%arg24 : memref<!tpu.dma_semaphore, #tpu.memory_space<semaphore_mem>>) src(%arg6 : memref<8x1024xf32, #tpu.memory_space<vmem>>) dst(%dma_wait3A_369 : memref<8x1024xf32, #tpu.memory_space<hbm>>)
      } else {
      }
      %add3A_240 = arith.constant 1 : i32
      %add3A_241 = arith.addi %add3A_218, %add3A_240 : i32
      %lt3A_242 = arith.constant 32 : i32
      %lt3A_243 = arith.cmpi slt, %add3A_241, %lt3A_242 : i32
      %convert_element_type3A_244 = arith.extui %lt3A_243 : i1 to i32
      %cond3A_245 = arith.constant 0 : i32
      %cond3A_246 = arith.cmpi ne, %convert_element_type3A_244, %cond3A_245 : i32
      scf.if %cond3A_246 {
        %dma_start3A_363 = arith.constant 0 : i32
        %dma_start3A_364 = arith.constant 0 : i32
        %dma_start3A_365 = tpu.memref_slice %arg2[%dma_start3A_363, %add3A_223, %dma_start3A_364] : memref<4x8192x1024xf32, #tpu.memory_space<hbm>> -> memref<1x8x1024xf32, #tpu.memory_space<hbm>>
        %dma_start3A_366 = tpu.memref_squeeze %dma_start3A_365 : memref<1x8x1024xf32, #tpu.memory_space<hbm>> -> memref<8x1024xf32, #tpu.memory_space<hbm>>
        %dma_start3A_367 = arith.constant 0 : i32
        %dma_start3A_368 = tpu.memref_slice %arg2[%dma_start3A_363, %add3A_223, %dma_start3A_367] : memref<4x8192x1024xf32, #tpu.memory_space<hbm>> -> memref<1x8x1024xf32, #tpu.memory_space<hbm>>
        %dma_start3A_369 = tpu.memref_squeeze %dma_start3A_368 : memref<1x8x1024xf32, #tpu.memory_space<hbm>> -> memref<8x1024xf32, #tpu.memory_space<hbm>>
        tpu.enqueue_dma source(%dma_start3A_369 : memref<8x1024xf32, #tpu.memory_space<hbm>>) target(%arg6 : memref<8x1024xf32, #tpu.memory_space<vmem>>) target_semaphore(%arg16 : memref<!tpu.dma_semaphore, #tpu.memory_space<semaphore_mem>>)
      } else {
      }
      %dma_wait3A_247 = arith.constant 0 : i32
      %dma_wait3A_248 = arith.constant 0 : i32
      %dma_wait3A_249 = tpu.memref_slice %arg2[%dma_wait3A_247, %add3A_221, %dma_wait3A_248] : memref<4x8192x1024xf32, #tpu.memory_space<hbm>> -> memref<1x8x1024xf32, #tpu.memory_space<hbm>>
      %dma_wait3A_250 = tpu.memref_squeeze %dma_wait3A_249 : memref<1x8x1024xf32, #tpu.memory_space<hbm>> -> memref<8x1024xf32, #tpu.memory_space<hbm>>
      %dma_wait3A_251 = arith.constant 0 : i32
      %dma_wait3A_252 = tpu.memref_slice %arg2[%dma_wait3A_247, %add3A_221, %dma_wait3A_251] : memref<4x8192x1024xf32, #tpu.memory_space<hbm>> -> memref<1x8x1024xf32, #tpu.memory_space<hbm>>
      %dma_wait3A_253 = tpu.memref_squeeze %dma_wait3A_252 : memref<1x8x1024xf32, #tpu.memory_space<hbm>> -> memref<8x1024xf32, #tpu.memory_space<hbm>>
      tpu.wait_dma2 semaphore(%arg20 : memref<!tpu.dma_semaphore, #tpu.memory_space<semaphore_mem>>) src(%dma_wait3A_253 : memref<8x1024xf32, #tpu.memory_space<hbm>>) dst(%arg10 : memref<8x1024xf32, #tpu.memory_space<vmem>>)
      %scan3A_254 = arith.constant 0 : i32
      %scan3A_255 = arith.constant 0 : i32
      %scan3A_256 = arith.constant 8 : i32
      %scan3A_257 = arith.addi %scan3A_255, %scan3A_256 : i32
      %scan3A_258 = arith.constant 1 : i32
      scf.for %scan3A_363 = %scan3A_255 to %scan3A_257 step %scan3A_258  : i32 {
        %scan3A_364 = arith.constant 0 : i32
        %scan3A_365 = arith.constant 8 : i32
        %scan3A_366 = arith.addi %scan3A_364, %scan3A_365 : i32
        %scan3A_367 = arith.constant 1 : i32
        scf.for %scan3A_369 = %scan3A_364 to %scan3A_366 step %scan3A_367  : i32 {
          %mul3A_370 = arith.constant 128 : i32
          %mul3A_371 = arith.muli %scan3A_369, %mul3A_370 : i32
          %add3A_372 = arith.constant 0 : i32
          %add3A_373 = arith.addi %mul3A_371, %add3A_372 : i32
          %add3A_374 = arith.constant 16 : i32
          %add3A_375 = arith.addi %mul3A_371, %add3A_374 : i32
          %add3A_376 = arith.constant 32 : i32
          %add3A_377 = arith.addi %mul3A_371, %add3A_376 : i32
          %add3A_378 = arith.constant 48 : i32
          %add3A_379 = arith.addi %mul3A_371, %add3A_378 : i32
          %add3A_380 = arith.constant 64 : i32
          %add3A_381 = arith.addi %mul3A_371, %add3A_380 : i32
          %add3A_382 = arith.constant 80 : i32
          %add3A_383 = arith.addi %mul3A_371, %add3A_382 : i32
          %add3A_384 = arith.constant 96 : i32
          %add3A_385 = arith.addi %mul3A_371, %add3A_384 : i32
          %add3A_386 = arith.constant 112 : i32
          %add3A_387 = arith.addi %mul3A_371, %add3A_386 : i32
          %get3A_388 = arith.index_cast %scan3A_363 : i32 to index
          %get3A_389 = arith.index_cast %add3A_373 : i32 to index
          %get3A_390 = tpu.vector_load %arg10[%get3A_388, %get3A_389] {strides = array<i32>} : memref<8x1024xf32, #tpu.memory_space<vmem>>, vector<1x16xf32>,
          %get3A_391 = vector.shape_cast %get3A_390 : vector<1x16xf32> to vector<16xf32>
          %get3A_392 = arith.index_cast %scan3A_363 : i32 to index
          %get3A_393 = arith.index_cast %add3A_375 : i32 to index
          %get3A_394 = tpu.vector_load %arg10[%get3A_392, %get3A_393] {strides = array<i32>} : memref<8x1024xf32, #tpu.memory_space<vmem>>, vector<1x16xf32>,
          %get3A_395 = vector.shape_cast %get3A_394 : vector<1x16xf32> to vector<16xf32>
          %get3A_396 = arith.index_cast %scan3A_363 : i32 to index
          %get3A_397 = arith.index_cast %add3A_377 : i32 to index
          %get3A_398 = tpu.vector_load %arg10[%get3A_396, %get3A_397] {strides = array<i32>} : memref<8x1024xf32, #tpu.memory_space<vmem>>, vector<1x16xf32>,
          %get3A_399 = vector.shape_cast %get3A_398 : vector<1x16xf32> to vector<16xf32>
          %get3A_400 = arith.index_cast %scan3A_363 : i32 to index
          %get3A_401 = arith.index_cast %add3A_379 : i32 to index
          %get3A_402 = tpu.vector_load %arg10[%get3A_400, %get3A_401] {strides = array<i32>} : memref<8x1024xf32, #tpu.memory_space<vmem>>, vector<1x16xf32>,
          %get3A_403 = vector.shape_cast %get3A_402 : vector<1x16xf32> to vector<16xf32>
          %get3A_404 = arith.index_cast %scan3A_363 : i32 to index
          %get3A_405 = arith.index_cast %add3A_381 : i32 to index
          %get3A_406 = tpu.vector_load %arg10[%get3A_404, %get3A_405] {strides = array<i32>} : memref<8x1024xf32, #tpu.memory_space<vmem>>, vector<1x16xf32>,
          %get3A_407 = vector.shape_cast %get3A_406 : vector<1x16xf32> to vector<16xf32>
          %get3A_408 = arith.index_cast %scan3A_363 : i32 to index
          %get3A_409 = arith.index_cast %add3A_383 : i32 to index
          %get3A_410 = tpu.vector_load %arg10[%get3A_408, %get3A_409] {strides = array<i32>} : memref<8x1024xf32, #tpu.memory_space<vmem>>, vector<1x16xf32>,
          %get3A_411 = vector.shape_cast %get3A_410 : vector<1x16xf32> to vector<16xf32>
          %get3A_412 = arith.index_cast %scan3A_363 : i32 to index
          %get3A_413 = arith.index_cast %add3A_385 : i32 to index
          %get3A_414 = tpu.vector_load %arg10[%get3A_412, %get3A_413] {strides = array<i32>} : memref<8x1024xf32, #tpu.memory_space<vmem>>, vector<1x16xf32>,
          %get3A_415 = vector.shape_cast %get3A_414 : vector<1x16xf32> to vector<16xf32>
          %get3A_416 = arith.index_cast %scan3A_363 : i32 to index
          %get3A_417 = arith.index_cast %add3A_387 : i32 to index
          %get3A_418 = tpu.vector_load %arg10[%get3A_416, %get3A_417] {strides = array<i32>} : memref<8x1024xf32, #tpu.memory_space<vmem>>, vector<1x16xf32>,
          %get3A_419 = vector.shape_cast %get3A_418 : vector<1x16xf32> to vector<16xf32>
          %get3A_420 = arith.index_cast %scan3A_363 : i32 to index
          %get3A_421 = arith.index_cast %add3A_373 : i32 to index
          %get3A_422 = tpu.vector_load %arg15[%get3A_420, %get3A_421] {strides = array<i32>} : memref<8x1024xf32, #tpu.memory_space<vmem>>, vector<1x16xf32>,
          %get3A_423 = vector.shape_cast %get3A_422 : vector<1x16xf32> to vector<16xf32>
          %get3A_424 = arith.index_cast %scan3A_363 : i32 to index
          %get3A_425 = arith.index_cast %add3A_375 : i32 to index
          %get3A_426 = tpu.vector_load %arg15[%get3A_424, %get3A_425] {strides = array<i32>} : memref<8x1024xf32, #tpu.memory_space<vmem>>, vector<1x16xf32>,
          %get3A_427 = vector.shape_cast %get3A_426 : vector<1x16xf32> to vector<16xf32>
          %get3A_428 = arith.index_cast %scan3A_363 : i32 to index
          %get3A_429 = arith.index_cast %add3A_377 : i32 to index
          %get3A_430 = tpu.vector_load %arg15[%get3A_428, %get3A_429] {strides = array<i32>} : memref<8x1024xf32, #tpu.memory_space<vmem>>, vector<1x16xf32>,
          %get3A_431 = vector.shape_cast %get3A_430 : vector<1x16xf32> to vector<16xf32>
          %get3A_432 = arith.index_cast %scan3A_363 : i32 to index
          %get3A_433 = arith.index_cast %add3A_379 : i32 to index
          %get3A_434 = tpu.vector_load %arg15[%get3A_432, %get3A_433] {strides = array<i32>} : memref<8x1024xf32, #tpu.memory_space<vmem>>, vector<1x16xf32>,
          %get3A_435 = vector.shape_cast %get3A_434 : vector<1x16xf32> to vector<16xf32>
          %get3A_436 = arith.index_cast %scan3A_363 : i32 to index
          %get3A_437 = arith.index_cast %add3A_381 : i32 to index
          %get3A_438 = tpu.vector_load %arg15[%get3A_436, %get3A_437] {strides = array<i32>} : memref<8x1024xf32, #tpu.memory_space<vmem>>, vector<1x16xf32>,
          %get3A_439 = vector.shape_cast %get3A_438 : vector<1x16xf32> to vector<16xf32>
          %get3A_440 = arith.index_cast %scan3A_363 : i32 to index
          %get3A_441 = arith.index_cast %add3A_383 : i32 to index
          %get3A_442 = tpu.vector_load %arg15[%get3A_440, %get3A_441] {strides = array<i32>} : memref<8x1024xf32, #tpu.memory_space<vmem>>, vector<1x16xf32>,
          %get3A_443 = vector.shape_cast %get3A_442 : vector<1x16xf32> to vector<16xf32>
          %get3A_444 = arith.index_cast %scan3A_363 : i32 to index
          %get3A_445 = arith.index_cast %add3A_385 : i32 to index
          %get3A_446 = tpu.vector_load %arg15[%get3A_444, %get3A_445] {strides = array<i32>} : memref<8x1024xf32, #tpu.memory_space<vmem>>, vector<1x16xf32>,
          %get3A_447 = vector.shape_cast %get3A_446 : vector<1x16xf32> to vector<16xf32>
          %get3A_448 = arith.index_cast %scan3A_363 : i32 to index
          %get3A_449 = arith.index_cast %add3A_387 : i32 to index
          %get3A_450 = tpu.vector_load %arg15[%get3A_448, %get3A_449] {strides = array<i32>} : memref<8x1024xf32, #tpu.memory_space<vmem>>, vector<1x16xf32>,
          %get3A_451 = vector.shape_cast %get3A_450 : vector<1x16xf32> to vector<16xf32>
          %mul3A_452 = vector.broadcast %squeeze3A : f32 to vector<16xf32>
          %mul3A_453 = arith.mulf %get3A_391, %mul3A_452 : vector<16xf32>
          %add3A_454 = arith.addf %mul3A_453, %get3A_423 : vector<16xf32>
          %mul3A_455 = vector.broadcast %squeeze3A : f32 to vector<16xf32>
          %mul3A_456 = arith.mulf %get3A_395, %mul3A_455 : vector<16xf32>
          %add3A_457 = arith.addf %mul3A_456, %get3A_427 : vector<16xf32>
          %mul3A_458 = vector.broadcast %squeeze3A : f32 to vector<16xf32>
          %mul3A_459 = arith.mulf %get3A_399, %mul3A_458 : vector<16xf32>
          %add3A_460 = arith.addf %mul3A_459, %get3A_431 : vector<16xf32>
          %mul3A_461 = vector.broadcast %squeeze3A : f32 to vector<16xf32>
          %mul3A_462 = arith.mulf %get3A_403, %mul3A_461 : vector<16xf32>
          %add3A_463 = arith.addf %mul3A_462, %get3A_435 : vector<16xf32>
          %mul3A_464 = vector.broadcast %squeeze3A : f32 to vector<16xf32>
          %mul3A_465 = arith.mulf %get3A_407, %mul3A_464 : vector<16xf32>
          %add3A_466 = arith.addf %mul3A_465, %get3A_439 : vector<16xf32>
          %mul3A_467 = vector.broadcast %squeeze3A : f32 to vector<16xf32>
          %mul3A_468 = arith.mulf %get3A_411, %mul3A_467 : vector<16xf32>
          %add3A_469 = arith.addf %mul3A_468, %get3A_443 : vector<16xf32>
          %mul3A_470 = vector.broadcast %squeeze3A : f32 to vector<16xf32>
          %mul3A_471 = arith.mulf %get3A_415, %mul3A_470 : vector<16xf32>
          %add3A_472 = arith.addf %mul3A_471, %get3A_447 : vector<16xf32>
          %mul3A_473 = vector.broadcast %squeeze3A : f32 to vector<16xf32>
          %mul3A_474 = arith.mulf %get3A_419, %mul3A_473 : vector<16xf32>
          %add3A_475 = arith.addf %mul3A_474, %get3A_451 : vector<16xf32>
          %swap3A = arith.index_cast %scan3A_363 : i32 to index
          %swap3A_476 = arith.index_cast %add3A_373 : i32 to index
          %swap3A_477 = tpu.vector_load %arg10[%swap3A, %swap3A_476] {strides = array<i32>} : memref<8x1024xf32, #tpu.memory_space<vmem>>, vector<1x16xf32>,
          %swap3A_478 = vector.shape_cast %swap3A_477 : vector<1x16xf32> to vector<16xf32>
          %swap3A_479 = vector.shape_cast %add3A_454 : vector<16xf32> to vector<1x16xf32>
          tpu.vector_store %arg10[%swap3A, %swap3A_476], %swap3A_479 {strides = array<i32>} : memref<8x1024xf32, #tpu.memory_space<vmem>>, vector<1x16xf32>,
          %swap3A_480 = arith.index_cast %scan3A_363 : i32 to index
          %swap3A_481 = arith.index_cast %add3A_375 : i32 to index
          %swap3A_482 = tpu.vector_load %arg10[%swap3A_480, %swap3A_481] {strides = array<i32>} : memref<8x1024xf32, #tpu.memory_space<vmem>>, vector<1x16xf32>,
          %swap3A_483 = vector.shape_cast %swap3A_482 : vector<1x16xf32> to vector<16xf32>
          %swap3A_484 = vector.shape_cast %add3A_457 : vector<16xf32> to vector<1x16xf32>
          tpu.vector_store %arg10[%swap3A_480, %swap3A_481], %swap3A_484 {strides = array<i32>} : memref<8x1024xf32, #tpu.memory_space<vmem>>, vector<1x16xf32>,
          %swap3A_485 = arith.index_cast %scan3A_363 : i32 to index
          %swap3A_486 = arith.index_cast %add3A_377 : i32 to index
          %swap3A_487 = tpu.vector_load %arg10[%swap3A_485, %swap3A_486] {strides = array<i32>} : memref<8x1024xf32, #tpu.memory_space<vmem>>, vector<1x16xf32>,
          %swap3A_488 = vector.shape_cast %swap3A_487 : vector<1x16xf32> to vector<16xf32>
          %swap3A_489 = vector.shape_cast %add3A_460 : vector<16xf32> to vector<1x16xf32>
          tpu.vector_store %arg10[%swap3A_485, %swap3A_486], %swap3A_489 {strides = array<i32>} : memref<8x1024xf32, #tpu.memory_space<vmem>>, vector<1x16xf32>,
          %swap3A_490 = arith.index_cast %scan3A_363 : i32 to index
          %swap3A_491 = arith.index_cast %add3A_379 : i32 to index
          %swap3A_492 = tpu.vector_load %arg10[%swap3A_490, %swap3A_491] {strides = array<i32>} : memref<8x1024xf32, #tpu.memory_space<vmem>>, vector<1x16xf32>,
          %swap3A_493 = vector.shape_cast %swap3A_492 : vector<1x16xf32> to vector<16xf32>
          %swap3A_494 = vector.shape_cast %add3A_463 : vector<16xf32> to vector<1x16xf32>
          tpu.vector_store %arg10[%swap3A_490, %swap3A_491], %swap3A_494 {strides = array<i32>} : memref<8x1024xf32, #tpu.memory_space<vmem>>, vector<1x16xf32>,
          %swap3A_495 = arith.index_cast %scan3A_363 : i32 to index
          %swap3A_496 = arith.index_cast %add3A_381 : i32 to index
          %swap3A_497 = tpu.vector_load %arg10[%swap3A_495, %swap3A_496] {strides = array<i32>} : memref<8x1024xf32, #tpu.memory_space<vmem>>, vector<1x16xf32>,
          %swap3A_498 = vector.shape_cast %swap3A_497 : vector<1x16xf32> to vector<16xf32>
          %swap3A_499 = vector.shape_cast %add3A_466 : vector<16xf32> to vector<1x16xf32>
          tpu.vector_store %arg10[%swap3A_495, %swap3A_496], %swap3A_499 {strides = array<i32>} : memref<8x1024xf32, #tpu.memory_space<vmem>>, vector<1x16xf32>,
          %swap3A_500 = arith.index_cast %scan3A_363 : i32 to index
          %swap3A_501 = arith.index_cast %add3A_383 : i32 to index
          %swap3A_502 = tpu.vector_load %arg10[%swap3A_500, %swap3A_501] {strides = array<i32>} : memref<8x1024xf32, #tpu.memory_space<vmem>>, vector<1x16xf32>,
          %swap3A_503 = vector.shape_cast %swap3A_502 : vector<1x16xf32> to vector<16xf32>
          %swap3A_504 = vector.shape_cast %add3A_469 : vector<16xf32> to vector<1x16xf32>
          tpu.vector_store %arg10[%swap3A_500, %swap3A_501], %swap3A_504 {strides = array<i32>} : memref<8x1024xf32, #tpu.memory_space<vmem>>, vector<1x16xf32>,
          %swap3A_505 = arith.index_cast %scan3A_363 : i32 to index
          %swap3A_506 = arith.index_cast %add3A_385 : i32 to index
          %swap3A_507 = tpu.vector_load %arg10[%swap3A_505, %swap3A_506] {strides = array<i32>} : memref<8x1024xf32, #tpu.memory_space<vmem>>, vector<1x16xf32>,
          %swap3A_508 = vector.shape_cast %swap3A_507 : vector<1x16xf32> to vector<16xf32>
          %swap3A_509 = vector.shape_cast %add3A_472 : vector<16xf32> to vector<1x16xf32>
          tpu.vector_store %arg10[%swap3A_505, %swap3A_506], %swap3A_509 {strides = array<i32>} : memref<8x1024xf32, #tpu.memory_space<vmem>>, vector<1x16xf32>,
          %swap3A_510 = arith.index_cast %scan3A_363 : i32 to index
          %swap3A_511 = arith.index_cast %add3A_387 : i32 to index
          %swap3A_512 = tpu.vector_load %arg10[%swap3A_510, %swap3A_511] {strides = array<i32>} : memref<8x1024xf32, #tpu.memory_space<vmem>>, vector<1x16xf32>,
          %swap3A_513 = vector.shape_cast %swap3A_512 : vector<1x16xf32> to vector<16xf32>
          %swap3A_514 = vector.shape_cast %add3A_475 : vector<16xf32> to vector<1x16xf32>
          tpu.vector_store %arg10[%swap3A_510, %swap3A_511], %swap3A_514 {strides = array<i32>} : memref<8x1024xf32, #tpu.memory_space<vmem>>, vector<1x16xf32>,
        }
        %scan3A_368 = arith.constant 8 : i32
      }
      %scan3A_259 = arith.constant 8 : i32
      %dma_start3A_260 = arith.constant 0 : i32
      %dma_start3A_261 = arith.constant 0 : i32
      %dma_start3A_262 = tpu.memref_slice %arg5[%dma_start3A_260, %add3A_221, %dma_start3A_261] : memref<4x8192x1024xf32, #tpu.memory_space<hbm>> -> memref<1x8x1024xf32, #tpu.memory_space<hbm>>
      %dma_start3A_263 = tpu.memref_squeeze %dma_start3A_262 : memref<1x8x1024xf32, #tpu.memory_space<hbm>> -> memref<8x1024xf32, #tpu.memory_space<hbm>>
      %dma_start3A_264 = arith.constant 0 : i32
      %dma_start3A_265 = tpu.memref_slice %arg5[%dma_start3A_260, %add3A_221, %dma_start3A_264] : memref<4x8192x1024xf32, #tpu.memory_space<hbm>> -> memref<1x8x1024xf32, #tpu.memory_space<hbm>>
      %dma_start3A_266 = tpu.memref_squeeze %dma_start3A_265 : memref<1x8x1024xf32, #tpu.memory_space<hbm>> -> memref<8x1024xf32, #tpu.memory_space<hbm>>
      tpu.enqueue_dma source(%arg10 : memref<8x1024xf32, #tpu.memory_space<vmem>>) target(%dma_start3A_266 : memref<8x1024xf32, #tpu.memory_space<hbm>>) target_semaphore(%arg28 : memref<!tpu.dma_semaphore, #tpu.memory_space<semaphore_mem>>)
      %ge3A_267 = arith.constant 1 : i32
      %ge3A_268 = arith.cmpi sge, %add3A_218, %ge3A_267 : i32
      %convert_element_type3A_269 = arith.extui %ge3A_268 : i1 to i32
      %cond3A_270 = arith.constant 0 : i32
      %cond3A_271 = arith.cmpi ne, %convert_element_type3A_269, %cond3A_270 : i32
      scf.if %cond3A_271 {
        %dma_wait3A_363 = arith.constant 1 : i32
        %dma_wait3A_364 = arith.constant 0 : i32
        %dma_wait3A_365 = tpu.memref_slice %arg5[%dma_wait3A_363, %add3A_221, %dma_wait3A_364] : memref<4x8192x1024xf32, #tpu.memory_space<hbm>> -> memref<1x8x1024xf32, #tpu.memory_space<hbm>>
        %dma_wait3A_366 = tpu.memref_squeeze %dma_wait3A_365 : memref<1x8x1024xf32, #tpu.memory_space<hbm>> -> memref<8x1024xf32, #tpu.memory_space<hbm>>
        %dma_wait3A_367 = arith.constant 0 : i32
        %dma_wait3A_368 = tpu.memref_slice %arg5[%dma_wait3A_363, %add3A_221, %dma_wait3A_367] : memref<4x8192x1024xf32, #tpu.memory_space<hbm>> -> memref<1x8x1024xf32, #tpu.memory_space<hbm>>
        %dma_wait3A_369 = tpu.memref_squeeze %dma_wait3A_368 : memref<1x8x1024xf32, #tpu.memory_space<hbm>> -> memref<8x1024xf32, #tpu.memory_space<hbm>>
        tpu.wait_dma2 semaphore(%arg25 : memref<!tpu.dma_semaphore, #tpu.memory_space<semaphore_mem>>) src(%arg7 : memref<8x1024xf32, #tpu.memory_space<vmem>>) dst(%dma_wait3A_369 : memref<8x1024xf32, #tpu.memory_space<hbm>>)
      } else {
      }
      %add3A_272 = arith.constant 1 : i32
      %add3A_273 = arith.addi %add3A_218, %add3A_272 : i32
      %lt3A_274 = arith.constant 32 : i32
      %lt3A_275 = arith.cmpi slt, %add3A_273, %lt3A_274 : i32
      %convert_element_type3A_276 = arith.extui %lt3A_275 : i1 to i32
      %cond3A_277 = arith.constant 0 : i32
      %cond3A_278 = arith.cmpi ne, %convert_element_type3A_276, %cond3A_277 : i32
      scf.if %cond3A_278 {
        %dma_start3A_363 = arith.constant 1 : i32
        %dma_start3A_364 = arith.constant 0 : i32
        %dma_start3A_365 = tpu.memref_slice %arg2[%dma_start3A_363, %add3A_223, %dma_start3A_364] : memref<4x8192x1024xf32, #tpu.memory_space<hbm>> -> memref<1x8x1024xf32, #tpu.memory_space<hbm>>
        %dma_start3A_366 = tpu.memref_squeeze %dma_start3A_365 : memref<1x8x1024xf32, #tpu.memory_space<hbm>> -> memref<8x1024xf32, #tpu.memory_space<hbm>>
        %dma_start3A_367 = arith.constant 0 : i32
        %dma_start3A_368 = tpu.memref_slice %arg2[%dma_start3A_363, %add3A_223, %dma_start3A_367] : memref<4x8192x1024xf32, #tpu.memory_space<hbm>> -> memref<1x8x1024xf32, #tpu.memory_space<hbm>>
        %dma_start3A_369 = tpu.memref_squeeze %dma_start3A_368 : memref<1x8x1024xf32, #tpu.memory_space<hbm>> -> memref<8x1024xf32, #tpu.memory_space<hbm>>
        tpu.enqueue_dma source(%dma_start3A_369 : memref<8x1024xf32, #tpu.memory_space<hbm>>) target(%arg7 : memref<8x1024xf32, #tpu.memory_space<vmem>>) target_semaphore(%arg17 : memref<!tpu.dma_semaphore, #tpu.memory_space<semaphore_mem>>)
      } else {
      }
      %dma_wait3A_279 = arith.constant 1 : i32
      %dma_wait3A_280 = arith.constant 0 : i32
      %dma_wait3A_281 = tpu.memref_slice %arg2[%dma_wait3A_279, %add3A_221, %dma_wait3A_280] : memref<4x8192x1024xf32, #tpu.memory_space<hbm>> -> memref<1x8x1024xf32, #tpu.memory_space<hbm>>
      %dma_wait3A_282 = tpu.memref_squeeze %dma_wait3A_281 : memref<1x8x1024xf32, #tpu.memory_space<hbm>> -> memref<8x1024xf32, #tpu.memory_space<hbm>>
      %dma_wait3A_283 = arith.constant 0 : i32
      %dma_wait3A_284 = tpu.memref_slice %arg2[%dma_wait3A_279, %add3A_221, %dma_wait3A_283] : memref<4x8192x1024xf32, #tpu.memory_space<hbm>> -> memref<1x8x1024xf32, #tpu.memory_space<hbm>>
      %dma_wait3A_285 = tpu.memref_squeeze %dma_wait3A_284 : memref<1x8x1024xf32, #tpu.memory_space<hbm>> -> memref<8x1024xf32, #tpu.memory_space<hbm>>
      tpu.wait_dma2 semaphore(%arg21 : memref<!tpu.dma_semaphore, #tpu.memory_space<semaphore_mem>>) src(%dma_wait3A_285 : memref<8x1024xf32, #tpu.memory_space<hbm>>) dst(%arg11 : memref<8x1024xf32, #tpu.memory_space<vmem>>)
      %scan3A_286 = arith.constant 0 : i32
      %scan3A_287 = arith.constant 0 : i32
      %scan3A_288 = arith.constant 8 : i32
      %scan3A_289 = arith.addi %scan3A_287, %scan3A_288 : i32
      %scan3A_290 = arith.constant 1 : i32
      scf.for %scan3A_363 = %scan3A_287 to %scan3A_289 step %scan3A_290  : i32 {
        %scan3A_364 = arith.constant 0 : i32
        %scan3A_365 = arith.constant 8 : i32
        %scan3A_366 = arith.addi %scan3A_364, %scan3A_365 : i32
        %scan3A_367 = arith.constant 1 : i32
        scf.for %scan3A_369 = %scan3A_364 to %scan3A_366 step %scan3A_367  : i32 {
          %mul3A_370 = arith.constant 128 : i32
          %mul3A_371 = arith.muli %scan3A_369, %mul3A_370 : i32
          %add3A_372 = arith.constant 0 : i32
          %add3A_373 = arith.addi %mul3A_371, %add3A_372 : i32
          %add3A_374 = arith.constant 16 : i32
          %add3A_375 = arith.addi %mul3A_371, %add3A_374 : i32
          %add3A_376 = arith.constant 32 : i32
          %add3A_377 = arith.addi %mul3A_371, %add3A_376 : i32
          %add3A_378 = arith.constant 48 : i32
          %add3A_379 = arith.addi %mul3A_371, %add3A_378 : i32
          %add3A_380 = arith.constant 64 : i32
          %add3A_381 = arith.addi %mul3A_371, %add3A_380 : i32
          %add3A_382 = arith.constant 80 : i32
          %add3A_383 = arith.addi %mul3A_371, %add3A_382 : i32
          %add3A_384 = arith.constant 96 : i32
          %add3A_385 = arith.addi %mul3A_371, %add3A_384 : i32
          %add3A_386 = arith.constant 112 : i32
          %add3A_387 = arith.addi %mul3A_371, %add3A_386 : i32
          %get3A_388 = arith.index_cast %scan3A_363 : i32 to index
          %get3A_389 = arith.index_cast %add3A_373 : i32 to index
          %get3A_390 = tpu.vector_load %arg11[%get3A_388, %get3A_389] {strides = array<i32>} : memref<8x1024xf32, #tpu.memory_space<vmem>>, vector<1x16xf32>,
          %get3A_391 = vector.shape_cast %get3A_390 : vector<1x16xf32> to vector<16xf32>
          %get3A_392 = arith.index_cast %scan3A_363 : i32 to index
          %get3A_393 = arith.index_cast %add3A_375 : i32 to index
          %get3A_394 = tpu.vector_load %arg11[%get3A_392, %get3A_393] {strides = array<i32>} : memref<8x1024xf32, #tpu.memory_space<vmem>>, vector<1x16xf32>,
          %get3A_395 = vector.shape_cast %get3A_394 : vector<1x16xf32> to vector<16xf32>
          %get3A_396 = arith.index_cast %scan3A_363 : i32 to index
          %get3A_397 = arith.index_cast %add3A_377 : i32 to index
          %get3A_398 = tpu.vector_load %arg11[%get3A_396, %get3A_397] {strides = array<i32>} : memref<8x1024xf32, #tpu.memory_space<vmem>>, vector<1x16xf32>,
          %get3A_399 = vector.shape_cast %get3A_398 : vector<1x16xf32> to vector<16xf32>
          %get3A_400 = arith.index_cast %scan3A_363 : i32 to index
          %get3A_401 = arith.index_cast %add3A_379 : i32 to index
          %get3A_402 = tpu.vector_load %arg11[%get3A_400, %get3A_401] {strides = array<i32>} : memref<8x1024xf32, #tpu.memory_space<vmem>>, vector<1x16xf32>,
          %get3A_403 = vector.shape_cast %get3A_402 : vector<1x16xf32> to vector<16xf32>
          %get3A_404 = arith.index_cast %scan3A_363 : i32 to index
          %get3A_405 = arith.index_cast %add3A_381 : i32 to index
          %get3A_406 = tpu.vector_load %arg11[%get3A_404, %get3A_405] {strides = array<i32>} : memref<8x1024xf32, #tpu.memory_space<vmem>>, vector<1x16xf32>,
          %get3A_407 = vector.shape_cast %get3A_406 : vector<1x16xf32> to vector<16xf32>
          %get3A_408 = arith.index_cast %scan3A_363 : i32 to index
          %get3A_409 = arith.index_cast %add3A_383 : i32 to index
          %get3A_410 = tpu.vector_load %arg11[%get3A_408, %get3A_409] {strides = array<i32>} : memref<8x1024xf32, #tpu.memory_space<vmem>>, vector<1x16xf32>,
          %get3A_411 = vector.shape_cast %get3A_410 : vector<1x16xf32> to vector<16xf32>
          %get3A_412 = arith.index_cast %scan3A_363 : i32 to index
          %get3A_413 = arith.index_cast %add3A_385 : i32 to index
          %get3A_414 = tpu.vector_load %arg11[%get3A_412, %get3A_413] {strides = array<i32>} : memref<8x1024xf32, #tpu.memory_space<vmem>>, vector<1x16xf32>,
          %get3A_415 = vector.shape_cast %get3A_414 : vector<1x16xf32> to vector<16xf32>
          %get3A_416 = arith.index_cast %scan3A_363 : i32 to index
          %get3A_417 = arith.index_cast %add3A_387 : i32 to index
          %get3A_418 = tpu.vector_load %arg11[%get3A_416, %get3A_417] {strides = array<i32>} : memref<8x1024xf32, #tpu.memory_space<vmem>>, vector<1x16xf32>,
          %get3A_419 = vector.shape_cast %get3A_418 : vector<1x16xf32> to vector<16xf32>
          %get3A_420 = arith.index_cast %scan3A_363 : i32 to index
          %get3A_421 = arith.index_cast %add3A_373 : i32 to index
          %get3A_422 = tpu.vector_load %arg15[%get3A_420, %get3A_421] {strides = array<i32>} : memref<8x1024xf32, #tpu.memory_space<vmem>>, vector<1x16xf32>,
          %get3A_423 = vector.shape_cast %get3A_422 : vector<1x16xf32> to vector<16xf32>
          %get3A_424 = arith.index_cast %scan3A_363 : i32 to index
          %get3A_425 = arith.index_cast %add3A_375 : i32 to index
          %get3A_426 = tpu.vector_load %arg15[%get3A_424, %get3A_425] {strides = array<i32>} : memref<8x1024xf32, #tpu.memory_space<vmem>>, vector<1x16xf32>,
          %get3A_427 = vector.shape_cast %get3A_426 : vector<1x16xf32> to vector<16xf32>
          %get3A_428 = arith.index_cast %scan3A_363 : i32 to index
          %get3A_429 = arith.index_cast %add3A_377 : i32 to index
          %get3A_430 = tpu.vector_load %arg15[%get3A_428, %get3A_429] {strides = array<i32>} : memref<8x1024xf32, #tpu.memory_space<vmem>>, vector<1x16xf32>,
          %get3A_431 = vector.shape_cast %get3A_430 : vector<1x16xf32> to vector<16xf32>
          %get3A_432 = arith.index_cast %scan3A_363 : i32 to index
          %get3A_433 = arith.index_cast %add3A_379 : i32 to index
          %get3A_434 = tpu.vector_load %arg15[%get3A_432, %get3A_433] {strides = array<i32>} : memref<8x1024xf32, #tpu.memory_space<vmem>>, vector<1x16xf32>,
          %get3A_435 = vector.shape_cast %get3A_434 : vector<1x16xf32> to vector<16xf32>
          %get3A_436 = arith.index_cast %scan3A_363 : i32 to index
          %get3A_437 = arith.index_cast %add3A_381 : i32 to index
          %get3A_438 = tpu.vector_load %arg15[%get3A_436, %get3A_437] {strides = array<i32>} : memref<8x1024xf32, #tpu.memory_space<vmem>>, vector<1x16xf32>,
          %get3A_439 = vector.shape_cast %get3A_438 : vector<1x16xf32> to vector<16xf32>
          %get3A_440 = arith.index_cast %scan3A_363 : i32 to index
          %get3A_441 = arith.index_cast %add3A_383 : i32 to index
          %get3A_442 = tpu.vector_load %arg15[%get3A_440, %get3A_441] {strides = array<i32>} : memref<8x1024xf32, #tpu.memory_space<vmem>>, vector<1x16xf32>,
          %get3A_443 = vector.shape_cast %get3A_442 : vector<1x16xf32> to vector<16xf32>
          %get3A_444 = arith.index_cast %scan3A_363 : i32 to index
          %get3A_445 = arith.index_cast %add3A_385 : i32 to index
          %get3A_446 = tpu.vector_load %arg15[%get3A_444, %get3A_445] {strides = array<i32>} : memref<8x1024xf32, #tpu.memory_space<vmem>>, vector<1x16xf32>,
          %get3A_447 = vector.shape_cast %get3A_446 : vector<1x16xf32> to vector<16xf32>
          %get3A_448 = arith.index_cast %scan3A_363 : i32 to index
          %get3A_449 = arith.index_cast %add3A_387 : i32 to index
          %get3A_450 = tpu.vector_load %arg15[%get3A_448, %get3A_449] {strides = array<i32>} : memref<8x1024xf32, #tpu.memory_space<vmem>>, vector<1x16xf32>,
          %get3A_451 = vector.shape_cast %get3A_450 : vector<1x16xf32> to vector<16xf32>
          %mul3A_452 = vector.broadcast %squeeze3A : f32 to vector<16xf32>
          %mul3A_453 = arith.mulf %get3A_391, %mul3A_452 : vector<16xf32>
          %add3A_454 = arith.addf %mul3A_453, %get3A_423 : vector<16xf32>
          %mul3A_455 = vector.broadcast %squeeze3A : f32 to vector<16xf32>
          %mul3A_456 = arith.mulf %get3A_395, %mul3A_455 : vector<16xf32>
          %add3A_457 = arith.addf %mul3A_456, %get3A_427 : vector<16xf32>
          %mul3A_458 = vector.broadcast %squeeze3A : f32 to vector<16xf32>
          %mul3A_459 = arith.mulf %get3A_399, %mul3A_458 : vector<16xf32>
          %add3A_460 = arith.addf %mul3A_459, %get3A_431 : vector<16xf32>
          %mul3A_461 = vector.broadcast %squeeze3A : f32 to vector<16xf32>
          %mul3A_462 = arith.mulf %get3A_403, %mul3A_461 : vector<16xf32>
          %add3A_463 = arith.addf %mul3A_462, %get3A_435 : vector<16xf32>
          %mul3A_464 = vector.broadcast %squeeze3A : f32 to vector<16xf32>
          %mul3A_465 = arith.mulf %get3A_407, %mul3A_464 : vector<16xf32>
          %add3A_466 = arith.addf %mul3A_465, %get3A_439 : vector<16xf32>
          %mul3A_467 = vector.broadcast %squeeze3A : f32 to vector<16xf32>
          %mul3A_468 = arith.mulf %get3A_411, %mul3A_467 : vector<16xf32>
          %add3A_469 = arith.addf %mul3A_468, %get3A_443 : vector<16xf32>
          %mul3A_470 = vector.broadcast %squeeze3A : f32 to vector<16xf32>
          %mul3A_471 = arith.mulf %get3A_415, %mul3A_470 : vector<16xf32>
          %add3A_472 = arith.addf %mul3A_471, %get3A_447 : vector<16xf32>
          %mul3A_473 = vector.broadcast %squeeze3A : f32 to vector<16xf32>
          %mul3A_474 = arith.mulf %get3A_419, %mul3A_473 : vector<16xf32>
          %add3A_475 = arith.addf %mul3A_474, %get3A_451 : vector<16xf32>
          %swap3A = arith.index_cast %scan3A_363 : i32 to index
          %swap3A_476 = arith.index_cast %add3A_373 : i32 to index
          %swap3A_477 = tpu.vector_load %arg11[%swap3A, %swap3A_476] {strides = array<i32>} : memref<8x1024xf32, #tpu.memory_space<vmem>>, vector<1x16xf32>,
          %swap3A_478 = vector.shape_cast %swap3A_477 : vector<1x16xf32> to vector<16xf32>
          %swap3A_479 = vector.shape_cast %add3A_454 : vector<16xf32> to vector<1x16xf32>
          tpu.vector_store %arg11[%swap3A, %swap3A_476], %swap3A_479 {strides = array<i32>} : memref<8x1024xf32, #tpu.memory_space<vmem>>, vector<1x16xf32>,
          %swap3A_480 = arith.index_cast %scan3A_363 : i32 to index
          %swap3A_481 = arith.index_cast %add3A_375 : i32 to index
          %swap3A_482 = tpu.vector_load %arg11[%swap3A_480, %swap3A_481] {strides = array<i32>} : memref<8x1024xf32, #tpu.memory_space<vmem>>, vector<1x16xf32>,
          %swap3A_483 = vector.shape_cast %swap3A_482 : vector<1x16xf32> to vector<16xf32>
          %swap3A_484 = vector.shape_cast %add3A_457 : vector<16xf32> to vector<1x16xf32>
          tpu.vector_store %arg11[%swap3A_480, %swap3A_481], %swap3A_484 {strides = array<i32>} : memref<8x1024xf32, #tpu.memory_space<vmem>>, vector<1x16xf32>,
          %swap3A_485 = arith.index_cast %scan3A_363 : i32 to index
          %swap3A_486 = arith.index_cast %add3A_377 : i32 to index
          %swap3A_487 = tpu.vector_load %arg11[%swap3A_485, %swap3A_486] {strides = array<i32>} : memref<8x1024xf32, #tpu.memory_space<vmem>>, vector<1x16xf32>,
          %swap3A_488 = vector.shape_cast %swap3A_487 : vector<1x16xf32> to vector<16xf32>
          %swap3A_489 = vector.shape_cast %add3A_460 : vector<16xf32> to vector<1x16xf32>
          tpu.vector_store %arg11[%swap3A_485, %swap3A_486], %swap3A_489 {strides = array<i32>} : memref<8x1024xf32, #tpu.memory_space<vmem>>, vector<1x16xf32>,
          %swap3A_490 = arith.index_cast %scan3A_363 : i32 to index
          %swap3A_491 = arith.index_cast %add3A_379 : i32 to index
          %swap3A_492 = tpu.vector_load %arg11[%swap3A_490, %swap3A_491] {strides = array<i32>} : memref<8x1024xf32, #tpu.memory_space<vmem>>, vector<1x16xf32>,
          %swap3A_493 = vector.shape_cast %swap3A_492 : vector<1x16xf32> to vector<16xf32>
          %swap3A_494 = vector.shape_cast %add3A_463 : vector<16xf32> to vector<1x16xf32>
          tpu.vector_store %arg11[%swap3A_490, %swap3A_491], %swap3A_494 {strides = array<i32>} : memref<8x1024xf32, #tpu.memory_space<vmem>>, vector<1x16xf32>,
          %swap3A_495 = arith.index_cast %scan3A_363 : i32 to index
          %swap3A_496 = arith.index_cast %add3A_381 : i32 to index
          %swap3A_497 = tpu.vector_load %arg11[%swap3A_495, %swap3A_496] {strides = array<i32>} : memref<8x1024xf32, #tpu.memory_space<vmem>>, vector<1x16xf32>,
          %swap3A_498 = vector.shape_cast %swap3A_497 : vector<1x16xf32> to vector<16xf32>
          %swap3A_499 = vector.shape_cast %add3A_466 : vector<16xf32> to vector<1x16xf32>
          tpu.vector_store %arg11[%swap3A_495, %swap3A_496], %swap3A_499 {strides = array<i32>} : memref<8x1024xf32, #tpu.memory_space<vmem>>, vector<1x16xf32>,
          %swap3A_500 = arith.index_cast %scan3A_363 : i32 to index
          %swap3A_501 = arith.index_cast %add3A_383 : i32 to index
          %swap3A_502 = tpu.vector_load %arg11[%swap3A_500, %swap3A_501] {strides = array<i32>} : memref<8x1024xf32, #tpu.memory_space<vmem>>, vector<1x16xf32>,
          %swap3A_503 = vector.shape_cast %swap3A_502 : vector<1x16xf32> to vector<16xf32>
          %swap3A_504 = vector.shape_cast %add3A_469 : vector<16xf32> to vector<1x16xf32>
          tpu.vector_store %arg11[%swap3A_500, %swap3A_501], %swap3A_504 {strides = array<i32>} : memref<8x1024xf32, #tpu.memory_space<vmem>>, vector<1x16xf32>,
          %swap3A_505 = arith.index_cast %scan3A_363 : i32 to index
          %swap3A_506 = arith.index_cast %add3A_385 : i32 to index
          %swap3A_507 = tpu.vector_load %arg11[%swap3A_505, %swap3A_506] {strides = array<i32>} : memref<8x1024xf32, #tpu.memory_space<vmem>>, vector<1x16xf32>,
          %swap3A_508 = vector.shape_cast %swap3A_507 : vector<1x16xf32> to vector<16xf32>
          %swap3A_509 = vector.shape_cast %add3A_472 : vector<16xf32> to vector<1x16xf32>
          tpu.vector_store %arg11[%swap3A_505, %swap3A_506], %swap3A_509 {strides = array<i32>} : memref<8x1024xf32, #tpu.memory_space<vmem>>, vector<1x16xf32>,
          %swap3A_510 = arith.index_cast %scan3A_363 : i32 to index
          %swap3A_511 = arith.index_cast %add3A_387 : i32 to index
          %swap3A_512 = tpu.vector_load %arg11[%swap3A_510, %swap3A_511] {strides = array<i32>} : memref<8x1024xf32, #tpu.memory_space<vmem>>, vector<1x16xf32>,
          %swap3A_513 = vector.shape_cast %swap3A_512 : vector<1x16xf32> to vector<16xf32>
          %swap3A_514 = vector.shape_cast %add3A_475 : vector<16xf32> to vector<1x16xf32>
          tpu.vector_store %arg11[%swap3A_510, %swap3A_511], %swap3A_514 {strides = array<i32>} : memref<8x1024xf32, #tpu.memory_space<vmem>>, vector<1x16xf32>,
        }
        %scan3A_368 = arith.constant 8 : i32
      }
      %scan3A_291 = arith.constant 8 : i32
      %dma_start3A_292 = arith.constant 1 : i32
      %dma_start3A_293 = arith.constant 0 : i32
      %dma_start3A_294 = tpu.memref_slice %arg5[%dma_start3A_292, %add3A_221, %dma_start3A_293] : memref<4x8192x1024xf32, #tpu.memory_space<hbm>> -> memref<1x8x1024xf32, #tpu.memory_space<hbm>>
      %dma_start3A_295 = tpu.memref_squeeze %dma_start3A_294 : memref<1x8x1024xf32, #tpu.memory_space<hbm>> -> memref<8x1024xf32, #tpu.memory_space<hbm>>
      %dma_start3A_296 = arith.constant 0 : i32
      %dma_start3A_297 = tpu.memref_slice %arg5[%dma_start3A_292, %add3A_221, %dma_start3A_296] : memref<4x8192x1024xf32, #tpu.memory_space<hbm>> -> memref<1x8x1024xf32, #tpu.memory_space<hbm>>
      %dma_start3A_298 = tpu.memref_squeeze %dma_start3A_297 : memref<1x8x1024xf32, #tpu.memory_space<hbm>> -> memref<8x1024xf32, #tpu.memory_space<hbm>>
      tpu.enqueue_dma source(%arg11 : memref<8x1024xf32, #tpu.memory_space<vmem>>) target(%dma_start3A_298 : memref<8x1024xf32, #tpu.memory_space<hbm>>) target_semaphore(%arg29 : memref<!tpu.dma_semaphore, #tpu.memory_space<semaphore_mem>>)
      %ge3A_299 = arith.constant 1 : i32
      %ge3A_300 = arith.cmpi sge, %add3A_218, %ge3A_299 : i32
      %convert_element_type3A_301 = arith.extui %ge3A_300 : i1 to i32
      %cond3A_302 = arith.constant 0 : i32
      %cond3A_303 = arith.cmpi ne, %convert_element_type3A_301, %cond3A_302 : i32
      scf.if %cond3A_303 {
        %dma_wait3A_363 = arith.constant 2 : i32
        %dma_wait3A_364 = arith.constant 0 : i32
        %dma_wait3A_365 = tpu.memref_slice %arg5[%dma_wait3A_363, %add3A_221, %dma_wait3A_364] : memref<4x8192x1024xf32, #tpu.memory_space<hbm>> -> memref<1x8x1024xf32, #tpu.memory_space<hbm>>
        %dma_wait3A_366 = tpu.memref_squeeze %dma_wait3A_365 : memref<1x8x1024xf32, #tpu.memory_space<hbm>> -> memref<8x1024xf32, #tpu.memory_space<hbm>>
        %dma_wait3A_367 = arith.constant 0 : i32
        %dma_wait3A_368 = tpu.memref_slice %arg5[%dma_wait3A_363, %add3A_221, %dma_wait3A_367] : memref<4x8192x1024xf32, #tpu.memory_space<hbm>> -> memref<1x8x1024xf32, #tpu.memory_space<hbm>>
        %dma_wait3A_369 = tpu.memref_squeeze %dma_wait3A_368 : memref<1x8x1024xf32, #tpu.memory_space<hbm>> -> memref<8x1024xf32, #tpu.memory_space<hbm>>
        tpu.wait_dma2 semaphore(%arg26 : memref<!tpu.dma_semaphore, #tpu.memory_space<semaphore_mem>>) src(%arg8 : memref<8x1024xf32, #tpu.memory_space<vmem>>) dst(%dma_wait3A_369 : memref<8x1024xf32, #tpu.memory_space<hbm>>)
      } else {
      }
      %add3A_304 = arith.constant 1 : i32
      %add3A_305 = arith.addi %add3A_218, %add3A_304 : i32
      %lt3A_306 = arith.constant 32 : i32
      %lt3A_307 = arith.cmpi slt, %add3A_305, %lt3A_306 : i32
      %convert_element_type3A_308 = arith.extui %lt3A_307 : i1 to i32
      %cond3A_309 = arith.constant 0 : i32
      %cond3A_310 = arith.cmpi ne, %convert_element_type3A_308, %cond3A_309 : i32
      scf.if %cond3A_310 {
        %dma_start3A_363 = arith.constant 2 : i32
        %dma_start3A_364 = arith.constant 0 : i32
        %dma_start3A_365 = tpu.memref_slice %arg2[%dma_start3A_363, %add3A_223, %dma_start3A_364] : memref<4x8192x1024xf32, #tpu.memory_space<hbm>> -> memref<1x8x1024xf32, #tpu.memory_space<hbm>>
        %dma_start3A_366 = tpu.memref_squeeze %dma_start3A_365 : memref<1x8x1024xf32, #tpu.memory_space<hbm>> -> memref<8x1024xf32, #tpu.memory_space<hbm>>
        %dma_start3A_367 = arith.constant 0 : i32
        %dma_start3A_368 = tpu.memref_slice %arg2[%dma_start3A_363, %add3A_223, %dma_start3A_367] : memref<4x8192x1024xf32, #tpu.memory_space<hbm>> -> memref<1x8x1024xf32, #tpu.memory_space<hbm>>
        %dma_start3A_369 = tpu.memref_squeeze %dma_start3A_368 : memref<1x8x1024xf32, #tpu.memory_space<hbm>> -> memref<8x1024xf32, #tpu.memory_space<hbm>>
        tpu.enqueue_dma source(%dma_start3A_369 : memref<8x1024xf32, #tpu.memory_space<hbm>>) target(%arg8 : memref<8x1024xf32, #tpu.memory_space<vmem>>) target_semaphore(%arg18 : memref<!tpu.dma_semaphore, #tpu.memory_space<semaphore_mem>>)
      } else {
      }
      %dma_wait3A_311 = arith.constant 2 : i32
      %dma_wait3A_312 = arith.constant 0 : i32
      %dma_wait3A_313 = tpu.memref_slice %arg2[%dma_wait3A_311, %add3A_221, %dma_wait3A_312] : memref<4x8192x1024xf32, #tpu.memory_space<hbm>> -> memref<1x8x1024xf32, #tpu.memory_space<hbm>>
      %dma_wait3A_314 = tpu.memref_squeeze %dma_wait3A_313 : memref<1x8x1024xf32, #tpu.memory_space<hbm>> -> memref<8x1024xf32, #tpu.memory_space<hbm>>
      %dma_wait3A_315 = arith.constant 0 : i32
      %dma_wait3A_316 = tpu.memref_slice %arg2[%dma_wait3A_311, %add3A_221, %dma_wait3A_315] : memref<4x8192x1024xf32, #tpu.memory_space<hbm>> -> memref<1x8x1024xf32, #tpu.memory_space<hbm>>
      %dma_wait3A_317 = tpu.memref_squeeze %dma_wait3A_316 : memref<1x8x1024xf32, #tpu.memory_space<hbm>> -> memref<8x1024xf32, #tpu.memory_space<hbm>>
      tpu.wait_dma2 semaphore(%arg22 : memref<!tpu.dma_semaphore, #tpu.memory_space<semaphore_mem>>) src(%dma_wait3A_317 : memref<8x1024xf32, #tpu.memory_space<hbm>>) dst(%arg12 : memref<8x1024xf32, #tpu.memory_space<vmem>>)
      %scan3A_318 = arith.constant 0 : i32
      %scan3A_319 = arith.constant 0 : i32
      %scan3A_320 = arith.constant 8 : i32
      %scan3A_321 = arith.addi %scan3A_319, %scan3A_320 : i32
      %scan3A_322 = arith.constant 1 : i32
      scf.for %scan3A_363 = %scan3A_319 to %scan3A_321 step %scan3A_322  : i32 {
        %scan3A_364 = arith.constant 0 : i32
        %scan3A_365 = arith.constant 8 : i32
        %scan3A_366 = arith.addi %scan3A_364, %scan3A_365 : i32
        %scan3A_367 = arith.constant 1 : i32
        scf.for %scan3A_369 = %scan3A_364 to %scan3A_366 step %scan3A_367  : i32 {
          %mul3A_370 = arith.constant 128 : i32
          %mul3A_371 = arith.muli %scan3A_369, %mul3A_370 : i32
          %add3A_372 = arith.constant 0 : i32
          %add3A_373 = arith.addi %mul3A_371, %add3A_372 : i32
          %add3A_374 = arith.constant 16 : i32
          %add3A_375 = arith.addi %mul3A_371, %add3A_374 : i32
          %add3A_376 = arith.constant 32 : i32
          %add3A_377 = arith.addi %mul3A_371, %add3A_376 : i32
          %add3A_378 = arith.constant 48 : i32
          %add3A_379 = arith.addi %mul3A_371, %add3A_378 : i32
          %add3A_380 = arith.constant 64 : i32
          %add3A_381 = arith.addi %mul3A_371, %add3A_380 : i32
          %add3A_382 = arith.constant 80 : i32
          %add3A_383 = arith.addi %mul3A_371, %add3A_382 : i32
          %add3A_384 = arith.constant 96 : i32
          %add3A_385 = arith.addi %mul3A_371, %add3A_384 : i32
          %add3A_386 = arith.constant 112 : i32
          %add3A_387 = arith.addi %mul3A_371, %add3A_386 : i32
          %get3A_388 = arith.index_cast %scan3A_363 : i32 to index
          %get3A_389 = arith.index_cast %add3A_373 : i32 to index
          %get3A_390 = tpu.vector_load %arg12[%get3A_388, %get3A_389] {strides = array<i32>} : memref<8x1024xf32, #tpu.memory_space<vmem>>, vector<1x16xf32>,
          %get3A_391 = vector.shape_cast %get3A_390 : vector<1x16xf32> to vector<16xf32>
          %get3A_392 = arith.index_cast %scan3A_363 : i32 to index
          %get3A_393 = arith.index_cast %add3A_375 : i32 to index
          %get3A_394 = tpu.vector_load %arg12[%get3A_392, %get3A_393] {strides = array<i32>} : memref<8x1024xf32, #tpu.memory_space<vmem>>, vector<1x16xf32>,
          %get3A_395 = vector.shape_cast %get3A_394 : vector<1x16xf32> to vector<16xf32>
          %get3A_396 = arith.index_cast %scan3A_363 : i32 to index
          %get3A_397 = arith.index_cast %add3A_377 : i32 to index
          %get3A_398 = tpu.vector_load %arg12[%get3A_396, %get3A_397] {strides = array<i32>} : memref<8x1024xf32, #tpu.memory_space<vmem>>, vector<1x16xf32>,
          %get3A_399 = vector.shape_cast %get3A_398 : vector<1x16xf32> to vector<16xf32>
          %get3A_400 = arith.index_cast %scan3A_363 : i32 to index
          %get3A_401 = arith.index_cast %add3A_379 : i32 to index
          %get3A_402 = tpu.vector_load %arg12[%get3A_400, %get3A_401] {strides = array<i32>} : memref<8x1024xf32, #tpu.memory_space<vmem>>, vector<1x16xf32>,
          %get3A_403 = vector.shape_cast %get3A_402 : vector<1x16xf32> to vector<16xf32>
          %get3A_404 = arith.index_cast %scan3A_363 : i32 to index
          %get3A_405 = arith.index_cast %add3A_381 : i32 to index
          %get3A_406 = tpu.vector_load %arg12[%get3A_404, %get3A_405] {strides = array<i32>} : memref<8x1024xf32, #tpu.memory_space<vmem>>, vector<1x16xf32>,
          %get3A_407 = vector.shape_cast %get3A_406 : vector<1x16xf32> to vector<16xf32>
          %get3A_408 = arith.index_cast %scan3A_363 : i32 to index
          %get3A_409 = arith.index_cast %add3A_383 : i32 to index
          %get3A_410 = tpu.vector_load %arg12[%get3A_408, %get3A_409] {strides = array<i32>} : memref<8x1024xf32, #tpu.memory_space<vmem>>, vector<1x16xf32>,
          %get3A_411 = vector.shape_cast %get3A_410 : vector<1x16xf32> to vector<16xf32>
          %get3A_412 = arith.index_cast %scan3A_363 : i32 to index
          %get3A_413 = arith.index_cast %add3A_385 : i32 to index
          %get3A_414 = tpu.vector_load %arg12[%get3A_412, %get3A_413] {strides = array<i32>} : memref<8x1024xf32, #tpu.memory_space<vmem>>, vector<1x16xf32>,
          %get3A_415 = vector.shape_cast %get3A_414 : vector<1x16xf32> to vector<16xf32>
          %get3A_416 = arith.index_cast %scan3A_363 : i32 to index
          %get3A_417 = arith.index_cast %add3A_387 : i32 to index
          %get3A_418 = tpu.vector_load %arg12[%get3A_416, %get3A_417] {strides = array<i32>} : memref<8x1024xf32, #tpu.memory_space<vmem>>, vector<1x16xf32>,
          %get3A_419 = vector.shape_cast %get3A_418 : vector<1x16xf32> to vector<16xf32>
          %get3A_420 = arith.index_cast %scan3A_363 : i32 to index
          %get3A_421 = arith.index_cast %add3A_373 : i32 to index
          %get3A_422 = tpu.vector_load %arg15[%get3A_420, %get3A_421] {strides = array<i32>} : memref<8x1024xf32, #tpu.memory_space<vmem>>, vector<1x16xf32>,
          %get3A_423 = vector.shape_cast %get3A_422 : vector<1x16xf32> to vector<16xf32>
          %get3A_424 = arith.index_cast %scan3A_363 : i32 to index
          %get3A_425 = arith.index_cast %add3A_375 : i32 to index
          %get3A_426 = tpu.vector_load %arg15[%get3A_424, %get3A_425] {strides = array<i32>} : memref<8x1024xf32, #tpu.memory_space<vmem>>, vector<1x16xf32>,
          %get3A_427 = vector.shape_cast %get3A_426 : vector<1x16xf32> to vector<16xf32>
          %get3A_428 = arith.index_cast %scan3A_363 : i32 to index
          %get3A_429 = arith.index_cast %add3A_377 : i32 to index
          %get3A_430 = tpu.vector_load %arg15[%get3A_428, %get3A_429] {strides = array<i32>} : memref<8x1024xf32, #tpu.memory_space<vmem>>, vector<1x16xf32>,
          %get3A_431 = vector.shape_cast %get3A_430 : vector<1x16xf32> to vector<16xf32>
          %get3A_432 = arith.index_cast %scan3A_363 : i32 to index
          %get3A_433 = arith.index_cast %add3A_379 : i32 to index
          %get3A_434 = tpu.vector_load %arg15[%get3A_432, %get3A_433] {strides = array<i32>} : memref<8x1024xf32, #tpu.memory_space<vmem>>, vector<1x16xf32>,
          %get3A_435 = vector.shape_cast %get3A_434 : vector<1x16xf32> to vector<16xf32>
          %get3A_436 = arith.index_cast %scan3A_363 : i32 to index
          %get3A_437 = arith.index_cast %add3A_381 : i32 to index
          %get3A_438 = tpu.vector_load %arg15[%get3A_436, %get3A_437] {strides = array<i32>} : memref<8x1024xf32, #tpu.memory_space<vmem>>, vector<1x16xf32>,
          %get3A_439 = vector.shape_cast %get3A_438 : vector<1x16xf32> to vector<16xf32>
          %get3A_440 = arith.index_cast %scan3A_363 : i32 to index
          %get3A_441 = arith.index_cast %add3A_383 : i32 to index
          %get3A_442 = tpu.vector_load %arg15[%get3A_440, %get3A_441] {strides = array<i32>} : memref<8x1024xf32, #tpu.memory_space<vmem>>, vector<1x16xf32>,
          %get3A_443 = vector.shape_cast %get3A_442 : vector<1x16xf32> to vector<16xf32>
          %get3A_444 = arith.index_cast %scan3A_363 : i32 to index
          %get3A_445 = arith.index_cast %add3A_385 : i32 to index
          %get3A_446 = tpu.vector_load %arg15[%get3A_444, %get3A_445] {strides = array<i32>} : memref<8x1024xf32, #tpu.memory_space<vmem>>, vector<1x16xf32>,
          %get3A_447 = vector.shape_cast %get3A_446 : vector<1x16xf32> to vector<16xf32>
          %get3A_448 = arith.index_cast %scan3A_363 : i32 to index
          %get3A_449 = arith.index_cast %add3A_387 : i32 to index
          %get3A_450 = tpu.vector_load %arg15[%get3A_448, %get3A_449] {strides = array<i32>} : memref<8x1024xf32, #tpu.memory_space<vmem>>, vector<1x16xf32>,
          %get3A_451 = vector.shape_cast %get3A_450 : vector<1x16xf32> to vector<16xf32>
          %mul3A_452 = vector.broadcast %squeeze3A : f32 to vector<16xf32>
          %mul3A_453 = arith.mulf %get3A_391, %mul3A_452 : vector<16xf32>
          %add3A_454 = arith.addf %mul3A_453, %get3A_423 : vector<16xf32>
          %mul3A_455 = vector.broadcast %squeeze3A : f32 to vector<16xf32>
          %mul3A_456 = arith.mulf %get3A_395, %mul3A_455 : vector<16xf32>
          %add3A_457 = arith.addf %mul3A_456, %get3A_427 : vector<16xf32>
          %mul3A_458 = vector.broadcast %squeeze3A : f32 to vector<16xf32>
          %mul3A_459 = arith.mulf %get3A_399, %mul3A_458 : vector<16xf32>
          %add3A_460 = arith.addf %mul3A_459, %get3A_431 : vector<16xf32>
          %mul3A_461 = vector.broadcast %squeeze3A : f32 to vector<16xf32>
          %mul3A_462 = arith.mulf %get3A_403, %mul3A_461 : vector<16xf32>
          %add3A_463 = arith.addf %mul3A_462, %get3A_435 : vector<16xf32>
          %mul3A_464 = vector.broadcast %squeeze3A : f32 to vector<16xf32>
          %mul3A_465 = arith.mulf %get3A_407, %mul3A_464 : vector<16xf32>
          %add3A_466 = arith.addf %mul3A_465, %get3A_439 : vector<16xf32>
          %mul3A_467 = vector.broadcast %squeeze3A : f32 to vector<16xf32>
          %mul3A_468 = arith.mulf %get3A_411, %mul3A_467 : vector<16xf32>
          %add3A_469 = arith.addf %mul3A_468, %get3A_443 : vector<16xf32>
          %mul3A_470 = vector.broadcast %squeeze3A : f32 to vector<16xf32>
          %mul3A_471 = arith.mulf %get3A_415, %mul3A_470 : vector<16xf32>
          %add3A_472 = arith.addf %mul3A_471, %get3A_447 : vector<16xf32>
          %mul3A_473 = vector.broadcast %squeeze3A : f32 to vector<16xf32>
          %mul3A_474 = arith.mulf %get3A_419, %mul3A_473 : vector<16xf32>
          %add3A_475 = arith.addf %mul3A_474, %get3A_451 : vector<16xf32>
          %swap3A = arith.index_cast %scan3A_363 : i32 to index
          %swap3A_476 = arith.index_cast %add3A_373 : i32 to index
          %swap3A_477 = tpu.vector_load %arg12[%swap3A, %swap3A_476] {strides = array<i32>} : memref<8x1024xf32, #tpu.memory_space<vmem>>, vector<1x16xf32>,
          %swap3A_478 = vector.shape_cast %swap3A_477 : vector<1x16xf32> to vector<16xf32>
          %swap3A_479 = vector.shape_cast %add3A_454 : vector<16xf32> to vector<1x16xf32>
          tpu.vector_store %arg12[%swap3A, %swap3A_476], %swap3A_479 {strides = array<i32>} : memref<8x1024xf32, #tpu.memory_space<vmem>>, vector<1x16xf32>,
          %swap3A_480 = arith.index_cast %scan3A_363 : i32 to index
          %swap3A_481 = arith.index_cast %add3A_375 : i32 to index
          %swap3A_482 = tpu.vector_load %arg12[%swap3A_480, %swap3A_481] {strides = array<i32>} : memref<8x1024xf32, #tpu.memory_space<vmem>>, vector<1x16xf32>,
          %swap3A_483 = vector.shape_cast %swap3A_482 : vector<1x16xf32> to vector<16xf32>
          %swap3A_484 = vector.shape_cast %add3A_457 : vector<16xf32> to vector<1x16xf32>
          tpu.vector_store %arg12[%swap3A_480, %swap3A_481], %swap3A_484 {strides = array<i32>} : memref<8x1024xf32, #tpu.memory_space<vmem>>, vector<1x16xf32>,
          %swap3A_485 = arith.index_cast %scan3A_363 : i32 to index
          %swap3A_486 = arith.index_cast %add3A_377 : i32 to index
          %swap3A_487 = tpu.vector_load %arg12[%swap3A_485, %swap3A_486] {strides = array<i32>} : memref<8x1024xf32, #tpu.memory_space<vmem>>, vector<1x16xf32>,
          %swap3A_488 = vector.shape_cast %swap3A_487 : vector<1x16xf32> to vector<16xf32>
          %swap3A_489 = vector.shape_cast %add3A_460 : vector<16xf32> to vector<1x16xf32>
          tpu.vector_store %arg12[%swap3A_485, %swap3A_486], %swap3A_489 {strides = array<i32>} : memref<8x1024xf32, #tpu.memory_space<vmem>>, vector<1x16xf32>,
          %swap3A_490 = arith.index_cast %scan3A_363 : i32 to index
          %swap3A_491 = arith.index_cast %add3A_379 : i32 to index
          %swap3A_492 = tpu.vector_load %arg12[%swap3A_490, %swap3A_491] {strides = array<i32>} : memref<8x1024xf32, #tpu.memory_space<vmem>>, vector<1x16xf32>,
          %swap3A_493 = vector.shape_cast %swap3A_492 : vector<1x16xf32> to vector<16xf32>
          %swap3A_494 = vector.shape_cast %add3A_463 : vector<16xf32> to vector<1x16xf32>
          tpu.vector_store %arg12[%swap3A_490, %swap3A_491], %swap3A_494 {strides = array<i32>} : memref<8x1024xf32, #tpu.memory_space<vmem>>, vector<1x16xf32>,
          %swap3A_495 = arith.index_cast %scan3A_363 : i32 to index
          %swap3A_496 = arith.index_cast %add3A_381 : i32 to index
          %swap3A_497 = tpu.vector_load %arg12[%swap3A_495, %swap3A_496] {strides = array<i32>} : memref<8x1024xf32, #tpu.memory_space<vmem>>, vector<1x16xf32>,
          %swap3A_498 = vector.shape_cast %swap3A_497 : vector<1x16xf32> to vector<16xf32>
          %swap3A_499 = vector.shape_cast %add3A_466 : vector<16xf32> to vector<1x16xf32>
          tpu.vector_store %arg12[%swap3A_495, %swap3A_496], %swap3A_499 {strides = array<i32>} : memref<8x1024xf32, #tpu.memory_space<vmem>>, vector<1x16xf32>,
          %swap3A_500 = arith.index_cast %scan3A_363 : i32 to index
          %swap3A_501 = arith.index_cast %add3A_383 : i32 to index
          %swap3A_502 = tpu.vector_load %arg12[%swap3A_500, %swap3A_501] {strides = array<i32>} : memref<8x1024xf32, #tpu.memory_space<vmem>>, vector<1x16xf32>,
          %swap3A_503 = vector.shape_cast %swap3A_502 : vector<1x16xf32> to vector<16xf32>
          %swap3A_504 = vector.shape_cast %add3A_469 : vector<16xf32> to vector<1x16xf32>
          tpu.vector_store %arg12[%swap3A_500, %swap3A_501], %swap3A_504 {strides = array<i32>} : memref<8x1024xf32, #tpu.memory_space<vmem>>, vector<1x16xf32>,
          %swap3A_505 = arith.index_cast %scan3A_363 : i32 to index
          %swap3A_506 = arith.index_cast %add3A_385 : i32 to index
          %swap3A_507 = tpu.vector_load %arg12[%swap3A_505, %swap3A_506] {strides = array<i32>} : memref<8x1024xf32, #tpu.memory_space<vmem>>, vector<1x16xf32>,
          %swap3A_508 = vector.shape_cast %swap3A_507 : vector<1x16xf32> to vector<16xf32>
          %swap3A_509 = vector.shape_cast %add3A_472 : vector<16xf32> to vector<1x16xf32>
          tpu.vector_store %arg12[%swap3A_505, %swap3A_506], %swap3A_509 {strides = array<i32>} : memref<8x1024xf32, #tpu.memory_space<vmem>>, vector<1x16xf32>,
          %swap3A_510 = arith.index_cast %scan3A_363 : i32 to index
          %swap3A_511 = arith.index_cast %add3A_387 : i32 to index
          %swap3A_512 = tpu.vector_load %arg12[%swap3A_510, %swap3A_511] {strides = array<i32>} : memref<8x1024xf32, #tpu.memory_space<vmem>>, vector<1x16xf32>,
          %swap3A_513 = vector.shape_cast %swap3A_512 : vector<1x16xf32> to vector<16xf32>
          %swap3A_514 = vector.shape_cast %add3A_475 : vector<16xf32> to vector<1x16xf32>
          tpu.vector_store %arg12[%swap3A_510, %swap3A_511], %swap3A_514 {strides = array<i32>} : memref<8x1024xf32, #tpu.memory_space<vmem>>, vector<1x16xf32>,
        }
        %scan3A_368 = arith.constant 8 : i32
      }
      %scan3A_323 = arith.constant 8 : i32
      %dma_start3A_324 = arith.constant 2 : i32
      %dma_start3A_325 = arith.constant 0 : i32
      %dma_start3A_326 = tpu.memref_slice %arg5[%dma_start3A_324, %add3A_221, %dma_start3A_325] : memref<4x8192x1024xf32, #tpu.memory_space<hbm>> -> memref<1x8x1024xf32, #tpu.memory_space<hbm>>
      %dma_start3A_327 = tpu.memref_squeeze %dma_start3A_326 : memref<1x8x1024xf32, #tpu.memory_space<hbm>> -> memref<8x1024xf32, #tpu.memory_space<hbm>>
      %dma_start3A_328 = arith.constant 0 : i32
      %dma_start3A_329 = tpu.memref_slice %arg5[%dma_start3A_324, %add3A_221, %dma_start3A_328] : memref<4x8192x1024xf32, #tpu.memory_space<hbm>> -> memref<1x8x1024xf32, #tpu.memory_space<hbm>>
      %dma_start3A_330 = tpu.memref_squeeze %dma_start3A_329 : memref<1x8x1024xf32, #tpu.memory_space<hbm>> -> memref<8x1024xf32, #tpu.memory_space<hbm>>
      tpu.enqueue_dma source(%arg12 : memref<8x1024xf32, #tpu.memory_space<vmem>>) target(%dma_start3A_330 : memref<8x1024xf32, #tpu.memory_space<hbm>>) target_semaphore(%arg30 : memref<!tpu.dma_semaphore, #tpu.memory_space<semaphore_mem>>)
      %ge3A_331 = arith.constant 1 : i32
      %ge3A_332 = arith.cmpi sge, %add3A_218, %ge3A_331 : i32
      %convert_element_type3A_333 = arith.extui %ge3A_332 : i1 to i32
      %cond3A_334 = arith.constant 0 : i32
      %cond3A_335 = arith.cmpi ne, %convert_element_type3A_333, %cond3A_334 : i32
      scf.if %cond3A_335 {
        %dma_wait3A_363 = arith.constant 3 : i32
        %dma_wait3A_364 = arith.constant 0 : i32
        %dma_wait3A_365 = tpu.memref_slice %arg5[%dma_wait3A_363, %add3A_221, %dma_wait3A_364] : memref<4x8192x1024xf32, #tpu.memory_space<hbm>> -> memref<1x8x1024xf32, #tpu.memory_space<hbm>>
        %dma_wait3A_366 = tpu.memref_squeeze %dma_wait3A_365 : memref<1x8x1024xf32, #tpu.memory_space<hbm>> -> memref<8x1024xf32, #tpu.memory_space<hbm>>
        %dma_wait3A_367 = arith.constant 0 : i32
        %dma_wait3A_368 = tpu.memref_slice %arg5[%dma_wait3A_363, %add3A_221, %dma_wait3A_367] : memref<4x8192x1024xf32, #tpu.memory_space<hbm>> -> memref<1x8x1024xf32, #tpu.memory_space<hbm>>
        %dma_wait3A_369 = tpu.memref_squeeze %dma_wait3A_368 : memref<1x8x1024xf32, #tpu.memory_space<hbm>> -> memref<8x1024xf32, #tpu.memory_space<hbm>>
        tpu.wait_dma2 semaphore(%arg27 : memref<!tpu.dma_semaphore, #tpu.memory_space<semaphore_mem>>) src(%arg9 : memref<8x1024xf32, #tpu.memory_space<vmem>>) dst(%dma_wait3A_369 : memref<8x1024xf32, #tpu.memory_space<hbm>>)
      } else {
      }
      %add3A_336 = arith.constant 1 : i32
      %add3A_337 = arith.addi %add3A_218, %add3A_336 : i32
      %lt3A_338 = arith.constant 32 : i32
      %lt3A_339 = arith.cmpi slt, %add3A_337, %lt3A_338 : i32
      %convert_element_type3A_340 = arith.extui %lt3A_339 : i1 to i32
      %cond3A_341 = arith.constant 0 : i32
      %cond3A_342 = arith.cmpi ne, %convert_element_type3A_340, %cond3A_341 : i32
      scf.if %cond3A_342 {
        %dma_start3A_363 = arith.constant 3 : i32
        %dma_start3A_364 = arith.constant 0 : i32
        %dma_start3A_365 = tpu.memref_slice %arg2[%dma_start3A_363, %add3A_223, %dma_start3A_364] : memref<4x8192x1024xf32, #tpu.memory_space<hbm>> -> memref<1x8x1024xf32, #tpu.memory_space<hbm>>
        %dma_start3A_366 = tpu.memref_squeeze %dma_start3A_365 : memref<1x8x1024xf32, #tpu.memory_space<hbm>> -> memref<8x1024xf32, #tpu.memory_space<hbm>>
        %dma_start3A_367 = arith.constant 0 : i32
        %dma_start3A_368 = tpu.memref_slice %arg2[%dma_start3A_363, %add3A_223, %dma_start3A_367] : memref<4x8192x1024xf32, #tpu.memory_space<hbm>> -> memref<1x8x1024xf32, #tpu.memory_space<hbm>>
        %dma_start3A_369 = tpu.memref_squeeze %dma_start3A_368 : memref<1x8x1024xf32, #tpu.memory_space<hbm>> -> memref<8x1024xf32, #tpu.memory_space<hbm>>
        tpu.enqueue_dma source(%dma_start3A_369 : memref<8x1024xf32, #tpu.memory_space<hbm>>) target(%arg9 : memref<8x1024xf32, #tpu.memory_space<vmem>>) target_semaphore(%arg19 : memref<!tpu.dma_semaphore, #tpu.memory_space<semaphore_mem>>)
      } else {
      }
      %dma_wait3A_343 = arith.constant 3 : i32
      %dma_wait3A_344 = arith.constant 0 : i32
      %dma_wait3A_345 = tpu.memref_slice %arg2[%dma_wait3A_343, %add3A_221, %dma_wait3A_344] : memref<4x8192x1024xf32, #tpu.memory_space<hbm>> -> memref<1x8x1024xf32, #tpu.memory_space<hbm>>
      %dma_wait3A_346 = tpu.memref_squeeze %dma_wait3A_345 : memref<1x8x1024xf32, #tpu.memory_space<hbm>> -> memref<8x1024xf32, #tpu.memory_space<hbm>>
      %dma_wait3A_347 = arith.constant 0 : i32
      %dma_wait3A_348 = tpu.memref_slice %arg2[%dma_wait3A_343, %add3A_221, %dma_wait3A_347] : memref<4x8192x1024xf32, #tpu.memory_space<hbm>> -> memref<1x8x1024xf32, #tpu.memory_space<hbm>>
      %dma_wait3A_349 = tpu.memref_squeeze %dma_wait3A_348 : memref<1x8x1024xf32, #tpu.memory_space<hbm>> -> memref<8x1024xf32, #tpu.memory_space<hbm>>
      tpu.wait_dma2 semaphore(%arg23 : memref<!tpu.dma_semaphore, #tpu.memory_space<semaphore_mem>>) src(%dma_wait3A_349 : memref<8x1024xf32, #tpu.memory_space<hbm>>) dst(%arg13 : memref<8x1024xf32, #tpu.memory_space<vmem>>)
      %scan3A_350 = arith.constant 0 : i32
      %scan3A_351 = arith.constant 0 : i32
      %scan3A_352 = arith.constant 8 : i32
      %scan3A_353 = arith.addi %scan3A_351, %scan3A_352 : i32
      %scan3A_354 = arith.constant 1 : i32
      scf.for %scan3A_363 = %scan3A_351 to %scan3A_353 step %scan3A_354  : i32 {
        %scan3A_364 = arith.constant 0 : i32
        %scan3A_365 = arith.constant 8 : i32
        %scan3A_366 = arith.addi %scan3A_364, %scan3A_365 : i32
        %scan3A_367 = arith.constant 1 : i32
        scf.for %scan3A_369 = %scan3A_364 to %scan3A_366 step %scan3A_367  : i32 {
          %mul3A_370 = arith.constant 128 : i32
          %mul3A_371 = arith.muli %scan3A_369, %mul3A_370 : i32
          %add3A_372 = arith.constant 0 : i32
          %add3A_373 = arith.addi %mul3A_371, %add3A_372 : i32
          %add3A_374 = arith.constant 16 : i32
          %add3A_375 = arith.addi %mul3A_371, %add3A_374 : i32
          %add3A_376 = arith.constant 32 : i32
          %add3A_377 = arith.addi %mul3A_371, %add3A_376 : i32
          %add3A_378 = arith.constant 48 : i32
          %add3A_379 = arith.addi %mul3A_371, %add3A_378 : i32
          %add3A_380 = arith.constant 64 : i32
          %add3A_381 = arith.addi %mul3A_371, %add3A_380 : i32
          %add3A_382 = arith.constant 80 : i32
          %add3A_383 = arith.addi %mul3A_371, %add3A_382 : i32
          %add3A_384 = arith.constant 96 : i32
          %add3A_385 = arith.addi %mul3A_371, %add3A_384 : i32
          %add3A_386 = arith.constant 112 : i32
          %add3A_387 = arith.addi %mul3A_371, %add3A_386 : i32
          %get3A_388 = arith.index_cast %scan3A_363 : i32 to index
          %get3A_389 = arith.index_cast %add3A_373 : i32 to index
          %get3A_390 = tpu.vector_load %arg13[%get3A_388, %get3A_389] {strides = array<i32>} : memref<8x1024xf32, #tpu.memory_space<vmem>>, vector<1x16xf32>,
          %get3A_391 = vector.shape_cast %get3A_390 : vector<1x16xf32> to vector<16xf32>
          %get3A_392 = arith.index_cast %scan3A_363 : i32 to index
          %get3A_393 = arith.index_cast %add3A_375 : i32 to index
          %get3A_394 = tpu.vector_load %arg13[%get3A_392, %get3A_393] {strides = array<i32>} : memref<8x1024xf32, #tpu.memory_space<vmem>>, vector<1x16xf32>,
          %get3A_395 = vector.shape_cast %get3A_394 : vector<1x16xf32> to vector<16xf32>
          %get3A_396 = arith.index_cast %scan3A_363 : i32 to index
          %get3A_397 = arith.index_cast %add3A_377 : i32 to index
          %get3A_398 = tpu.vector_load %arg13[%get3A_396, %get3A_397] {strides = array<i32>} : memref<8x1024xf32, #tpu.memory_space<vmem>>, vector<1x16xf32>,
          %get3A_399 = vector.shape_cast %get3A_398 : vector<1x16xf32> to vector<16xf32>
          %get3A_400 = arith.index_cast %scan3A_363 : i32 to index
          %get3A_401 = arith.index_cast %add3A_379 : i32 to index
          %get3A_402 = tpu.vector_load %arg13[%get3A_400, %get3A_401] {strides = array<i32>} : memref<8x1024xf32, #tpu.memory_space<vmem>>, vector<1x16xf32>,
          %get3A_403 = vector.shape_cast %get3A_402 : vector<1x16xf32> to vector<16xf32>
          %get3A_404 = arith.index_cast %scan3A_363 : i32 to index
          %get3A_405 = arith.index_cast %add3A_381 : i32 to index
          %get3A_406 = tpu.vector_load %arg13[%get3A_404, %get3A_405] {strides = array<i32>} : memref<8x1024xf32, #tpu.memory_space<vmem>>, vector<1x16xf32>,
          %get3A_407 = vector.shape_cast %get3A_406 : vector<1x16xf32> to vector<16xf32>
          %get3A_408 = arith.index_cast %scan3A_363 : i32 to index
          %get3A_409 = arith.index_cast %add3A_383 : i32 to index
          %get3A_410 = tpu.vector_load %arg13[%get3A_408, %get3A_409] {strides = array<i32>} : memref<8x1024xf32, #tpu.memory_space<vmem>>, vector<1x16xf32>,
          %get3A_411 = vector.shape_cast %get3A_410 : vector<1x16xf32> to vector<16xf32>
          %get3A_412 = arith.index_cast %scan3A_363 : i32 to index
          %get3A_413 = arith.index_cast %add3A_385 : i32 to index
          %get3A_414 = tpu.vector_load %arg13[%get3A_412, %get3A_413] {strides = array<i32>} : memref<8x1024xf32, #tpu.memory_space<vmem>>, vector<1x16xf32>,
          %get3A_415 = vector.shape_cast %get3A_414 : vector<1x16xf32> to vector<16xf32>
          %get3A_416 = arith.index_cast %scan3A_363 : i32 to index
          %get3A_417 = arith.index_cast %add3A_387 : i32 to index
          %get3A_418 = tpu.vector_load %arg13[%get3A_416, %get3A_417] {strides = array<i32>} : memref<8x1024xf32, #tpu.memory_space<vmem>>, vector<1x16xf32>,
          %get3A_419 = vector.shape_cast %get3A_418 : vector<1x16xf32> to vector<16xf32>
          %get3A_420 = arith.index_cast %scan3A_363 : i32 to index
          %get3A_421 = arith.index_cast %add3A_373 : i32 to index
          %get3A_422 = tpu.vector_load %arg15[%get3A_420, %get3A_421] {strides = array<i32>} : memref<8x1024xf32, #tpu.memory_space<vmem>>, vector<1x16xf32>,
          %get3A_423 = vector.shape_cast %get3A_422 : vector<1x16xf32> to vector<16xf32>
          %get3A_424 = arith.index_cast %scan3A_363 : i32 to index
          %get3A_425 = arith.index_cast %add3A_375 : i32 to index
          %get3A_426 = tpu.vector_load %arg15[%get3A_424, %get3A_425] {strides = array<i32>} : memref<8x1024xf32, #tpu.memory_space<vmem>>, vector<1x16xf32>,
          %get3A_427 = vector.shape_cast %get3A_426 : vector<1x16xf32> to vector<16xf32>
          %get3A_428 = arith.index_cast %scan3A_363 : i32 to index
          %get3A_429 = arith.index_cast %add3A_377 : i32 to index
          %get3A_430 = tpu.vector_load %arg15[%get3A_428, %get3A_429] {strides = array<i32>} : memref<8x1024xf32, #tpu.memory_space<vmem>>, vector<1x16xf32>,
          %get3A_431 = vector.shape_cast %get3A_430 : vector<1x16xf32> to vector<16xf32>
          %get3A_432 = arith.index_cast %scan3A_363 : i32 to index
          %get3A_433 = arith.index_cast %add3A_379 : i32 to index
          %get3A_434 = tpu.vector_load %arg15[%get3A_432, %get3A_433] {strides = array<i32>} : memref<8x1024xf32, #tpu.memory_space<vmem>>, vector<1x16xf32>,
          %get3A_435 = vector.shape_cast %get3A_434 : vector<1x16xf32> to vector<16xf32>
          %get3A_436 = arith.index_cast %scan3A_363 : i32 to index
          %get3A_437 = arith.index_cast %add3A_381 : i32 to index
          %get3A_438 = tpu.vector_load %arg15[%get3A_436, %get3A_437] {strides = array<i32>} : memref<8x1024xf32, #tpu.memory_space<vmem>>, vector<1x16xf32>,
          %get3A_439 = vector.shape_cast %get3A_438 : vector<1x16xf32> to vector<16xf32>
          %get3A_440 = arith.index_cast %scan3A_363 : i32 to index
          %get3A_441 = arith.index_cast %add3A_383 : i32 to index
          %get3A_442 = tpu.vector_load %arg15[%get3A_440, %get3A_441] {strides = array<i32>} : memref<8x1024xf32, #tpu.memory_space<vmem>>, vector<1x16xf32>,
          %get3A_443 = vector.shape_cast %get3A_442 : vector<1x16xf32> to vector<16xf32>
          %get3A_444 = arith.index_cast %scan3A_363 : i32 to index
          %get3A_445 = arith.index_cast %add3A_385 : i32 to index
          %get3A_446 = tpu.vector_load %arg15[%get3A_444, %get3A_445] {strides = array<i32>} : memref<8x1024xf32, #tpu.memory_space<vmem>>, vector<1x16xf32>,
          %get3A_447 = vector.shape_cast %get3A_446 : vector<1x16xf32> to vector<16xf32>
          %get3A_448 = arith.index_cast %scan3A_363 : i32 to index
          %get3A_449 = arith.index_cast %add3A_387 : i32 to index
          %get3A_450 = tpu.vector_load %arg15[%get3A_448, %get3A_449] {strides = array<i32>} : memref<8x1024xf32, #tpu.memory_space<vmem>>, vector<1x16xf32>,
          %get3A_451 = vector.shape_cast %get3A_450 : vector<1x16xf32> to vector<16xf32>
          %mul3A_452 = vector.broadcast %squeeze3A : f32 to vector<16xf32>
          %mul3A_453 = arith.mulf %get3A_391, %mul3A_452 : vector<16xf32>
          %add3A_454 = arith.addf %mul3A_453, %get3A_423 : vector<16xf32>
          %mul3A_455 = vector.broadcast %squeeze3A : f32 to vector<16xf32>
          %mul3A_456 = arith.mulf %get3A_395, %mul3A_455 : vector<16xf32>
          %add3A_457 = arith.addf %mul3A_456, %get3A_427 : vector<16xf32>
          %mul3A_458 = vector.broadcast %squeeze3A : f32 to vector<16xf32>
          %mul3A_459 = arith.mulf %get3A_399, %mul3A_458 : vector<16xf32>
          %add3A_460 = arith.addf %mul3A_459, %get3A_431 : vector<16xf32>
          %mul3A_461 = vector.broadcast %squeeze3A : f32 to vector<16xf32>
          %mul3A_462 = arith.mulf %get3A_403, %mul3A_461 : vector<16xf32>
          %add3A_463 = arith.addf %mul3A_462, %get3A_435 : vector<16xf32>
          %mul3A_464 = vector.broadcast %squeeze3A : f32 to vector<16xf32>
          %mul3A_465 = arith.mulf %get3A_407, %mul3A_464 : vector<16xf32>
          %add3A_466 = arith.addf %mul3A_465, %get3A_439 : vector<16xf32>
          %mul3A_467 = vector.broadcast %squeeze3A : f32 to vector<16xf32>
          %mul3A_468 = arith.mulf %get3A_411, %mul3A_467 : vector<16xf32>
          %add3A_469 = arith.addf %mul3A_468, %get3A_443 : vector<16xf32>
          %mul3A_470 = vector.broadcast %squeeze3A : f32 to vector<16xf32>
          %mul3A_471 = arith.mulf %get3A_415, %mul3A_470 : vector<16xf32>
          %add3A_472 = arith.addf %mul3A_471, %get3A_447 : vector<16xf32>
          %mul3A_473 = vector.broadcast %squeeze3A : f32 to vector<16xf32>
          %mul3A_474 = arith.mulf %get3A_419, %mul3A_473 : vector<16xf32>
          %add3A_475 = arith.addf %mul3A_474, %get3A_451 : vector<16xf32>
          %swap3A = arith.index_cast %scan3A_363 : i32 to index
          %swap3A_476 = arith.index_cast %add3A_373 : i32 to index
          %swap3A_477 = tpu.vector_load %arg13[%swap3A, %swap3A_476] {strides = array<i32>} : memref<8x1024xf32, #tpu.memory_space<vmem>>, vector<1x16xf32>,
          %swap3A_478 = vector.shape_cast %swap3A_477 : vector<1x16xf32> to vector<16xf32>
          %swap3A_479 = vector.shape_cast %add3A_454 : vector<16xf32> to vector<1x16xf32>
          tpu.vector_store %arg13[%swap3A, %swap3A_476], %swap3A_479 {strides = array<i32>} : memref<8x1024xf32, #tpu.memory_space<vmem>>, vector<1x16xf32>,
          %swap3A_480 = arith.index_cast %scan3A_363 : i32 to index
          %swap3A_481 = arith.index_cast %add3A_375 : i32 to index
          %swap3A_482 = tpu.vector_load %arg13[%swap3A_480, %swap3A_481] {strides = array<i32>} : memref<8x1024xf32, #tpu.memory_space<vmem>>, vector<1x16xf32>,
          %swap3A_483 = vector.shape_cast %swap3A_482 : vector<1x16xf32> to vector<16xf32>
          %swap3A_484 = vector.shape_cast %add3A_457 : vector<16xf32> to vector<1x16xf32>
          tpu.vector_store %arg13[%swap3A_480, %swap3A_481], %swap3A_484 {strides = array<i32>} : memref<8x1024xf32, #tpu.memory_space<vmem>>, vector<1x16xf32>,
          %swap3A_485 = arith.index_cast %scan3A_363 : i32 to index
          %swap3A_486 = arith.index_cast %add3A_377 : i32 to index
          %swap3A_487 = tpu.vector_load %arg13[%swap3A_485, %swap3A_486] {strides = array<i32>} : memref<8x1024xf32, #tpu.memory_space<vmem>>, vector<1x16xf32>,
          %swap3A_488 = vector.shape_cast %swap3A_487 : vector<1x16xf32> to vector<16xf32>
          %swap3A_489 = vector.shape_cast %add3A_460 : vector<16xf32> to vector<1x16xf32>
          tpu.vector_store %arg13[%swap3A_485, %swap3A_486], %swap3A_489 {strides = array<i32>} : memref<8x1024xf32, #tpu.memory_space<vmem>>, vector<1x16xf32>,
          %swap3A_490 = arith.index_cast %scan3A_363 : i32 to index
          %swap3A_491 = arith.index_cast %add3A_379 : i32 to index
          %swap3A_492 = tpu.vector_load %arg13[%swap3A_490, %swap3A_491] {strides = array<i32>} : memref<8x1024xf32, #tpu.memory_space<vmem>>, vector<1x16xf32>,
          %swap3A_493 = vector.shape_cast %swap3A_492 : vector<1x16xf32> to vector<16xf32>
          %swap3A_494 = vector.shape_cast %add3A_463 : vector<16xf32> to vector<1x16xf32>
          tpu.vector_store %arg13[%swap3A_490, %swap3A_491], %swap3A_494 {strides = array<i32>} : memref<8x1024xf32, #tpu.memory_space<vmem>>, vector<1x16xf32>,
          %swap3A_495 = arith.index_cast %scan3A_363 : i32 to index
          %swap3A_496 = arith.index_cast %add3A_381 : i32 to index
          %swap3A_497 = tpu.vector_load %arg13[%swap3A_495, %swap3A_496] {strides = array<i32>} : memref<8x1024xf32, #tpu.memory_space<vmem>>, vector<1x16xf32>,
          %swap3A_498 = vector.shape_cast %swap3A_497 : vector<1x16xf32> to vector<16xf32>
          %swap3A_499 = vector.shape_cast %add3A_466 : vector<16xf32> to vector<1x16xf32>
          tpu.vector_store %arg13[%swap3A_495, %swap3A_496], %swap3A_499 {strides = array<i32>} : memref<8x1024xf32, #tpu.memory_space<vmem>>, vector<1x16xf32>,
          %swap3A_500 = arith.index_cast %scan3A_363 : i32 to index
          %swap3A_501 = arith.index_cast %add3A_383 : i32 to index
          %swap3A_502 = tpu.vector_load %arg13[%swap3A_500, %swap3A_501] {strides = array<i32>} : memref<8x1024xf32, #tpu.memory_space<vmem>>, vector<1x16xf32>,
          %swap3A_503 = vector.shape_cast %swap3A_502 : vector<1x16xf32> to vector<16xf32>
          %swap3A_504 = vector.shape_cast %add3A_469 : vector<16xf32> to vector<1x16xf32>
          tpu.vector_store %arg13[%swap3A_500, %swap3A_501], %swap3A_504 {strides = array<i32>} : memref<8x1024xf32, #tpu.memory_space<vmem>>, vector<1x16xf32>,
          %swap3A_505 = arith.index_cast %scan3A_363 : i32 to index
          %swap3A_506 = arith.index_cast %add3A_385 : i32 to index
          %swap3A_507 = tpu.vector_load %arg13[%swap3A_505, %swap3A_506] {strides = array<i32>} : memref<8x1024xf32, #tpu.memory_space<vmem>>, vector<1x16xf32>,
          %swap3A_508 = vector.shape_cast %swap3A_507 : vector<1x16xf32> to vector<16xf32>
          %swap3A_509 = vector.shape_cast %add3A_472 : vector<16xf32> to vector<1x16xf32>
          tpu.vector_store %arg13[%swap3A_505, %swap3A_506], %swap3A_509 {strides = array<i32>} : memref<8x1024xf32, #tpu.memory_space<vmem>>, vector<1x16xf32>,
          %swap3A_510 = arith.index_cast %scan3A_363 : i32 to index
          %swap3A_511 = arith.index_cast %add3A_387 : i32 to index
          %swap3A_512 = tpu.vector_load %arg13[%swap3A_510, %swap3A_511] {strides = array<i32>} : memref<8x1024xf32, #tpu.memory_space<vmem>>, vector<1x16xf32>,
          %swap3A_513 = vector.shape_cast %swap3A_512 : vector<1x16xf32> to vector<16xf32>
          %swap3A_514 = vector.shape_cast %add3A_475 : vector<16xf32> to vector<1x16xf32>
          tpu.vector_store %arg13[%swap3A_510, %swap3A_511], %swap3A_514 {strides = array<i32>} : memref<8x1024xf32, #tpu.memory_space<vmem>>, vector<1x16xf32>,
        }
        %scan3A_368 = arith.constant 8 : i32
      }
      %scan3A_355 = arith.constant 8 : i32
      %dma_start3A_356 = arith.constant 3 : i32
      %dma_start3A_357 = arith.constant 0 : i32
      %dma_start3A_358 = tpu.memref_slice %arg5[%dma_start3A_356, %add3A_221, %dma_start3A_357] : memref<4x8192x1024xf32, #tpu.memory_space<hbm>> -> memref<1x8x1024xf32, #tpu.memory_space<hbm>>
      %dma_start3A_359 = tpu.memref_squeeze %dma_start3A_358 : memref<1x8x1024xf32, #tpu.memory_space<hbm>> -> memref<8x1024xf32, #tpu.memory_space<hbm>>
      %dma_start3A_360 = arith.constant 0 : i32
      %dma_start3A_361 = tpu.memref_slice %arg5[%dma_start3A_356, %add3A_221, %dma_start3A_360] : memref<4x8192x1024xf32, #tpu.memory_space<hbm>> -> memref<1x8x1024xf32, #tpu.memory_space<hbm>>
      %dma_start3A_362 = tpu.memref_squeeze %dma_start3A_361 : memref<1x8x1024xf32, #tpu.memory_space<hbm>> -> memref<8x1024xf32, #tpu.memory_space<hbm>>
      tpu.enqueue_dma source(%arg13 : memref<8x1024xf32, #tpu.memory_space<vmem>>) target(%dma_start3A_362 : memref<8x1024xf32, #tpu.memory_space<hbm>>) target_semaphore(%arg31 : memref<!tpu.dma_semaphore, #tpu.memory_space<semaphore_mem>>)
    }
    %scan3A_40 = arith.constant 16 : i32
    %add3A_41 = arith.constant 248 : i32
    %add3A_42 = arith.addi %mul3A_4, %add3A_41 : i32
    %dma_wait3A = arith.constant 0 : i32
    %dma_wait3A_43 = arith.constant 0 : i32
    %dma_wait3A_44 = tpu.memref_slice %arg5[%dma_wait3A, %add3A_42, %dma_wait3A_43] : memref<4x8192x1024xf32, #tpu.memory_space<hbm>> -> memref<1x8x1024xf32, #tpu.memory_space<hbm>>
    %dma_wait3A_45 = tpu.memref_squeeze %dma_wait3A_44 : memref<1x8x1024xf32, #tpu.memory_space<hbm>> -> memref<8x1024xf32, #tpu.memory_space<hbm>>
    %dma_wait3A_46 = arith.constant 0 : i32
    %dma_wait3A_47 = tpu.memref_slice %arg5[%dma_wait3A, %add3A_42, %dma_wait3A_46] : memref<4x8192x1024xf32, #tpu.memory_space<hbm>> -> memref<1x8x1024xf32, #tpu.memory_space<hbm>>
    %dma_wait3A_48 = tpu.memref_squeeze %dma_wait3A_47 : memref<1x8x1024xf32, #tpu.memory_space<hbm>> -> memref<8x1024xf32, #tpu.memory_space<hbm>>
    tpu.wait_dma2 semaphore(%arg28 : memref<!tpu.dma_semaphore, #tpu.memory_space<semaphore_mem>>) src(%arg10 : memref<8x1024xf32, #tpu.memory_space<vmem>>) dst(%dma_wait3A_48 : memref<8x1024xf32, #tpu.memory_space<hbm>>)
    %dma_wait3A_49 = arith.constant 1 : i32
    %dma_wait3A_50 = arith.constant 0 : i32
    %dma_wait3A_51 = tpu.memref_slice %arg5[%dma_wait3A_49, %add3A_42, %dma_wait3A_50] : memref<4x8192x1024xf32, #tpu.memory_space<hbm>> -> memref<1x8x1024xf32, #tpu.memory_space<hbm>>
    %dma_wait3A_52 = tpu.memref_squeeze %dma_wait3A_51 : memref<1x8x1024xf32, #tpu.memory_space<hbm>> -> memref<8x1024xf32, #tpu.memory_space<hbm>>
    %dma_wait3A_53 = arith.constant 0 : i32
    %dma_wait3A_54 = tpu.memref_slice %arg5[%dma_wait3A_49, %add3A_42, %dma_wait3A_53] : memref<4x8192x1024xf32, #tpu.memory_space<hbm>> -> memref<1x8x1024xf32, #tpu.memory_space<hbm>>
    %dma_wait3A_55 = tpu.memref_squeeze %dma_wait3A_54 : memref<1x8x1024xf32, #tpu.memory_space<hbm>> -> memref<8x1024xf32, #tpu.memory_space<hbm>>
    tpu.wait_dma2 semaphore(%arg29 : memref<!tpu.dma_semaphore, #tpu.memory_space<semaphore_mem>>) src(%arg11 : memref<8x1024xf32, #tpu.memory_space<vmem>>) dst(%dma_wait3A_55 : memref<8x1024xf32, #tpu.memory_space<hbm>>)
    %dma_wait3A_56 = arith.constant 2 : i32
    %dma_wait3A_57 = arith.constant 0 : i32
    %dma_wait3A_58 = tpu.memref_slice %arg5[%dma_wait3A_56, %add3A_42, %dma_wait3A_57] : memref<4x8192x1024xf32, #tpu.memory_space<hbm>> -> memref<1x8x1024xf32, #tpu.memory_space<hbm>>
    %dma_wait3A_59 = tpu.memref_squeeze %dma_wait3A_58 : memref<1x8x1024xf32, #tpu.memory_space<hbm>> -> memref<8x1024xf32, #tpu.memory_space<hbm>>
    %dma_wait3A_60 = arith.constant 0 : i32
    %dma_wait3A_61 = tpu.memref_slice %arg5[%dma_wait3A_56, %add3A_42, %dma_wait3A_60] : memref<4x8192x1024xf32, #tpu.memory_space<hbm>> -> memref<1x8x1024xf32, #tpu.memory_space<hbm>>
    %dma_wait3A_62 = tpu.memref_squeeze %dma_wait3A_61 : memref<1x8x1024xf32, #tpu.memory_space<hbm>> -> memref<8x1024xf32, #tpu.memory_space<hbm>>
    tpu.wait_dma2 semaphore(%arg30 : memref<!tpu.dma_semaphore, #tpu.memory_space<semaphore_mem>>) src(%arg12 : memref<8x1024xf32, #tpu.memory_space<vmem>>) dst(%dma_wait3A_62 : memref<8x1024xf32, #tpu.memory_space<hbm>>)
    %dma_wait3A_63 = arith.constant 3 : i32
    %dma_wait3A_64 = arith.constant 0 : i32
    %dma_wait3A_65 = tpu.memref_slice %arg5[%dma_wait3A_63, %add3A_42, %dma_wait3A_64] : memref<4x8192x1024xf32, #tpu.memory_space<hbm>> -> memref<1x8x1024xf32, #tpu.memory_space<hbm>>
    %dma_wait3A_66 = tpu.memref_squeeze %dma_wait3A_65 : memref<1x8x1024xf32, #tpu.memory_space<hbm>> -> memref<8x1024xf32, #tpu.memory_space<hbm>>
    %dma_wait3A_67 = arith.constant 0 : i32
    %dma_wait3A_68 = tpu.memref_slice %arg5[%dma_wait3A_63, %add3A_42, %dma_wait3A_67] : memref<4x8192x1024xf32, #tpu.memory_space<hbm>> -> memref<1x8x1024xf32, #tpu.memory_space<hbm>>
    %dma_wait3A_69 = tpu.memref_squeeze %dma_wait3A_68 : memref<1x8x1024xf32, #tpu.memory_space<hbm>> -> memref<8x1024xf32, #tpu.memory_space<hbm>>
    tpu.wait_dma2 semaphore(%arg31 : memref<!tpu.dma_semaphore, #tpu.memory_space<semaphore_mem>>) src(%arg13 : memref<8x1024xf32, #tpu.memory_space<vmem>>) dst(%dma_wait3A_69 : memref<8x1024xf32, #tpu.memory_space<hbm>>)
    return
  }
}

</mosaic_0001>

<sc_bundles>
// kernel: kernel.3.cloned.1.call-start
scs
__scs_entry_jumppad:
0x0: {  	(pc) =	sbr.rel $0x88, $3  }
0x1: {  	(tag) =	ssettag $0x0;
	lr =	simm.s32 $0x1  }
0x2: {  	[smem:$0x3F9F] =	sst lr;
	_ =	strace $0xD0000000  }
0x3: {  	_ = 	snop  }
0x4: {  	_ = 	snop  }
0x5: {  	_ = 	snop  }
0x6: {  	_ = 	snop  }
0x7: {  	_ = 	snop  }
__scs_overlays_trampoline_lowered:
0x8: {  	[smem:$0x3FAE] =	sst s0  }
0x9: {  	[smem:$0x3FAF] =	sst s1  }
0xa: {  	[smem:$0x3FB0] =	sst s2  }
0xb: {  	[smem:$0x3FB1] =	sst s3  }
0xc: {  	[smem:$0x3FB2] =	sst s4  }
0xd: {  	[smem:$0x3FB3] =	sst s5  }
0xe: {  	[smem:$0x3FB4] =	sst s6  }
0xf: {  	[smem:$0x3FB5] =	sst s7  }
0x10: {  	[smem:$0x3FB6] =	sst s8  }
0x11: {  	[smem:$0x3FB7] =	sst s9;
	s0 =	simm.s32 @!p0 $0x0  }
0x12: {  	s1 =	sld [smem:$0x3F9D];
	s0 =	simm.s32 @p0 $0x1  }
0x13: {  	[smem:$0x3FB8] =	sst s0;
	s0 =	simm.s32 @!p1 $0x0  }
0x14: {  	s2 =	sld [smem:$0x3F9C];
	s0 =	simm.s32 @p1 $0x1  }
0x15: {  	[smem:$0x3FB9] =	sst s0;
	s0 =	simm.s32 @!p2 $0x0  }
0x16: {  	s3 =	sld [smem:$0x3FDB];
	s0 =	simm.s32 @p2 $0x1  }
0x17: {  	s4 =	simm.s32 $0x1BF5;
	[smem:$0x3FBB] =	sst s0  }
0x18: {  	s0 =	sld [smem:$0x3F9E];
	_ =	swait.ge [sflag:s4], $0x0  }
0x19: {  	s7 =	sld [smem:$0x3F9F]  }
0x1a: {  	s8 =	sadd.s32 $0xFFFFE003, lr  }
0x1b: {  	s9 =	sadd.s32 $0xFFFFFEF7, lr;
	s5 =	simm.s32 $0xFFFFFFFF;
	p2 =	slt.u32 s8, $0xFFFFF086  }
0x1c: {  	p1 =	slt.u32 s9, $0xF7A;
	s5 =	simm.s32 @!p2 $0x0  }
0x1d: {  	s5 =	simm.s32 @p1 $0x1;
	p0 =	seq.s32 s7, s2  }
0x1e: {  	s7 =	smul.u32 @!p0 $0xF7A, s2;
	p2 =	seq.s32 @!p0 s5, $0x0  }
0x1f: {  	s9 =	smul.u32 $0xF7A, s1;
	s8 =	simm.s32 @!p0 $0x1BF5;
	p2 =	por !p2, p0  }
0x20: {  	[sflag:s8] =	ssyncset.s32 @!p0 $0xFFFFF086;
	s6 =	sadd.s32 @!p0 s3, s7;
	s7 =	simm.s32 @!p0 $0x108  }
0x21: {  	s3 =	sadd.s32 s3, s9;
	s6 =	sadd.s32 @!p0 $0x88, s6;
	s7 =	simm.s32 @p2 $0x1082  }
0x22: {  	[simem:s7], [sflag:s8] =	dma.local @!p0 [hbm:s6], $0xF7A  }
0x23: {  	s9 =	sor.u32 $0xD0000000, s2;
	s6 =	simm.s32 $0x108;
	_ =	swait.ge @!p0 [sflag:s8], $0x0  }
0x24: {  	s3 =	sadd.s32 $0x88, s3;
	s6 =	simm.s32 @!p1 $0x1082;
	[sflag:s4] =	ssyncset.s32 $0xFFFFF086  }
0x25: {  	[simem:s6], [sflag:s4] =	dma.local [hbm:s3], $0xF7A  }
0x26: {  	[smem:$0x3F9F] =	sst s1;
	(tag) =	ssettag s2;
	_ =	strace s9  }
0x27: {  	s1 =	sld [smem:$0x3FAF]  }
0x28: {  	s2 =	sld [smem:$0x3FB0]  }
0x29: {  	s4 =	sld [smem:$0x3FB2]  }
0x2a: {  	p0 =	seq.s32 s5, $0x0;
	s5 =	sld [smem:$0x3FB3]  }
0x2b: {  	s6 =	sld [smem:$0x3FB4]  }
0x2c: {  	s7 =	sld [smem:$0x3FB5]  }
0x2d: {  	s3 =	simm.s32 $0x108;
	s8 =	sld [smem:$0x3FB6]  }
0x2e: {  	s3 =	simm.s32 @!p0 $0x1082;
	s9 =	sld [smem:$0x3FB7]  }
0x2f: {  	lr =	sadd.s32 s0, s3;
	s0 =	sld [smem:$0x3FAE]  }
0x30: {  	s3 =	sld [smem:$0x3FB1]  }
0x31: {  	[smem:$0x3FBA] =	sst s10  }
0x32: {  	s10 =	sld [smem:$0x3FB8];
	_ =	sdelay $0x3  }
0x33: {  	p0 =	seq.s32 s10, $0x1;
	s10 =	sld [smem:$0x3FBA];
	_ =	sdelay $0x3  }
0x34: {  	[smem:$0x3FBA] =	sst s10  }
0x35: {  	s10 =	sld [smem:$0x3FB9];
	_ =	sdelay $0x3  }
0x36: {  	p1 =	seq.s32 s10, $0x1;
	s10 =	sld [smem:$0x3FBA];
	_ =	sdelay $0x3  }
0x37: {  	[smem:$0x3FBA] =	sst s10  }
0x38: {  	s10 =	sld [smem:$0x3FBB]  }
0x39: {  	_ = 	snop;
	(pc) =	sbr.ind lr, $3  }
0x3a: {  	_ = 	snop  }
0x3b: {  	_ = 	snop  }
0x3c: {  	p2 =	seq.s32 s10, $0x1;
	s10 =	sld [smem:$0x3FBA]  }
0x3d: {  	_ =	shalt  }
0x3e: {  	_ =	shalt  }
0x3f: {  	_ =	shalt  }
0x40: {  	_ =	shalt  }
0x41: {  	_ =	shalt  }
0x42: {  	_ =	shalt  }
0x43: {  	_ =	shalt  }
0x44: {  	_ =	shalt  }
0x45: {  	_ =	shalt  }
0x46: {  	_ =	shalt  }
0x47: {  	_ =	shalt  }
0x48: {  	_ =	shalt  }
0x49: {  	_ =	shalt  }
0x4a: {  	_ =	shalt  }
0x4b: {  	_ =	shalt  }
0x4c: {  	_ =	shalt  }
0x4d: {  	_ =	shalt  }
0x4e: {  	_ =	shalt  }
0x4f: {  	_ =	shalt  }
0x50: {  	_ =	shalt  }
0x51: {  	_ =	shalt  }
0x52: {  	_ =	shalt  }
0x53: {  	_ =	shalt  }
0x54: {  	_ =	shalt  }
0x55: {  	_ =	shalt  }
0x56: {  	_ =	shalt  }
0x57: {  	_ =	shalt  }
0x58: {  	_ =	shalt  }
0x59: {  	_ =	shalt  }
0x5a: {  	_ =	shalt  }
0x5b: {  	_ =	shalt  }
0x5c: {  	_ =	shalt  }
0x5d: {  	_ =	shalt  }
0x5e: {  	_ =	shalt  }
0x5f: {  	_ =	shalt  }
0x60: {  	_ =	shalt  }
0x61: {  	_ =	shalt  }
0x62: {  	_ =	shalt  }
0x63: {  	_ =	shalt  }
0x64: {  	_ =	shalt  }
0x65: {  	_ =	shalt  }
0x66: {  	_ =	shalt  }
0x67: {  	_ =	shalt  }
0x68: {  	_ =	shalt  }
0x69: {  	_ =	shalt  }
0x6a: {  	_ =	shalt  }
0x6b: {  	_ =	shalt  }
0x6c: {  	_ =	shalt  }
0x6d: {  	_ =	shalt  }
0x6e: {  	_ =	shalt  }
0x6f: {  	_ =	shalt  }
0x70: {  	_ =	shalt  }
0x71: {  	_ =	shalt  }
0x72: {  	_ =	shalt  }
0x73: {  	_ =	shalt  }
0x74: {  	_ =	shalt  }
0x75: {  	_ =	shalt  }
0x76: {  	_ =	shalt  }
0x77: {  	_ =	shalt  }
0x78: {  	_ =	shalt  }
0x79: {  	_ =	shalt  }
0x7a: {  	_ =	shalt  }
0x7b: {  	_ =	shalt  }
0x7c: {  	_ =	shalt  }
0x7d: {  	_ =	shalt  }
0x7e: {  	_ =	shalt  }
0x7f: {  	_ =	shalt  }
0x80: {  	_ =	shalt  }
0x81: {  	_ =	shalt  }
0x82: {  	_ =	shalt  }
0x83: {  	_ =	shalt  }
0x84: {  	_ =	shalt  }
0x85: {  	_ =	shalt  }
0x86: {  	_ =	shalt  }
0x87: {  	_ =	shalt  }
.Lfunc_end0:
.L_simem_size_0:
called_computation_lowered:
.L_overlay_start_0:
0x88: {  	s2 =	sld [smem:$0x3FD9]  }
0x89: {  	s3 =	sld [smem:$0x3FFE];
	_ =	sdelay $0x1  }
0x8a: {  	s1 =	srdreg.scid  }
0x8b: {  	s0 =	sand.u32 $0x1, s1  }
0x8c: {  	s17 =	sshll.u32 s0, $0xA;
	s2 =	sadd.s32 s3, s2  }
0x8d: {  	s2 =	sadd.s32 s2, s17  }
0x8e: {  	[smem:$0x3FC6] =	sst s2  }
0x8f: {  	_ = 	snop  }
0x90: {  	s2 =	sld [smem:$0x3FC9]  }
0x91: {  	s18 =	sld [smem:$0x3FC8]  }
0x92: {  	s4 =	sld [smem:$0x3FD0];
	(tm) =	ssettm $0x1  }
0x93: {  	s5 =	sld [smem:$0x3FFB];
	_ =	sdelay $0x3  }
0x94: {  	_ =	strace s5  }
0x95: {  	s5 =	sld [smem:$0x3FFC];
	_ =	sdelay $0x3  }
0x96: {  	_ =	strace s5  }
0x97: {  	s5 =	sld [smem:$0x3FFD];
	_ =	sdelay $0x3  }
0x98: {  	_ =	strace s5  }
0x99: {  	_ =	strace $0x8FFFFFFF  }
0x9a: {  	s19 =	sld [smem:$0x3FDB];
	_ =	sdelay $0x1  }
0x9b: {  	s6 =	simm.s32 $_scs_section_size  }
0x9c: {  	s7 =	simm.s32 $_size__tile_overlayer_lowered;
	s8 =	simm.s32 $_tile_overlayer_lowered  }
0x9d: {  	s22 =	simm.s32 $0x1BFF;
	s21 =	sshll.u32 s8, $0x1;
	s5 =	sadd.s32 s6, s19  }
0x9e: {  	s9 =	simm.s32 $0x0;
	s20 =	sshll.u32 s7, $0x1;
	s7 =	sadd.s32 s21, s5  }
0x9f: {  	[timem:s9], [sflag:s22] =	dma.local [hbm:s7], s20  }
0xa0: {  	_ =	swait.ge [sflag:s22], s20  }
0xa1: {  	s6 =	ssub.s32 $0x0, s20;
	[sflag:s22] =	ssyncset.done $0x0  }
0xa2: {  	[sflag:s22] =	ssyncadd.s32 s6;
	_ =	sdelay $0x1  }
0xa3: {  	s23 =	simm.s32 $0x1B8B  }
0xa4: {  	_ =	swait.ge [sflag:s23], $0x1  }
0xa5: {  	[sflag:s23] =	ssyncset.done $0x0  }
0xa6: {  	s25 =	simm.s32 $0x1B8E;
	s24 =	sld [smem:$0x3FFE];
	[sflag:s23] =	ssyncadd.s32 $0xFFFFFFFF  }
0xa7: {  	s26 =	simm.s32 $execute0_lowered;
	[smem:$0x3FD2] =	sst s25  }
0xa8: {  	s7 =	sshll.u32 s26, $0x1;
	_ =	strace $0x80000046;
	[dreg:$0x1] =	wrdreg $0xFFFFFFFF  }
0xa9: {  	s28 =	simm.s32 $_size_execute0_lowered;
	s5 =	sadd.s32 s5, s7;
	[dreg:$0x0] =	wrdreg $0x0  }
0xaa: {  	s7 =	sshll.u32 s28, $0x1;
	[dreg:$0x2] =	wrdreg s5  }
0xab: {  	[dreg:$0x3] =	wrdreg s7  }
0xac: {  	[dreg:$0x4] =	wrdreg $0xC0  }
0xad: {  	_ =	task [dreg:s9], $0x5FFFF  }
0xae: {  	[dreg:$0x1] =	wrdreg $0xFFFFFFFF  }
0xaf: {  	[dreg:$0x0] =	wrdreg $0x60  }
0xb0: {  	[dreg:$0x2] =	wrdreg s2  }
0xb1: {  	[dreg:$0x3] =	wrdreg s18  }
0xb2: {  	[dreg:$0x4] =	wrdreg s24  }
0xb3: {  	[dreg:$0x5] =	wrdreg s4  }
0xb4: {  	[dreg:$0x6] =	wrdreg $0x9  }
0xb5: {  	_ =	task.clear_ibuf [dreg:s9], $0x7FFFF;
	_ =	strace $0x90000046  }
0xb6: {  	s29 =	simm.s32 $0x9;
	_ =	strace $0x80000048  }
0xb7: {  	_ =	swait.ge [sflag:s29], $0x1  }
0xb8: {  	[sflag:s29] =	ssyncadd.s32 $0xFFFFFFFF  }
0xb9: {  	_ =	strace $0x90000048  }
0xba: {  	_ =	sfence  }
0xbb: {  	s30 =	sld [smem:$0x0];
	_ =	sdelay $0x2  }
0xbc: {  	s31 =	sshll.u32 s1, $0xD;
	s1 =	sshrl.u32 s1, $0x2  }
0xbd: {  	s3 =	sand.u32 $0x4000, s31;
	s1 =	sadd.s32 s1, s30  }
0xbe: {  	s0 =	sor.u32 s3, s0;
	s1 =	sshll.u32 s1, $0x11  }
0xbf: {  	s0 =	sor.u32 s1, s0  }
0xc0: {  	s0 =	sadd.s32 $0x8F2B, s0  }
0xc1: {  	[sflag:s0] =	ssyncadd.remote.s32 $0x1  }
0xc2: {  	_ =	sfence.sel $0xFFFF  }
0xc3: {  	[dreg:$0x0] =	wrdreg $0xFFFFFFFF;
	(pc) =	sbr.abs _section_cstart, $3  }
0xc4: {  	[dreg:$0x1] =	wrdreg $0xFFFFFFFF  }
0xc5: {  	_ =	task.clear_ibuf [dreg:s9], $0x2FFFF;
	_ =	strace $0x9FFFFFFF  }
0xc6: {  	(tm) =	ssettm $0x7FFFFFFF  }
0xc7: {  	_ =	shalt  }
tec
execute0_lowered:
.L_overlay_start_1:
0x0: {  	(tag) =	ssettag $0x1  }
0x1: {  	s20 =	rddreg [dreg:$0x0]  }
0x2: {  	s4 =	rddreg [dreg:$0x1]  }
0x3: {  	s0 =	rddreg [dreg:$0x2]  }
0x4: {  	s6 =	rddreg [dreg:$0x3]  }
0x5: {  	s1 =	srdreg.scid;
	s2 =	stileid.u32  }
0x6: {  	s5 =	simm.s32 $0x0;
	s31 =	simm.s32 $0x11;
	s7 =	simm.s32 $0xC000  }
0x7: {  	s8 =	simm.s32 $0x3;
	s9 =	simm.s32 $0xE000;
	s12 =	simm.s32 $0x4  }
0x8: {  	s13 =	simm.s32 $0x5;
	[smem:$0x7FF] =	sst s5;
	s0 =	sadd.s32 $0x400, s0  }
0x9: {  	s21 =	sadd.s32 $0x100000, s20;
	_ =	strace $0x80000047;
	[dreg:$0x6] =	wrdreg s0  }
0xa: {  	s15 =	simm.s32 $0xA;
	s22 =	sadd.s32 $0x200000, s20;
	[dreg:$0x9] =	wrdreg s21  }
0xb: {  	s30 =	simm.s32 $0x7;
	s24 =	sadd.s32 $0x300000, s20;
	[dreg:$0xa] =	wrdreg s22  }
0xc: {  	s28 =	simm.s32 $0x8;
	s25 =	sadd.s32 $0x100400, s20;
	[dreg:$0xd] =	wrdreg s24  }
0xd: {  	s1 =	sand.u32 $0x1, s1;
	s26 =	sadd.s32 $0x200400, s20;
	[dreg:$0xf] =	wrdreg s25  }
0xe: {  	s2 =	sshll.u32 s2, $0x9;
	s29 =	sadd.s32 $0x300400, s20;
	[dreg:$0x10] =	wrdreg s26  }
0xf: {  	s3 =	sshll.u32 s1, $0x8;
	s1 =	ssub.s32 $0x2, s1;
	[dreg:$0x11] =	wrdreg s29  }
0x10: {  	s25 =	simm.s32 $0x2;
	s26 =	simm.s32 $0xC;
	s3 =	sor.u32 s3, s2  }
0x11: {  	s16 =	sshrl.u32 s1, $0x1;
	[dreg:$0x5] =	wrdreg s3;
	s3 =	sshll.u32 s3, $0x7  }
0x12: {  	s2 =	simm.s32 $0x0;
	s17 =	ssub.s32 s1, s16;
	s18 =	sadd.s32 s4, s3  }
0x13: {  	s19 =	sadd.s32 s20, s3;
	s1 =	sadd.s32 s3, s21;
	[dreg:$0x7] =	wrdreg s18  }
0x14: {  	s23 =	sadd.s32 s3, s22;
	s21 =	sadd.s32 $0x300000, s6;
	[dreg:$0x8] =	wrdreg s19  }
0x15: {  	s0 =	smax.u32 s17, $0x1;
	s22 =	simm.s32 $0x6;
	[dreg:$0xb] =	wrdreg s1  }
0x16: {  	[dreg:$0xc] =	wrdreg s23;
	s1 =	sadd.s32 s3, s24;
	s18 =	sadd.s32 $0x100000, s6  }
0x17: {  	s19 =	sadd.s32 $0x200000, s6;
	s23 =	smov.u32 s6;
	[dreg:$0x12] =	wrdreg s0  }
0x18: {  	s3 =	simm.s32 $0x1;
	s24 =	simm.s32 $0xB;
	[dreg:$0xe] =	wrdreg s1  }
.LBB2_1:
0x19: {  	[dreg:$0x13] =	wrdreg s2  }
0x1a: {  	s0 =	rddreg [dreg:$0x6];
	s1 =	simm.s32 $0x14000;
	s17 =	simm.s32 $0x13  }
0x1b: {  	[tilespmem:s1], [sflag:$0x13] =	stream.linear.gather [hbm4b:s0+s5], $0x1, $0x38;
	[tilespmem:$0x14080] =	vst v63  }
0x1c: {  	_ =	swait.ge [sflag:s17], $0x1  }
0x1d: {  	[sflag:s17] =	ssyncset.done $0x0  }
0x1e: {  	s2 =	simm.s32 $0x10000;
	s1 =	rddreg [dreg:$0x7];
	[sflag:s17] =	ssyncadd.s32 $0xFFFFFFFF  }
0x1f: {  	v0 =	vld.msk [tilespmem:$0x14000 ss:$0x0], $0xffff;
	[tilespmem:s2], [sflag:$0x11] =	stream.linear.gather [hbm4b:s1+s5], $0x2000, $0x38  }
0x20: {  	s4 =	rddreg [dreg:$0x8]  }
0x21: {  	[tilespmem:s5], [sflag:$0x1] =	stream.linear.gather [hbm4b:s4+s5], $0x2000, $0x38;
	[tilespmem:$0x14080] =	vst v63  }
0x22: {  	s10 =	simm.s32 $0x2000;
	s6 =	rddreg [dreg:$0xb]  }
0x23: {  	[tilespmem:s10], [sflag:$0x2] =	stream.linear.gather [hbm4b:s6+s5], $0x2000, $0x38;
	[tilespmem:$0x14080] =	vst v63  }
0x24: {  	s14 =	simm.s32 $0x4000;
	s11 =	rddreg [dreg:$0xc]  }
0x25: {  	[tilespmem:s14], [sflag:$0x3] =	stream.linear.gather [hbm4b:s11+s5], $0x2000, $0x38;
	[tilespmem:$0x14080] =	vst v63  }
0x26: {  	s29 =	simm.s32 $0x0;
	s16 =	rddreg [dreg:$0xe];
	s17 =	simm.s32 $0x6000  }
0x27: {  	[tilespmem:s17], [sflag:$0x4] =	stream.linear.gather [hbm4b:s16+s5], $0x2000, $0x38;
	[tilespmem:$0x14080] =	vst v63  }
.LBB2_2:
0x28: {  	s1 =	sshll.u32 s29, $0x4;
	s0 =	rddreg [dreg:$0x5]  }
0x29: {  	s4 =	sor.u32 s0, s1  }
0x2a: {  	s1 =	sshll.u32 s4, $0x7  }
0x2b: {  	s16 =	rddreg [dreg:$0x1];
	s2 =	sor.u32 $0x400, s1  }
0x2c: {  	s17 =	simm.s32 $0x12000;
	s6 =	sadd.s32 s16, s2  }
0x2d: {  	[tilespmem:s17], [sflag:$0x12] =	stream.linear.gather [hbm4b:s6+s5], $0x2000, $0x38;
	[tilespmem:$0x14080] =	vst v63  }
0x2e: {  	_ =	swait.ge [sflag:s31], $0x2000  }
0x2f: {  	p0 =	seq.s32 s29, $0x0;
	[sflag:s31] =	ssyncset.done $0x0  }
0x30: {  	s6 =	simm.s32 @!p0 $0xD;
	[sflag:s31] =	ssyncadd.s32 $0xFFFFE000  }
0x31: {  	_ =	swait.ge @!p0 [sflag:s6], $0x2000  }
0x32: {  	s11 =	simm.s32 $0x8000;
	[sflag:s6] =	ssyncset.done @!p0 $0x0  }
0x33: {  	s10 =	sadd.s32 s20, s2;
	[sflag:s6] =	ssyncadd.s32 @!p0 $0xFFFFE000;
	s6 =	simm.s32 $0x0  }
0x34: {  	[tilespmem:s11], [sflag:$0x5] =	stream.linear.gather [hbm4b:s10+s6], $0x2000, $0x38;
	[tilespmem:$0x14080] =	vst v63  }
0x35: {  	_ =	swait.ge [sflag:s3], $0x2000  }
0x36: {  	s0 =	smov.u32 s20;
	[sflag:s3] =	ssyncset.done $0x0  }
0x37: {  	s10 =	simm.s32 $0x10040;
	s11 =	simm.s32 $0x40;
	[sflag:s3] =	ssyncadd.s32 $0xFFFFE000  }
.LBB2_3:
0x38: {  	v1 =	vmov s11;
	_ =	sdelay $0x3  }
0x39: {  	v2 =	vmov s10;
	s16 =	simm.s32 $0x0  }
0x3a: {  	v4 =	vld.idx.msk [tilespmem:v1+s16+$0xFFFFFFC0 ss:$0x1], $0xffff  }
0x3b: {  	v5 =	vld.idx.msk [tilespmem:v1+s16+$0xFFFFFFD0 ss:$0x1], $0xffff  }
0x3c: {  	v6 =	vld.idx.msk [tilespmem:v1+s16+$0xFFFFFFE0 ss:$0x1], $0xffff  }
0x3d: {  	v9 =	vld.idx.msk [tilespmem:v1+s16+$0xFFFFFFF0 ss:$0x1], $0xffff  }
0x3e: {  	v11 =	vld.idx.msk [tilespmem:v2+s16+$0x0 ss:$0x1], $0xffff  }
0x3f: {  	v7 =	vld.idx.msk [tilespmem:v1+s16+$0x0 ss:$0x1], $0xffff  }
0x40: {  	v12 =	vld.idx.msk [tilespmem:v2+s16+$0xFFFFFFE0 ss:$0x1], $0xffff  }
0x41: {  	v10 =	vld.idx.msk [tilespmem:v2+s16+$0xFFFFFFD0 ss:$0x1], $0xffff  }
0x42: {  	v13 =	vld.idx.msk [tilespmem:v2+s16+$0xFFFFFFC0 ss:$0x1], $0xffff  }
0x43: {  	v14 =	vld.idx.msk [tilespmem:v2+s16+$0xFFFFFFF0 ss:$0x1], $0xffff  }
0x44: {  	v3 =	vld.idx.msk [tilespmem:v2+s16+$0x10 ss:$0x1], $0xffff  }
0x45: {  	v8 =	vld.idx.msk [tilespmem:v1+s16+$0x10 ss:$0x1], $0xffff;
	v15 =	vmul.f32 v4, v0  }
0x46: {  	v5 =	vmul.f32 v5, v0;
	v16 =	vmul.f32 v7, v0;
	v7 =	vld.idx.msk [tilespmem:v1+s16+$0x20 ss:$0x1], $0xffff  }
0x47: {  	v17 =	vmul.f32 v6, v0;
	v13 =	vadd.f32 v13, v15;
	v15 =	vmul.f32 v9, v0;
	v9 =	vld.idx.msk [tilespmem:v1+s16+$0x30 ss:$0x1], $0xffff  }
0x48: {  	v4 =	vld.idx.msk [tilespmem:v2+s16+$0x20 ss:$0x1], $0xffff;
	v10 =	vadd.f32 v10, v5;
	v5 =	vadd.f32 v11, v16  }
0x49: {  	s17 =	simm.s32 $0x2000;
	s14 =	simm.s32 $0x400;
	v6 =	vld.idx.msk [tilespmem:v2+s16+$0x30 ss:$0x1], $0xffff;
	v12 =	vadd.f32 v12, v17;
	v11 =	vadd.f32 v14, v15;
	[tilespmem:v1+s16+$0xFFFFFFC0 ss:$0x1] =	vst.idx.msk $0xffff, v13  }
.LBB2_4:
0x4a: {  	p1 =	sne.s32 s17, $0x7000;
	v8 =	vmul.f32 v8, v0;
	[tilespmem:v1+s16+$0xFFFFFFD0 ss:$0x1] =	vst.idx.msk $0xffff, v10;
	s20 =	smov.u32 s17;
	s17 =	sadd.s32 $0x1000, s17  }
0x4b: {  	v7 =	vmul.f32 v7, v0;
	[tilespmem:v1+s16+$0xFFFFFFE0 ss:$0x1] =	vst.idx.msk $0xffff, v12  }
0x4c: {  	s20 =	sshra.s32 s20, $0x2;
	v3 =	vadd.f32 v3, v8;
	v8 =	vmul.f32 v9, v0;
	[tilespmem:v1+s16+$0xFFFFFFF0 ss:$0x1] =	vst.idx.msk $0xffff, v11  }
0x4d: {  	v4 =	vadd.f32 v4, v7;
	v9 =	vld.idx.msk [tilespmem:v1+s14+$0xFFFFFFC0 ss:$0x1], $0xffff;
	[tilespmem:v1+s16+$0x0 ss:$0x1] =	vst.idx.msk $0xffff, v5  }
0x4e: {  	v5 =	vld.idx.msk [tilespmem:v1+s14+$0xFFFFFFD0 ss:$0x1], $0xffff;
	v6 =	vadd.f32 v6, v8;
	[tilespmem:v1+s16+$0x10 ss:$0x1] =	vst.idx.msk $0xffff, v3  }
0x4f: {  	v11 =	vld.idx.msk [tilespmem:v1+s14+$0xFFFFFFE0 ss:$0x1], $0xffff;
	[tilespmem:v1+s16+$0x20 ss:$0x1] =	vst.idx.msk $0xffff, v4  }
0x50: {  	v12 =	vld.idx.msk [tilespmem:v1+s14+$0xFFFFFFF0 ss:$0x1], $0xffff;
	[tilespmem:v1+s16+$0x30 ss:$0x1] =	vst.idx.msk $0xffff, v6;
	s16 =	smov.u32 s14;
	s14 =	smov.u32 s20  }
0x51: {  	v4 =	vld.idx.msk [tilespmem:v2+s16+$0x0 ss:$0x1], $0xffff  }
0x52: {  	v6 =	vld.idx.msk [tilespmem:v1+s16+$0x0 ss:$0x1], $0xffff  }
0x53: {  	v14 =	vmul.f32 v9, v0;
	v13 =	vld.idx.msk [tilespmem:v2+s16+$0xFFFFFFE0 ss:$0x1], $0xffff  }
0x54: {  	v10 =	vld.idx.msk [tilespmem:v2+s16+$0xFFFFFFD0 ss:$0x1], $0xffff  }
0x55: {  	v15 =	vld.idx.msk [tilespmem:v2+s16+$0xFFFFFFC0 ss:$0x1], $0xffff  }
0x56: {  	v16 =	vld.idx.msk [tilespmem:v2+s16+$0xFFFFFFF0 ss:$0x1], $0xffff  }
0x57: {  	v5 =	vmul.f32 v5, v0;
	v3 =	vld.idx.msk [tilespmem:v2+s16+$0x10 ss:$0x1], $0xffff  }
0x58: {  	v6 =	vmul.f32 v6, v0;
	v8 =	vld.idx.msk [tilespmem:v1+s16+$0x10 ss:$0x1], $0xffff  }
.Ltmp0:
0x59: {  	v7 =	vld.idx.msk [tilespmem:v1+s16+$0x20 ss:$0x1], $0xffff;
	(pc) =	sbr.rel @p1 .LBB2_4-.Ltmp0, $4  }
0x5a: {  	v11 =	vmul.f32 v11, v0;
	v10 =	vadd.f32 v10, v5;
	v5 =	vadd.f32 v4, v6;
	v9 =	vld.idx.msk [tilespmem:v1+s16+$0x30 ss:$0x1], $0xffff  }
0x5b: {  	v14 =	vadd.f32 v15, v14;
	v15 =	vmul.f32 v12, v0;
	v4 =	vld.idx.msk [tilespmem:v2+s16+$0x20 ss:$0x1], $0xffff  }
0x5c: {  	v12 =	vadd.f32 v13, v11;
	v6 =	vld.idx.msk [tilespmem:v2+s16+$0x30 ss:$0x1], $0xffff  }
0x5d: {  	v11 =	vadd.f32 v16, v15;
	[tilespmem:v1+s16+$0xFFFFFFC0 ss:$0x1] =	vst.idx.msk $0xffff, v14  }
0x5e: {  	_ =	sdelay $0x3  }
0x5f: {  	v8 =	vmul.f32 v8, v0;
	[tilespmem:v1+s16+$0xFFFFFFD0 ss:$0x1] =	vst.idx.msk $0xffff, v10  }
0x60: {  	v7 =	vmul.f32 v7, v0;
	[tilespmem:v1+s16+$0xFFFFFFE0 ss:$0x1] =	vst.idx.msk $0xffff, v12  }
0x61: {  	v54 =	vmul.f32 v9, v0;
	v3 =	vadd.f32 v3, v8;
	[tilespmem:v1+s16+$0xFFFFFFF0 ss:$0x1] =	vst.idx.msk $0xffff, v11  }
0x62: {  	v4 =	vadd.f32 v4, v7;
	v55 =	vld.idx.msk [tilespmem:v1+s14+$0xFFFFFFC0 ss:$0x1], $0xffff;
	[tilespmem:v1+s16+$0x0 ss:$0x1] =	vst.idx.msk $0xffff, v5  }
0x63: {  	v6 =	vadd.f32 v6, v54;
	v5 =	vld.idx.msk [tilespmem:v1+s14+$0xFFFFFFD0 ss:$0x1], $0xffff;
	[tilespmem:v1+s16+$0x10 ss:$0x1] =	vst.idx.msk $0xffff, v3  }
0x64: {  	v3 =	vld.idx.msk [tilespmem:v1+s14+$0xFFFFFFE0 ss:$0x1], $0xffff;
	[tilespmem:v1+s16+$0x20 ss:$0x1] =	vst.idx.msk $0xffff, v4  }
0x65: {  	v4 =	vld.idx.msk [tilespmem:v1+s14+$0xFFFFFFF0 ss:$0x1], $0xffff;
	[tilespmem:v1+s16+$0x30 ss:$0x1] =	vst.idx.msk $0xffff, v6  }
0x66: {  	v6 =	vld.idx.msk [tilespmem:v2+s14+$0x0 ss:$0x1], $0xffff  }
0x67: {  	v56 =	vld.idx.msk [tilespmem:v1+s14+$0x0 ss:$0x1], $0xffff  }
0x68: {  	v57 =	vld.idx.msk [tilespmem:v2+s14+$0xFFFFFFE0 ss:$0x1], $0xffff  }
0x69: {  	v10 =	vld.idx.msk [tilespmem:v2+s14+$0xFFFFFFD0 ss:$0x1], $0xffff  }
0x6a: {  	v11 =	vld.idx.msk [tilespmem:v2+s14+$0xFFFFFFC0 ss:$0x1], $0xffff  }
0x6b: {  	v12 =	vld.idx.msk [tilespmem:v2+s14+$0xFFFFFFF0 ss:$0x1], $0xffff  }
0x6c: {  	v13 =	vld.idx.msk [tilespmem:v2+s14+$0x10 ss:$0x1], $0xffff  }
0x6d: {  	v14 =	vld.idx.msk [tilespmem:v1+s14+$0x10 ss:$0x1], $0xffff;
	v9 =	vmul.f32 v55, v0  }
0x6e: {  	v15 =	vld.idx.msk [tilespmem:v1+s14+$0x20 ss:$0x1], $0xffff;
	v5 =	vmul.f32 v5, v0  }
0x6f: {  	v16 =	vld.idx.msk [tilespmem:v1+s14+$0x30 ss:$0x1], $0xffff;
	v3 =	vmul.f32 v3, v0;
	v9 =	vadd.f32 v11, v9  }
0x70: {  	v58 =	vld.idx.msk [tilespmem:v2+s14+$0x20 ss:$0x1], $0xffff;
	v4 =	vmul.f32 v4, v0;
	v5 =	vadd.f32 v10, v5  }
0x71: {  	v2 =	vld.idx.msk [tilespmem:v2+s14+$0x30 ss:$0x1], $0xffff;
	v7 =	vmul.f32 v56, v0;
	v3 =	vadd.f32 v57, v3;
	[tilespmem:v1+s14+$0xFFFFFFC0 ss:$0x1] =	vst.idx.msk $0xffff, v9  }
0x72: {  	s6 =	sadd.s32 $0x1, s6;
	v59 =	vmul.f32 v14, v0;
	v4 =	vadd.f32 v12, v4;
	[tilespmem:v1+s14+$0xFFFFFFD0 ss:$0x1] =	vst.idx.msk $0xffff, v5  }
0x73: {  	p1 =	sne.s32 s6, $0x8;
	v61 =	vmul.f32 v15, v0;
	v60 =	vadd.f32 v6, v7;
	[tilespmem:v1+s14+$0xFFFFFFE0 ss:$0x1] =	vst.idx.msk $0xffff, v3  }
.Ltmp1:
0x74: {  	v62 =	vmul.f32 v16, v0;
	v3 =	vadd.f32 v13, v59;
	[tilespmem:v1+s14+$0xFFFFFFF0 ss:$0x1] =	vst.idx.msk $0xffff, v4;
	(pc) =	sbr.rel @p1 .LBB2_3-.Ltmp1, $4  }
0x75: {  	v63 =	vadd.f32 v58, v61;
	[tilespmem:v1+s14+$0x0 ss:$0x1] =	vst.idx.msk $0xffff, v60  }
0x76: {  	v2 =	vadd.f32 v2, v62;
	[tilespmem:v1+s14+$0x10 ss:$0x1] =	vst.idx.msk $0xffff, v3  }
0x77: {  	[tilespmem:v1+s14+$0x20 ss:$0x1] =	vst.idx.msk $0xffff, v63  }
0x78: {  	s10 =	sadd.s32 $0x80, s10;
	s11 =	sadd.s32 $0x80, s11;
	[tilespmem:v1+s14+$0x30 ss:$0x1] =	vst.idx.msk $0xffff, v2  }
0x79: {  	s6 =	sadd.s32 s23, s1  }
0x7a: {  	[hbm4b:s6+s5] =	stream.linear.scatter [tilespmem:s5], [sflag:$0x9], $0x2000, $0x38;
	[tilespmem:$0x14080] =	vst v63  }
0x7b: {  	s6 =	simm.s32 @!p0 $0xE  }
0x7c: {  	_ =	swait.ge @!p0 [sflag:s6], $0x2000  }
0x7d: {  	s11 =	simm.s32 $0xA000;
	[sflag:s6] =	ssyncset.done @!p0 $0x0;
	s20 =	rddreg [dreg:$0xf]  }
0x7e: {  	[sflag:s6] =	ssyncadd.s32 @!p0 $0xFFFFE000;
	s10 =	sadd.s32 s1, s20;
	s6 =	simm.s32 $0x0  }
0x7f: {  	[tilespmem:s11], [sflag:$0x6] =	stream.linear.gather [hbm4b:s10+s6], $0x2000, $0x38;
	[tilespmem:$0x14080] =	vst v63  }
0x80: {  	_ =	swait.ge [sflag:s25], $0x2000  }
0x81: {  	[sflag:s25] =	ssyncset.done $0x0  }
0x82: {  	s10 =	simm.s32 $0x10040;
	s11 =	simm.s32 $0x2040;
	[sflag:s25] =	ssyncadd.s32 $0xFFFFE000  }
.LBB2_7:
0x83: {  	v1 =	vmov s11;
	_ =	sdelay $0x3  }
0x84: {  	v2 =	vmov s10;
	s16 =	simm.s32 $0x0  }
0x85: {  	v4 =	vld.idx.msk [tilespmem:v1+s16+$0xFFFFFFC0 ss:$0x1], $0xffff  }
0x86: {  	v5 =	vld.idx.msk [tilespmem:v1+s16+$0xFFFFFFD0 ss:$0x1], $0xffff  }
0x87: {  	v6 =	vld.idx.msk [tilespmem:v1+s16+$0xFFFFFFE0 ss:$0x1], $0xffff  }
0x88: {  	v9 =	vld.idx.msk [tilespmem:v1+s16+$0xFFFFFFF0 ss:$0x1], $0xffff  }
0x89: {  	v11 =	vld.idx.msk [tilespmem:v2+s16+$0x0 ss:$0x1], $0xffff  }
0x8a: {  	v7 =	vld.idx.msk [tilespmem:v1+s16+$0x0 ss:$0x1], $0xffff  }
0x8b: {  	v12 =	vld.idx.msk [tilespmem:v2+s16+$0xFFFFFFE0 ss:$0x1], $0xffff  }
0x8c: {  	v10 =	vld.idx.msk [tilespmem:v2+s16+$0xFFFFFFD0 ss:$0x1], $0xffff  }
0x8d: {  	v13 =	vld.idx.msk [tilespmem:v2+s16+$0xFFFFFFC0 ss:$0x1], $0xffff  }
0x8e: {  	v14 =	vld.idx.msk [tilespmem:v2+s16+$0xFFFFFFF0 ss:$0x1], $0xffff  }
0x8f: {  	v3 =	vld.idx.msk [tilespmem:v2+s16+$0x10 ss:$0x1], $0xffff  }
0x90: {  	v8 =	vld.idx.msk [tilespmem:v1+s16+$0x10 ss:$0x1], $0xffff;
	v15 =	vmul.f32 v4, v0  }
0x91: {  	v5 =	vmul.f32 v5, v0;
	v16 =	vmul.f32 v7, v0;
	v7 =	vld.idx.msk [tilespmem:v1+s16+$0x20 ss:$0x1], $0xffff  }
0x92: {  	v17 =	vmul.f32 v6, v0;
	v13 =	vadd.f32 v13, v15;
	v15 =	vmul.f32 v9, v0;
	v9 =	vld.idx.msk [tilespmem:v1+s16+$0x30 ss:$0x1], $0xffff  }
0x93: {  	v4 =	vld.idx.msk [tilespmem:v2+s16+$0x20 ss:$0x1], $0xffff;
	v10 =	vadd.f32 v10, v5;
	v5 =	vadd.f32 v11, v16  }
0x94: {  	s17 =	simm.s32 $0x2000;
	s14 =	simm.s32 $0x400;
	v6 =	vld.idx.msk [tilespmem:v2+s16+$0x30 ss:$0x1], $0xffff;
	v12 =	vadd.f32 v12, v17;
	v11 =	vadd.f32 v14, v15;
	[tilespmem:v1+s16+$0xFFFFFFC0 ss:$0x1] =	vst.idx.msk $0xffff, v13  }
.LBB2_8:
0x95: {  	p1 =	sne.s32 s17, $0x7000;
	v8 =	vmul.f32 v8, v0;
	[tilespmem:v1+s16+$0xFFFFFFD0 ss:$0x1] =	vst.idx.msk $0xffff, v10;
	s20 =	smov.u32 s17;
	s17 =	sadd.s32 $0x1000, s17  }
0x96: {  	v7 =	vmul.f32 v7, v0;
	[tilespmem:v1+s16+$0xFFFFFFE0 ss:$0x1] =	vst.idx.msk $0xffff, v12  }
0x97: {  	s20 =	sshra.s32 s20, $0x2;
	v3 =	vadd.f32 v3, v8;
	v8 =	vmul.f32 v9, v0;
	[tilespmem:v1+s16+$0xFFFFFFF0 ss:$0x1] =	vst.idx.msk $0xffff, v11  }
0x98: {  	v4 =	vadd.f32 v4, v7;
	v9 =	vld.idx.msk [tilespmem:v1+s14+$0xFFFFFFC0 ss:$0x1], $0xffff;
	[tilespmem:v1+s16+$0x0 ss:$0x1] =	vst.idx.msk $0xffff, v5  }
0x99: {  	v5 =	vld.idx.msk [tilespmem:v1+s14+$0xFFFFFFD0 ss:$0x1], $0xffff;
	v6 =	vadd.f32 v6, v8;
	[tilespmem:v1+s16+$0x10 ss:$0x1] =	vst.idx.msk $0xffff, v3  }
0x9a: {  	v11 =	vld.idx.msk [tilespmem:v1+s14+$0xFFFFFFE0 ss:$0x1], $0xffff;
	[tilespmem:v1+s16+$0x20 ss:$0x1] =	vst.idx.msk $0xffff, v4  }
0x9b: {  	v12 =	vld.idx.msk [tilespmem:v1+s14+$0xFFFFFFF0 ss:$0x1], $0xffff;
	[tilespmem:v1+s16+$0x30 ss:$0x1] =	vst.idx.msk $0xffff, v6;
	s16 =	smov.u32 s14;
	s14 =	smov.u32 s20  }
0x9c: {  	v4 =	vld.idx.msk [tilespmem:v2+s16+$0x0 ss:$0x1], $0xffff  }
0x9d: {  	v6 =	vld.idx.msk [tilespmem:v1+s16+$0x0 ss:$0x1], $0xffff  }
0x9e: {  	v14 =	vmul.f32 v9, v0;
	v13 =	vld.idx.msk [tilespmem:v2+s16+$0xFFFFFFE0 ss:$0x1], $0xffff  }
0x9f: {  	v10 =	vld.idx.msk [tilespmem:v2+s16+$0xFFFFFFD0 ss:$0x1], $0xffff  }
0xa0: {  	v15 =	vld.idx.msk [tilespmem:v2+s16+$0xFFFFFFC0 ss:$0x1], $0xffff  }
0xa1: {  	v16 =	vld.idx.msk [tilespmem:v2+s16+$0xFFFFFFF0 ss:$0x1], $0xffff  }
0xa2: {  	v5 =	vmul.f32 v5, v0;
	v3 =	vld.idx.msk [tilespmem:v2+s16+$0x10 ss:$0x1], $0xffff  }
0xa3: {  	v6 =	vmul.f32 v6, v0;
	v8 =	vld.idx.msk [tilespmem:v1+s16+$0x10 ss:$0x1], $0xffff  }
.Ltmp2:
0xa4: {  	v7 =	vld.idx.msk [tilespmem:v1+s16+$0x20 ss:$0x1], $0xffff;
	(pc) =	sbr.rel @p1 .LBB2_8-.Ltmp2, $4  }
0xa5: {  	v11 =	vmul.f32 v11, v0;
	v10 =	vadd.f32 v10, v5;
	v5 =	vadd.f32 v4, v6;
	v9 =	vld.idx.msk [tilespmem:v1+s16+$0x30 ss:$0x1], $0xffff  }
0xa6: {  	v14 =	vadd.f32 v15, v14;
	v15 =	vmul.f32 v12, v0;
	v4 =	vld.idx.msk [tilespmem:v2+s16+$0x20 ss:$0x1], $0xffff  }
0xa7: {  	v12 =	vadd.f32 v13, v11;
	v6 =	vld.idx.msk [tilespmem:v2+s16+$0x30 ss:$0x1], $0xffff  }
0xa8: {  	v11 =	vadd.f32 v16, v15;
	[tilespmem:v1+s16+$0xFFFFFFC0 ss:$0x1] =	vst.idx.msk $0xffff, v14  }
0xa9: {  	_ =	sdelay $0x3  }
0xaa: {  	v8 =	vmul.f32 v8, v0;
	[tilespmem:v1+s16+$0xFFFFFFD0 ss:$0x1] =	vst.idx.msk $0xffff, v10  }
0xab: {  	v7 =	vmul.f32 v7, v0;
	[tilespmem:v1+s16+$0xFFFFFFE0 ss:$0x1] =	vst.idx.msk $0xffff, v12  }
0xac: {  	v54 =	vmul.f32 v9, v0;
	v3 =	vadd.f32 v3, v8;
	[tilespmem:v1+s16+$0xFFFFFFF0 ss:$0x1] =	vst.idx.msk $0xffff, v11  }
0xad: {  	v4 =	vadd.f32 v4, v7;
	v55 =	vld.idx.msk [tilespmem:v1+s14+$0xFFFFFFC0 ss:$0x1], $0xffff;
	[tilespmem:v1+s16+$0x0 ss:$0x1] =	vst.idx.msk $0xffff, v5  }
0xae: {  	v6 =	vadd.f32 v6, v54;
	v5 =	vld.idx.msk [tilespmem:v1+s14+$0xFFFFFFD0 ss:$0x1], $0xffff;
	[tilespmem:v1+s16+$0x10 ss:$0x1] =	vst.idx.msk $0xffff, v3  }
0xaf: {  	v3 =	vld.idx.msk [tilespmem:v1+s14+$0xFFFFFFE0 ss:$0x1], $0xffff;
	[tilespmem:v1+s16+$0x20 ss:$0x1] =	vst.idx.msk $0xffff, v4  }
0xb0: {  	v4 =	vld.idx.msk [tilespmem:v1+s14+$0xFFFFFFF0 ss:$0x1], $0xffff;
	[tilespmem:v1+s16+$0x30 ss:$0x1] =	vst.idx.msk $0xffff, v6  }
0xb1: {  	v6 =	vld.idx.msk [tilespmem:v2+s14+$0x0 ss:$0x1], $0xffff  }
0xb2: {  	v56 =	vld.idx.msk [tilespmem:v1+s14+$0x0 ss:$0x1], $0xffff  }
0xb3: {  	v57 =	vld.idx.msk [tilespmem:v2+s14+$0xFFFFFFE0 ss:$0x1], $0xffff  }
0xb4: {  	v10 =	vld.idx.msk [tilespmem:v2+s14+$0xFFFFFFD0 ss:$0x1], $0xffff  }
0xb5: {  	v11 =	vld.idx.msk [tilespmem:v2+s14+$0xFFFFFFC0 ss:$0x1], $0xffff  }
0xb6: {  	v12 =	vld.idx.msk [tilespmem:v2+s14+$0xFFFFFFF0 ss:$0x1], $0xffff  }
0xb7: {  	v13 =	vld.idx.msk [tilespmem:v2+s14+$0x10 ss:$0x1], $0xffff  }
0xb8: {  	v14 =	vld.idx.msk [tilespmem:v1+s14+$0x10 ss:$0x1], $0xffff;
	v9 =	vmul.f32 v55, v0  }
0xb9: {  	v15 =	vld.idx.msk [tilespmem:v1+s14+$0x20 ss:$0x1], $0xffff;
	v5 =	vmul.f32 v5, v0  }
0xba: {  	v16 =	vld.idx.msk [tilespmem:v1+s14+$0x30 ss:$0x1], $0xffff;
	v3 =	vmul.f32 v3, v0;
	v9 =	vadd.f32 v11, v9  }
0xbb: {  	v58 =	vld.idx.msk [tilespmem:v2+s14+$0x20 ss:$0x1], $0xffff;
	v4 =	vmul.f32 v4, v0;
	v5 =	vadd.f32 v10, v5  }
0xbc: {  	v2 =	vld.idx.msk [tilespmem:v2+s14+$0x30 ss:$0x1], $0xffff;
	v7 =	vmul.f32 v56, v0;
	v3 =	vadd.f32 v57, v3;
	[tilespmem:v1+s14+$0xFFFFFFC0 ss:$0x1] =	vst.idx.msk $0xffff, v9  }
0xbd: {  	s6 =	sadd.s32 $0x1, s6;
	v59 =	vmul.f32 v14, v0;
	v4 =	vadd.f32 v12, v4;
	[tilespmem:v1+s14+$0xFFFFFFD0 ss:$0x1] =	vst.idx.msk $0xffff, v5  }
0xbe: {  	p1 =	sne.s32 s6, $0x8;
	v61 =	vmul.f32 v15, v0;
	v60 =	vadd.f32 v6, v7;
	[tilespmem:v1+s14+$0xFFFFFFE0 ss:$0x1] =	vst.idx.msk $0xffff, v3  }
.Ltmp3:
0xbf: {  	v62 =	vmul.f32 v16, v0;
	v3 =	vadd.f32 v13, v59;
	[tilespmem:v1+s14+$0xFFFFFFF0 ss:$0x1] =	vst.idx.msk $0xffff, v4;
	(pc) =	sbr.rel @p1 .LBB2_7-.Ltmp3, $4  }
0xc0: {  	v63 =	vadd.f32 v58, v61;
	[tilespmem:v1+s14+$0x0 ss:$0x1] =	vst.idx.msk $0xffff, v60  }
0xc1: {  	v2 =	vadd.f32 v2, v62;
	[tilespmem:v1+s14+$0x10 ss:$0x1] =	vst.idx.msk $0xffff, v3  }
0xc2: {  	[tilespmem:v1+s14+$0x20 ss:$0x1] =	vst.idx.msk $0xffff, v63  }
0xc3: {  	s10 =	sadd.s32 $0x80, s10;
	s11 =	sadd.s32 $0x80, s11;
	[tilespmem:v1+s14+$0x30 ss:$0x1] =	vst.idx.msk $0xffff, v2  }
0xc4: {  	s6 =	sadd.s32 s1, s18;
	s10 =	simm.s32 $0x2000  }
0xc5: {  	[hbm4b:s6+s5] =	stream.linear.scatter [tilespmem:s10], [sflag:$0xA], $0x2000, $0x38;
	[tilespmem:$0x14080] =	vst v63  }
0xc6: {  	s6 =	simm.s32 @!p0 $0xF  }
0xc7: {  	_ =	swait.ge @!p0 [sflag:s6], $0x2000  }
0xc8: {  	[sflag:s6] =	ssyncset.done @!p0 $0x0;
	s17 =	rddreg [dreg:$0x10]  }
0xc9: {  	[sflag:s6] =	ssyncadd.s32 @!p0 $0xFFFFE000;
	s20 =	sadd.s32 s1, s17;
	s6 =	simm.s32 $0x0  }
0xca: {  	[tilespmem:s7], [sflag:$0x7] =	stream.linear.gather [hbm4b:s20+s6], $0x2000, $0x38;
	[tilespmem:$0x14080] =	vst v63  }
0xcb: {  	_ =	swait.ge [sflag:s8], $0x2000  }
0xcc: {  	[sflag:s8] =	ssyncset.done $0x0  }
0xcd: {  	s11 =	simm.s32 $0x4040;
	s10 =	simm.s32 $0x10040;
	[sflag:s8] =	ssyncadd.s32 $0xFFFFE000  }
.LBB2_11:
0xce: {  	v1 =	vmov s11;
	_ =	sdelay $0x3  }
0xcf: {  	v2 =	vmov s10;
	s16 =	simm.s32 $0x0  }
0xd0: {  	v4 =	vld.idx.msk [tilespmem:v1+s16+$0xFFFFFFC0 ss:$0x1], $0xffff  }
0xd1: {  	v5 =	vld.idx.msk [tilespmem:v1+s16+$0xFFFFFFD0 ss:$0x1], $0xffff  }
0xd2: {  	v6 =	vld.idx.msk [tilespmem:v1+s16+$0xFFFFFFE0 ss:$0x1], $0xffff  }
0xd3: {  	v9 =	vld.idx.msk [tilespmem:v1+s16+$0xFFFFFFF0 ss:$0x1], $0xffff  }
0xd4: {  	v11 =	vld.idx.msk [tilespmem:v2+s16+$0x0 ss:$0x1], $0xffff  }
0xd5: {  	v7 =	vld.idx.msk [tilespmem:v1+s16+$0x0 ss:$0x1], $0xffff  }
0xd6: {  	v12 =	vld.idx.msk [tilespmem:v2+s16+$0xFFFFFFE0 ss:$0x1], $0xffff  }
0xd7: {  	v10 =	vld.idx.msk [tilespmem:v2+s16+$0xFFFFFFD0 ss:$0x1], $0xffff  }
0xd8: {  	v13 =	vld.idx.msk [tilespmem:v2+s16+$0xFFFFFFC0 ss:$0x1], $0xffff  }
0xd9: {  	v14 =	vld.idx.msk [tilespmem:v2+s16+$0xFFFFFFF0 ss:$0x1], $0xffff  }
0xda: {  	v3 =	vld.idx.msk [tilespmem:v2+s16+$0x10 ss:$0x1], $0xffff  }
0xdb: {  	v8 =	vld.idx.msk [tilespmem:v1+s16+$0x10 ss:$0x1], $0xffff;
	v15 =	vmul.f32 v4, v0  }
0xdc: {  	v5 =	vmul.f32 v5, v0;
	v16 =	vmul.f32 v7, v0;
	v7 =	vld.idx.msk [tilespmem:v1+s16+$0x20 ss:$0x1], $0xffff  }
0xdd: {  	v17 =	vmul.f32 v6, v0;
	v13 =	vadd.f32 v13, v15;
	v15 =	vmul.f32 v9, v0;
	v9 =	vld.idx.msk [tilespmem:v1+s16+$0x30 ss:$0x1], $0xffff  }
0xde: {  	v4 =	vld.idx.msk [tilespmem:v2+s16+$0x20 ss:$0x1], $0xffff;
	v10 =	vadd.f32 v10, v5;
	v5 =	vadd.f32 v11, v16  }
0xdf: {  	s17 =	simm.s32 $0x2000;
	s14 =	simm.s32 $0x400;
	v6 =	vld.idx.msk [tilespmem:v2+s16+$0x30 ss:$0x1], $0xffff;
	v12 =	vadd.f32 v12, v17;
	v11 =	vadd.f32 v14, v15;
	[tilespmem:v1+s16+$0xFFFFFFC0 ss:$0x1] =	vst.idx.msk $0xffff, v13  }
.LBB2_12:
0xe0: {  	p1 =	sne.s32 s17, $0x7000;
	v8 =	vmul.f32 v8, v0;
	[tilespmem:v1+s16+$0xFFFFFFD0 ss:$0x1] =	vst.idx.msk $0xffff, v10;
	s20 =	smov.u32 s17;
	s17 =	sadd.s32 $0x1000, s17  }
0xe1: {  	v7 =	vmul.f32 v7, v0;
	[tilespmem:v1+s16+$0xFFFFFFE0 ss:$0x1] =	vst.idx.msk $0xffff, v12  }
0xe2: {  	s20 =	sshra.s32 s20, $0x2;
	v3 =	vadd.f32 v3, v8;
	v8 =	vmul.f32 v9, v0;
	[tilespmem:v1+s16+$0xFFFFFFF0 ss:$0x1] =	vst.idx.msk $0xffff, v11  }
0xe3: {  	v4 =	vadd.f32 v4, v7;
	v9 =	vld.idx.msk [tilespmem:v1+s14+$0xFFFFFFC0 ss:$0x1], $0xffff;
	[tilespmem:v1+s16+$0x0 ss:$0x1] =	vst.idx.msk $0xffff, v5  }
0xe4: {  	v5 =	vld.idx.msk [tilespmem:v1+s14+$0xFFFFFFD0 ss:$0x1], $0xffff;
	v6 =	vadd.f32 v6, v8;
	[tilespmem:v1+s16+$0x10 ss:$0x1] =	vst.idx.msk $0xffff, v3  }
0xe5: {  	v11 =	vld.idx.msk [tilespmem:v1+s14+$0xFFFFFFE0 ss:$0x1], $0xffff;
	[tilespmem:v1+s16+$0x20 ss:$0x1] =	vst.idx.msk $0xffff, v4  }
0xe6: {  	v12 =	vld.idx.msk [tilespmem:v1+s14+$0xFFFFFFF0 ss:$0x1], $0xffff;
	[tilespmem:v1+s16+$0x30 ss:$0x1] =	vst.idx.msk $0xffff, v6;
	s16 =	smov.u32 s14;
	s14 =	smov.u32 s20  }
0xe7: {  	v4 =	vld.idx.msk [tilespmem:v2+s16+$0x0 ss:$0x1], $0xffff  }
0xe8: {  	v6 =	vld.idx.msk [tilespmem:v1+s16+$0x0 ss:$0x1], $0xffff  }
0xe9: {  	v14 =	vmul.f32 v9, v0;
	v13 =	vld.idx.msk [tilespmem:v2+s16+$0xFFFFFFE0 ss:$0x1], $0xffff  }
0xea: {  	v10 =	vld.idx.msk [tilespmem:v2+s16+$0xFFFFFFD0 ss:$0x1], $0xffff  }
0xeb: {  	v15 =	vld.idx.msk [tilespmem:v2+s16+$0xFFFFFFC0 ss:$0x1], $0xffff  }
0xec: {  	v16 =	vld.idx.msk [tilespmem:v2+s16+$0xFFFFFFF0 ss:$0x1], $0xffff  }
0xed: {  	v5 =	vmul.f32 v5, v0;
	v3 =	vld.idx.msk [tilespmem:v2+s16+$0x10 ss:$0x1], $0xffff  }
0xee: {  	v6 =	vmul.f32 v6, v0;
	v8 =	vld.idx.msk [tilespmem:v1+s16+$0x10 ss:$0x1], $0xffff  }
.Ltmp4:
0xef: {  	v7 =	vld.idx.msk [tilespmem:v1+s16+$0x20 ss:$0x1], $0xffff;
	(pc) =	sbr.rel @p1 .LBB2_12-.Ltmp4, $4  }
0xf0: {  	v11 =	vmul.f32 v11, v0;
	v10 =	vadd.f32 v10, v5;
	v5 =	vadd.f32 v4, v6;
	v9 =	vld.idx.msk [tilespmem:v1+s16+$0x30 ss:$0x1], $0xffff  }
0xf1: {  	v14 =	vadd.f32 v15, v14;
	v15 =	vmul.f32 v12, v0;
	v4 =	vld.idx.msk [tilespmem:v2+s16+$0x20 ss:$0x1], $0xffff  }
0xf2: {  	v12 =	vadd.f32 v13, v11;
	v6 =	vld.idx.msk [tilespmem:v2+s16+$0x30 ss:$0x1], $0xffff  }
0xf3: {  	v11 =	vadd.f32 v16, v15;
	[tilespmem:v1+s16+$0xFFFFFFC0 ss:$0x1] =	vst.idx.msk $0xffff, v14  }
0xf4: {  	_ =	sdelay $0x3  }
0xf5: {  	v8 =	vmul.f32 v8, v0;
	[tilespmem:v1+s16+$0xFFFFFFD0 ss:$0x1] =	vst.idx.msk $0xffff, v10  }
0xf6: {  	v7 =	vmul.f32 v7, v0;
	[tilespmem:v1+s16+$0xFFFFFFE0 ss:$0x1] =	vst.idx.msk $0xffff, v12  }
0xf7: {  	v54 =	vmul.f32 v9, v0;
	v3 =	vadd.f32 v3, v8;
	[tilespmem:v1+s16+$0xFFFFFFF0 ss:$0x1] =	vst.idx.msk $0xffff, v11  }
0xf8: {  	v4 =	vadd.f32 v4, v7;
	v55 =	vld.idx.msk [tilespmem:v1+s14+$0xFFFFFFC0 ss:$0x1], $0xffff;
	[tilespmem:v1+s16+$0x0 ss:$0x1] =	vst.idx.msk $0xffff, v5  }
0xf9: {  	v6 =	vadd.f32 v6, v54;
	v5 =	vld.idx.msk [tilespmem:v1+s14+$0xFFFFFFD0 ss:$0x1], $0xffff;
	[tilespmem:v1+s16+$0x10 ss:$0x1] =	vst.idx.msk $0xffff, v3  }
0xfa: {  	v3 =	vld.idx.msk [tilespmem:v1+s14+$0xFFFFFFE0 ss:$0x1], $0xffff;
	[tilespmem:v1+s16+$0x20 ss:$0x1] =	vst.idx.msk $0xffff, v4  }
0xfb: {  	v4 =	vld.idx.msk [tilespmem:v1+s14+$0xFFFFFFF0 ss:$0x1], $0xffff;
	[tilespmem:v1+s16+$0x30 ss:$0x1] =	vst.idx.msk $0xffff, v6  }
0xfc: {  	v6 =	vld.idx.msk [tilespmem:v2+s14+$0x0 ss:$0x1], $0xffff  }
0xfd: {  	v56 =	vld.idx.msk [tilespmem:v1+s14+$0x0 ss:$0x1], $0xffff  }
0xfe: {  	v57 =	vld.idx.msk [tilespmem:v2+s14+$0xFFFFFFE0 ss:$0x1], $0xffff  }
0xff: {  	v10 =	vld.idx.msk [tilespmem:v2+s14+$0xFFFFFFD0 ss:$0x1], $0xffff  }
0x100: {  	v11 =	vld.idx.msk [tilespmem:v2+s14+$0xFFFFFFC0 ss:$0x1], $0xffff  }
0x101: {  	v12 =	vld.idx.msk [tilespmem:v2+s14+$0xFFFFFFF0 ss:$0x1], $0xffff  }
0x102: {  	v13 =	vld.idx.msk [tilespmem:v2+s14+$0x10 ss:$0x1], $0xffff  }
0x103: {  	v14 =	vld.idx.msk [tilespmem:v1+s14+$0x10 ss:$0x1], $0xffff;
	v9 =	vmul.f32 v55, v0  }
0x104: {  	v15 =	vld.idx.msk [tilespmem:v1+s14+$0x20 ss:$0x1], $0xffff;
	v5 =	vmul.f32 v5, v0  }
0x105: {  	v16 =	vld.idx.msk [tilespmem:v1+s14+$0x30 ss:$0x1], $0xffff;
	v3 =	vmul.f32 v3, v0;
	v9 =	vadd.f32 v11, v9  }
0x106: {  	v58 =	vld.idx.msk [tilespmem:v2+s14+$0x20 ss:$0x1], $0xffff;
	v4 =	vmul.f32 v4, v0;
	v5 =	vadd.f32 v10, v5  }
0x107: {  	v2 =	vld.idx.msk [tilespmem:v2+s14+$0x30 ss:$0x1], $0xffff;
	v7 =	vmul.f32 v56, v0;
	v3 =	vadd.f32 v57, v3;
	[tilespmem:v1+s14+$0xFFFFFFC0 ss:$0x1] =	vst.idx.msk $0xffff, v9  }
0x108: {  	s6 =	sadd.s32 $0x1, s6;
	v59 =	vmul.f32 v14, v0;
	v4 =	vadd.f32 v12, v4;
	[tilespmem:v1+s14+$0xFFFFFFD0 ss:$0x1] =	vst.idx.msk $0xffff, v5  }
0x109: {  	p1 =	sne.s32 s6, $0x8;
	v61 =	vmul.f32 v15, v0;
	v60 =	vadd.f32 v6, v7;
	[tilespmem:v1+s14+$0xFFFFFFE0 ss:$0x1] =	vst.idx.msk $0xffff, v3  }
.Ltmp5:
0x10a: {  	v62 =	vmul.f32 v16, v0;
	v3 =	vadd.f32 v13, v59;
	[tilespmem:v1+s14+$0xFFFFFFF0 ss:$0x1] =	vst.idx.msk $0xffff, v4;
	(pc) =	sbr.rel @p1 .LBB2_11-.Ltmp5, $4  }
0x10b: {  	v63 =	vadd.f32 v58, v61;
	[tilespmem:v1+s14+$0x0 ss:$0x1] =	vst.idx.msk $0xffff, v60  }
0x10c: {  	v2 =	vadd.f32 v2, v62;
	[tilespmem:v1+s14+$0x10 ss:$0x1] =	vst.idx.msk $0xffff, v3  }
0x10d: {  	[tilespmem:v1+s14+$0x20 ss:$0x1] =	vst.idx.msk $0xffff, v63  }
0x10e: {  	s10 =	sadd.s32 $0x80, s10;
	s11 =	sadd.s32 $0x80, s11;
	[tilespmem:v1+s14+$0x30 ss:$0x1] =	vst.idx.msk $0xffff, v2  }
0x10f: {  	s6 =	sadd.s32 s1, s19;
	s10 =	simm.s32 $0x4000  }
0x110: {  	[hbm4b:s6+s5] =	stream.linear.scatter [tilespmem:s10], [sflag:$0xB], $0x2000, $0x38;
	[tilespmem:$0x14080] =	vst v63  }
0x111: {  	s6 =	simm.s32 @!p0 $0x10  }
0x112: {  	_ =	swait.ge @!p0 [sflag:s6], $0x2000  }
0x113: {  	[sflag:s6] =	ssyncset.done @!p0 $0x0;
	s17 =	rddreg [dreg:$0x11]  }
0x114: {  	[sflag:s6] =	ssyncadd.s32 @!p0 $0xFFFFE000;
	s20 =	sadd.s32 s1, s17;
	s6 =	simm.s32 $0x0  }
0x115: {  	[tilespmem:s9], [sflag:$0x8] =	stream.linear.gather [hbm4b:s20+s6], $0x2000, $0x38;
	[tilespmem:$0x14080] =	vst v63  }
0x116: {  	_ =	swait.ge [sflag:s12], $0x2000  }
0x117: {  	[sflag:s12] =	ssyncset.done $0x0  }
0x118: {  	s11 =	simm.s32 $0x6040;
	s10 =	simm.s32 $0x10040;
	[sflag:s12] =	ssyncadd.s32 $0xFFFFE000  }
.LBB2_15:
0x119: {  	v1 =	vmov s11;
	_ =	sdelay $0x3  }
0x11a: {  	v2 =	vmov s10;
	s16 =	simm.s32 $0x0  }
0x11b: {  	v4 =	vld.idx.msk [tilespmem:v1+s16+$0xFFFFFFC0 ss:$0x1], $0xffff  }
0x11c: {  	v5 =	vld.idx.msk [tilespmem:v1+s16+$0xFFFFFFD0 ss:$0x1], $0xffff  }
0x11d: {  	v6 =	vld.idx.msk [tilespmem:v1+s16+$0xFFFFFFE0 ss:$0x1], $0xffff  }
0x11e: {  	v9 =	vld.idx.msk [tilespmem:v1+s16+$0xFFFFFFF0 ss:$0x1], $0xffff  }
0x11f: {  	v11 =	vld.idx.msk [tilespmem:v2+s16+$0x0 ss:$0x1], $0xffff  }
0x120: {  	v7 =	vld.idx.msk [tilespmem:v1+s16+$0x0 ss:$0x1], $0xffff  }
0x121: {  	v12 =	vld.idx.msk [tilespmem:v2+s16+$0xFFFFFFE0 ss:$0x1], $0xffff  }
0x122: {  	v10 =	vld.idx.msk [tilespmem:v2+s16+$0xFFFFFFD0 ss:$0x1], $0xffff  }
0x123: {  	v13 =	vld.idx.msk [tilespmem:v2+s16+$0xFFFFFFC0 ss:$0x1], $0xffff  }
0x124: {  	v14 =	vld.idx.msk [tilespmem:v2+s16+$0xFFFFFFF0 ss:$0x1], $0xffff  }
0x125: {  	v3 =	vld.idx.msk [tilespmem:v2+s16+$0x10 ss:$0x1], $0xffff  }
0x126: {  	v8 =	vld.idx.msk [tilespmem:v1+s16+$0x10 ss:$0x1], $0xffff;
	v15 =	vmul.f32 v4, v0  }
0x127: {  	v5 =	vmul.f32 v5, v0;
	v16 =	vmul.f32 v7, v0;
	v7 =	vld.idx.msk [tilespmem:v1+s16+$0x20 ss:$0x1], $0xffff  }
0x128: {  	v17 =	vmul.f32 v6, v0;
	v13 =	vadd.f32 v13, v15;
	v15 =	vmul.f32 v9, v0;
	v9 =	vld.idx.msk [tilespmem:v1+s16+$0x30 ss:$0x1], $0xffff  }
0x129: {  	v4 =	vld.idx.msk [tilespmem:v2+s16+$0x20 ss:$0x1], $0xffff;
	v10 =	vadd.f32 v10, v5;
	v5 =	vadd.f32 v11, v16  }
0x12a: {  	s17 =	simm.s32 $0x2000;
	s14 =	simm.s32 $0x400;
	v6 =	vld.idx.msk [tilespmem:v2+s16+$0x30 ss:$0x1], $0xffff;
	v12 =	vadd.f32 v12, v17;
	v11 =	vadd.f32 v14, v15;
	[tilespmem:v1+s16+$0xFFFFFFC0 ss:$0x1] =	vst.idx.msk $0xffff, v13  }
.LBB2_16:
0x12b: {  	p0 =	sne.s32 s17, $0x7000;
	v8 =	vmul.f32 v8, v0;
	[tilespmem:v1+s16+$0xFFFFFFD0 ss:$0x1] =	vst.idx.msk $0xffff, v10;
	s20 =	smov.u32 s17;
	s17 =	sadd.s32 $0x1000, s17  }
0x12c: {  	v7 =	vmul.f32 v7, v0;
	[tilespmem:v1+s16+$0xFFFFFFE0 ss:$0x1] =	vst.idx.msk $0xffff, v12  }
0x12d: {  	s20 =	sshra.s32 s20, $0x2;
	v3 =	vadd.f32 v3, v8;
	v8 =	vmul.f32 v9, v0;
	[tilespmem:v1+s16+$0xFFFFFFF0 ss:$0x1] =	vst.idx.msk $0xffff, v11  }
0x12e: {  	v4 =	vadd.f32 v4, v7;
	v9 =	vld.idx.msk [tilespmem:v1+s14+$0xFFFFFFC0 ss:$0x1], $0xffff;
	[tilespmem:v1+s16+$0x0 ss:$0x1] =	vst.idx.msk $0xffff, v5  }
0x12f: {  	v5 =	vld.idx.msk [tilespmem:v1+s14+$0xFFFFFFD0 ss:$0x1], $0xffff;
	v6 =	vadd.f32 v6, v8;
	[tilespmem:v1+s16+$0x10 ss:$0x1] =	vst.idx.msk $0xffff, v3  }
0x130: {  	v11 =	vld.idx.msk [tilespmem:v1+s14+$0xFFFFFFE0 ss:$0x1], $0xffff;
	[tilespmem:v1+s16+$0x20 ss:$0x1] =	vst.idx.msk $0xffff, v4  }
0x131: {  	v12 =	vld.idx.msk [tilespmem:v1+s14+$0xFFFFFFF0 ss:$0x1], $0xffff;
	[tilespmem:v1+s16+$0x30 ss:$0x1] =	vst.idx.msk $0xffff, v6;
	s16 =	smov.u32 s14;
	s14 =	smov.u32 s20  }
0x132: {  	v4 =	vld.idx.msk [tilespmem:v2+s16+$0x0 ss:$0x1], $0xffff  }
0x133: {  	v6 =	vld.idx.msk [tilespmem:v1+s16+$0x0 ss:$0x1], $0xffff  }
0x134: {  	v14 =	vmul.f32 v9, v0;
	v13 =	vld.idx.msk [tilespmem:v2+s16+$0xFFFFFFE0 ss:$0x1], $0xffff  }
0x135: {  	v10 =	vld.idx.msk [tilespmem:v2+s16+$0xFFFFFFD0 ss:$0x1], $0xffff  }
0x136: {  	v15 =	vld.idx.msk [tilespmem:v2+s16+$0xFFFFFFC0 ss:$0x1], $0xffff  }
0x137: {  	v16 =	vld.idx.msk [tilespmem:v2+s16+$0xFFFFFFF0 ss:$0x1], $0xffff  }
0x138: {  	v5 =	vmul.f32 v5, v0;
	v3 =	vld.idx.msk [tilespmem:v2+s16+$0x10 ss:$0x1], $0xffff  }
0x139: {  	v6 =	vmul.f32 v6, v0;
	v8 =	vld.idx.msk [tilespmem:v1+s16+$0x10 ss:$0x1], $0xffff  }
.Ltmp6:
0x13a: {  	v7 =	vld.idx.msk [tilespmem:v1+s16+$0x20 ss:$0x1], $0xffff;
	(pc) =	sbr.rel @p0 .LBB2_16-.Ltmp6, $4  }
0x13b: {  	v11 =	vmul.f32 v11, v0;
	v10 =	vadd.f32 v10, v5;
	v5 =	vadd.f32 v4, v6;
	v9 =	vld.idx.msk [tilespmem:v1+s16+$0x30 ss:$0x1], $0xffff  }
0x13c: {  	v14 =	vadd.f32 v15, v14;
	v15 =	vmul.f32 v12, v0;
	v4 =	vld.idx.msk [tilespmem:v2+s16+$0x20 ss:$0x1], $0xffff  }
0x13d: {  	v12 =	vadd.f32 v13, v11;
	v6 =	vld.idx.msk [tilespmem:v2+s16+$0x30 ss:$0x1], $0xffff  }
0x13e: {  	v11 =	vadd.f32 v16, v15;
	[tilespmem:v1+s16+$0xFFFFFFC0 ss:$0x1] =	vst.idx.msk $0xffff, v14  }
0x13f: {  	_ =	sdelay $0x3  }
0x140: {  	v8 =	vmul.f32 v8, v0;
	[tilespmem:v1+s16+$0xFFFFFFD0 ss:$0x1] =	vst.idx.msk $0xffff, v10  }
0x141: {  	v7 =	vmul.f32 v7, v0;
	[tilespmem:v1+s16+$0xFFFFFFE0 ss:$0x1] =	vst.idx.msk $0xffff, v12  }
0x142: {  	v54 =	vmul.f32 v9, v0;
	v3 =	vadd.f32 v3, v8;
	[tilespmem:v1+s16+$0xFFFFFFF0 ss:$0x1] =	vst.idx.msk $0xffff, v11  }
0x143: {  	v4 =	vadd.f32 v4, v7;
	v55 =	vld.idx.msk [tilespmem:v1+s14+$0xFFFFFFC0 ss:$0x1], $0xffff;
	[tilespmem:v1+s16+$0x0 ss:$0x1] =	vst.idx.msk $0xffff, v5  }
0x144: {  	v6 =	vadd.f32 v6, v54;
	v5 =	vld.idx.msk [tilespmem:v1+s14+$0xFFFFFFD0 ss:$0x1], $0xffff;
	[tilespmem:v1+s16+$0x10 ss:$0x1] =	vst.idx.msk $0xffff, v3  }
0x145: {  	v3 =	vld.idx.msk [tilespmem:v1+s14+$0xFFFFFFE0 ss:$0x1], $0xffff;
	[tilespmem:v1+s16+$0x20 ss:$0x1] =	vst.idx.msk $0xffff, v4  }
0x146: {  	v4 =	vld.idx.msk [tilespmem:v1+s14+$0xFFFFFFF0 ss:$0x1], $0xffff;
	[tilespmem:v1+s16+$0x30 ss:$0x1] =	vst.idx.msk $0xffff, v6  }
0x147: {  	v6 =	vld.idx.msk [tilespmem:v2+s14+$0x0 ss:$0x1], $0xffff  }
0x148: {  	v56 =	vld.idx.msk [tilespmem:v1+s14+$0x0 ss:$0x1], $0xffff  }
0x149: {  	v57 =	vld.idx.msk [tilespmem:v2+s14+$0xFFFFFFE0 ss:$0x1], $0xffff  }
0x14a: {  	v10 =	vld.idx.msk [tilespmem:v2+s14+$0xFFFFFFD0 ss:$0x1], $0xffff  }
0x14b: {  	v11 =	vld.idx.msk [tilespmem:v2+s14+$0xFFFFFFC0 ss:$0x1], $0xffff  }
0x14c: {  	v12 =	vld.idx.msk [tilespmem:v2+s14+$0xFFFFFFF0 ss:$0x1], $0xffff  }
0x14d: {  	v13 =	vld.idx.msk [tilespmem:v2+s14+$0x10 ss:$0x1], $0xffff  }
0x14e: {  	v14 =	vld.idx.msk [tilespmem:v1+s14+$0x10 ss:$0x1], $0xffff;
	v9 =	vmul.f32 v55, v0  }
0x14f: {  	v15 =	vld.idx.msk [tilespmem:v1+s14+$0x20 ss:$0x1], $0xffff;
	v5 =	vmul.f32 v5, v0  }
0x150: {  	v16 =	vld.idx.msk [tilespmem:v1+s14+$0x30 ss:$0x1], $0xffff;
	v3 =	vmul.f32 v3, v0;
	v9 =	vadd.f32 v11, v9  }
0x151: {  	v58 =	vld.idx.msk [tilespmem:v2+s14+$0x20 ss:$0x1], $0xffff;
	v4 =	vmul.f32 v4, v0;
	v5 =	vadd.f32 v10, v5  }
0x152: {  	v2 =	vld.idx.msk [tilespmem:v2+s14+$0x30 ss:$0x1], $0xffff;
	v7 =	vmul.f32 v56, v0;
	v3 =	vadd.f32 v57, v3;
	[tilespmem:v1+s14+$0xFFFFFFC0 ss:$0x1] =	vst.idx.msk $0xffff, v9  }
0x153: {  	s6 =	sadd.s32 $0x1, s6;
	v59 =	vmul.f32 v14, v0;
	v4 =	vadd.f32 v12, v4;
	[tilespmem:v1+s14+$0xFFFFFFD0 ss:$0x1] =	vst.idx.msk $0xffff, v5  }
0x154: {  	p0 =	sne.s32 s6, $0x8;
	v61 =	vmul.f32 v15, v0;
	v60 =	vadd.f32 v6, v7;
	[tilespmem:v1+s14+$0xFFFFFFE0 ss:$0x1] =	vst.idx.msk $0xffff, v3  }
.Ltmp7:
0x155: {  	v62 =	vmul.f32 v16, v0;
	v3 =	vadd.f32 v13, v59;
	[tilespmem:v1+s14+$0xFFFFFFF0 ss:$0x1] =	vst.idx.msk $0xffff, v4;
	(pc) =	sbr.rel @p0 .LBB2_15-.Ltmp7, $4  }
0x156: {  	v63 =	vadd.f32 v58, v61;
	[tilespmem:v1+s14+$0x0 ss:$0x1] =	vst.idx.msk $0xffff, v60  }
0x157: {  	v2 =	vadd.f32 v2, v62;
	[tilespmem:v1+s14+$0x10 ss:$0x1] =	vst.idx.msk $0xffff, v3  }
0x158: {  	[tilespmem:v1+s14+$0x20 ss:$0x1] =	vst.idx.msk $0xffff, v63  }
0x159: {  	s10 =	sadd.s32 $0x80, s10;
	s11 =	sadd.s32 $0x80, s11;
	[tilespmem:v1+s14+$0x30 ss:$0x1] =	vst.idx.msk $0xffff, v2  }
0x15a: {  	s1 =	sadd.s32 s1, s21;
	s6 =	simm.s32 $0x6000;
	p0 =	seq.s32 s29, $0xF  }
0x15b: {  	[hbm4b:s1+s5] =	stream.linear.scatter [tilespmem:s6], [sflag:$0xC], $0x2000, $0x38;
	[tilespmem:$0x14080] =	vst v63  }
0x15c: {  	s1 =	simm.s32 @p0 $0x12  }
0x15d: {  	_ =	swait.ge @p0 [sflag:s1], $0x2000  }
0x15e: {  	[sflag:s1] =	ssyncset.done @p0 $0x0  }
0x15f: {  	[sflag:s1] =	ssyncadd.s32 @p0 $0xFFFFE000;
	s1 =	simm.s32 @p0 $0x9  }
0x160: {  	_ =	swait.ge @p0 [sflag:s1], $0x2000  }
0x161: {  	[sflag:s1] =	ssyncset.done @p0 $0x0  }
0x162: {  	s4 =	sadd.s32 $0x10, s4;
	[sflag:s1] =	ssyncadd.s32 @p0 $0xFFFFE000  }
0x163: {  	s1 =	sshll.u32 @!p0 s4, $0x7;
	s4 =	rddreg [dreg:$0x1]  }
0x164: {  	s6 =	simm.s32 @!p0 $0x0;
	s10 =	simm.s32 @!p0 $0x10000;
	s4 =	sadd.s32 @!p0 s4, s1  }
0x165: {  	[tilespmem:s10], [sflag:$0x11] =	stream.linear.gather @!p0 [hbm4b:s4+s6], $0x2000, $0x38;
	[tilespmem:$0x14080] =	vst v63  }
0x166: {  	s4 =	simm.s32 @!p0 $0x12  }
0x167: {  	_ =	swait.ge @!p0 [sflag:s4], $0x2000  }
0x168: {  	[sflag:s4] =	ssyncset.done @!p0 $0x0  }
0x169: {  	[sflag:s4] =	ssyncadd.s32 @!p0 $0xFFFFE000;
	s4 =	simm.s32 @!p0 $0x9  }
0x16a: {  	_ =	swait.ge @!p0 [sflag:s4], $0x2000  }
0x16b: {  	[sflag:s4] =	ssyncset.done @!p0 $0x0  }
0x16c: {  	[sflag:s4] =	ssyncadd.s32 @!p0 $0xFFFFE000;
	s4 =	sadd.s32 @!p0 s0, s1  }
0x16d: {  	[tilespmem:s6], [sflag:$0x1] =	stream.linear.gather @!p0 [hbm4b:s4+s6], $0x2000, $0x38;
	[tilespmem:$0x14080] =	vst v63  }
0x16e: {  	_ =	swait.ge [sflag:s13], $0x2000  }
0x16f: {  	s20 =	smov.u32 s0;
	s10 =	simm.s32 $0x8040;
	[sflag:s13] =	ssyncset.done $0x0  }
0x170: {  	s4 =	simm.s32 $0x0;
	s6 =	simm.s32 $0x12040;
	[sflag:s13] =	ssyncadd.s32 $0xFFFFE000  }
.LBB2_19:
0x171: {  	v1 =	vmov s10;
	_ =	sdelay $0x3  }
0x172: {  	v2 =	vmov s6;
	s14 =	simm.s32 $0x0  }
0x173: {  	v4 =	vld.idx.msk [tilespmem:v1+s14+$0xFFFFFFC0 ss:$0x1], $0xffff  }
0x174: {  	v5 =	vld.idx.msk [tilespmem:v1+s14+$0xFFFFFFD0 ss:$0x1], $0xffff  }
0x175: {  	v6 =	vld.idx.msk [tilespmem:v1+s14+$0xFFFFFFE0 ss:$0x1], $0xffff  }
0x176: {  	v9 =	vld.idx.msk [tilespmem:v1+s14+$0xFFFFFFF0 ss:$0x1], $0xffff  }
0x177: {  	v11 =	vld.idx.msk [tilespmem:v2+s14+$0x0 ss:$0x1], $0xffff  }
0x178: {  	v7 =	vld.idx.msk [tilespmem:v1+s14+$0x0 ss:$0x1], $0xffff  }
0x179: {  	v12 =	vld.idx.msk [tilespmem:v2+s14+$0xFFFFFFE0 ss:$0x1], $0xffff  }
0x17a: {  	v10 =	vld.idx.msk [tilespmem:v2+s14+$0xFFFFFFD0 ss:$0x1], $0xffff  }
0x17b: {  	v13 =	vld.idx.msk [tilespmem:v2+s14+$0xFFFFFFC0 ss:$0x1], $0xffff  }
0x17c: {  	v14 =	vld.idx.msk [tilespmem:v2+s14+$0xFFFFFFF0 ss:$0x1], $0xffff  }
0x17d: {  	v3 =	vld.idx.msk [tilespmem:v2+s14+$0x10 ss:$0x1], $0xffff  }
0x17e: {  	v8 =	vld.idx.msk [tilespmem:v1+s14+$0x10 ss:$0x1], $0xffff;
	v15 =	vmul.f32 v4, v0  }
0x17f: {  	v5 =	vmul.f32 v5, v0;
	v16 =	vmul.f32 v7, v0;
	v7 =	vld.idx.msk [tilespmem:v1+s14+$0x20 ss:$0x1], $0xffff  }
0x180: {  	v17 =	vmul.f32 v6, v0;
	v13 =	vadd.f32 v13, v15;
	v15 =	vmul.f32 v9, v0;
	v9 =	vld.idx.msk [tilespmem:v1+s14+$0x30 ss:$0x1], $0xffff  }
0x181: {  	v4 =	vld.idx.msk [tilespmem:v2+s14+$0x20 ss:$0x1], $0xffff;
	v10 =	vadd.f32 v10, v5;
	v5 =	vadd.f32 v11, v16  }
0x182: {  	s16 =	simm.s32 $0x2000;
	s11 =	simm.s32 $0x400;
	v6 =	vld.idx.msk [tilespmem:v2+s14+$0x30 ss:$0x1], $0xffff;
	v12 =	vadd.f32 v12, v17;
	v11 =	vadd.f32 v14, v15;
	[tilespmem:v1+s14+$0xFFFFFFC0 ss:$0x1] =	vst.idx.msk $0xffff, v13  }
.LBB2_20:
0x183: {  	p1 =	sne.s32 s16, $0x7000;
	v8 =	vmul.f32 v8, v0;
	[tilespmem:v1+s14+$0xFFFFFFD0 ss:$0x1] =	vst.idx.msk $0xffff, v10;
	s17 =	smov.u32 s16;
	s16 =	sadd.s32 $0x1000, s16  }
0x184: {  	v7 =	vmul.f32 v7, v0;
	[tilespmem:v1+s14+$0xFFFFFFE0 ss:$0x1] =	vst.idx.msk $0xffff, v12  }
0x185: {  	s17 =	sshra.s32 s17, $0x2;
	v3 =	vadd.f32 v3, v8;
	v8 =	vmul.f32 v9, v0;
	[tilespmem:v1+s14+$0xFFFFFFF0 ss:$0x1] =	vst.idx.msk $0xffff, v11  }
0x186: {  	v4 =	vadd.f32 v4, v7;
	v9 =	vld.idx.msk [tilespmem:v1+s11+$0xFFFFFFC0 ss:$0x1], $0xffff;
	[tilespmem:v1+s14+$0x0 ss:$0x1] =	vst.idx.msk $0xffff, v5  }
0x187: {  	v5 =	vld.idx.msk [tilespmem:v1+s11+$0xFFFFFFD0 ss:$0x1], $0xffff;
	v6 =	vadd.f32 v6, v8;
	[tilespmem:v1+s14+$0x10 ss:$0x1] =	vst.idx.msk $0xffff, v3  }
0x188: {  	v11 =	vld.idx.msk [tilespmem:v1+s11+$0xFFFFFFE0 ss:$0x1], $0xffff;
	[tilespmem:v1+s14+$0x20 ss:$0x1] =	vst.idx.msk $0xffff, v4  }
0x189: {  	v12 =	vld.idx.msk [tilespmem:v1+s11+$0xFFFFFFF0 ss:$0x1], $0xffff;
	[tilespmem:v1+s14+$0x30 ss:$0x1] =	vst.idx.msk $0xffff, v6;
	s14 =	smov.u32 s11;
	s11 =	smov.u32 s17  }
0x18a: {  	v4 =	vld.idx.msk [tilespmem:v2+s14+$0x0 ss:$0x1], $0xffff  }
0x18b: {  	v6 =	vld.idx.msk [tilespmem:v1+s14+$0x0 ss:$0x1], $0xffff  }
0x18c: {  	v14 =	vmul.f32 v9, v0;
	v13 =	vld.idx.msk [tilespmem:v2+s14+$0xFFFFFFE0 ss:$0x1], $0xffff  }
0x18d: {  	v10 =	vld.idx.msk [tilespmem:v2+s14+$0xFFFFFFD0 ss:$0x1], $0xffff  }
0x18e: {  	v15 =	vld.idx.msk [tilespmem:v2+s14+$0xFFFFFFC0 ss:$0x1], $0xffff  }
0x18f: {  	v16 =	vld.idx.msk [tilespmem:v2+s14+$0xFFFFFFF0 ss:$0x1], $0xffff  }
0x190: {  	v5 =	vmul.f32 v5, v0;
	v3 =	vld.idx.msk [tilespmem:v2+s14+$0x10 ss:$0x1], $0xffff  }
0x191: {  	v6 =	vmul.f32 v6, v0;
	v8 =	vld.idx.msk [tilespmem:v1+s14+$0x10 ss:$0x1], $0xffff  }
.Ltmp8:
0x192: {  	v7 =	vld.idx.msk [tilespmem:v1+s14+$0x20 ss:$0x1], $0xffff;
	(pc) =	sbr.rel @p1 .LBB2_20-.Ltmp8, $4  }
0x193: {  	v11 =	vmul.f32 v11, v0;
	v10 =	vadd.f32 v10, v5;
	v5 =	vadd.f32 v4, v6;
	v9 =	vld.idx.msk [tilespmem:v1+s14+$0x30 ss:$0x1], $0xffff  }
0x194: {  	v14 =	vadd.f32 v15, v14;
	v15 =	vmul.f32 v12, v0;
	v4 =	vld.idx.msk [tilespmem:v2+s14+$0x20 ss:$0x1], $0xffff  }
0x195: {  	v12 =	vadd.f32 v13, v11;
	v6 =	vld.idx.msk [tilespmem:v2+s14+$0x30 ss:$0x1], $0xffff  }
0x196: {  	v11 =	vadd.f32 v16, v15;
	[tilespmem:v1+s14+$0xFFFFFFC0 ss:$0x1] =	vst.idx.msk $0xffff, v14  }
0x197: {  	_ =	sdelay $0x3  }
0x198: {  	v8 =	vmul.f32 v8, v0;
	[tilespmem:v1+s14+$0xFFFFFFD0 ss:$0x1] =	vst.idx.msk $0xffff, v10  }
0x199: {  	v7 =	vmul.f32 v7, v0;
	[tilespmem:v1+s14+$0xFFFFFFE0 ss:$0x1] =	vst.idx.msk $0xffff, v12  }
0x19a: {  	v54 =	vmul.f32 v9, v0;
	v3 =	vadd.f32 v3, v8;
	[tilespmem:v1+s14+$0xFFFFFFF0 ss:$0x1] =	vst.idx.msk $0xffff, v11  }
0x19b: {  	v4 =	vadd.f32 v4, v7;
	v55 =	vld.idx.msk [tilespmem:v1+s11+$0xFFFFFFC0 ss:$0x1], $0xffff;
	[tilespmem:v1+s14+$0x0 ss:$0x1] =	vst.idx.msk $0xffff, v5  }
0x19c: {  	v6 =	vadd.f32 v6, v54;
	v5 =	vld.idx.msk [tilespmem:v1+s11+$0xFFFFFFD0 ss:$0x1], $0xffff;
	[tilespmem:v1+s14+$0x10 ss:$0x1] =	vst.idx.msk $0xffff, v3  }
0x19d: {  	v3 =	vld.idx.msk [tilespmem:v1+s11+$0xFFFFFFE0 ss:$0x1], $0xffff;
	[tilespmem:v1+s14+$0x20 ss:$0x1] =	vst.idx.msk $0xffff, v4  }
0x19e: {  	v4 =	vld.idx.msk [tilespmem:v1+s11+$0xFFFFFFF0 ss:$0x1], $0xffff;
	[tilespmem:v1+s14+$0x30 ss:$0x1] =	vst.idx.msk $0xffff, v6  }
0x19f: {  	v6 =	vld.idx.msk [tilespmem:v2+s11+$0x0 ss:$0x1], $0xffff  }
0x1a0: {  	v56 =	vld.idx.msk [tilespmem:v1+s11+$0x0 ss:$0x1], $0xffff  }
0x1a1: {  	v57 =	vld.idx.msk [tilespmem:v2+s11+$0xFFFFFFE0 ss:$0x1], $0xffff  }
0x1a2: {  	v10 =	vld.idx.msk [tilespmem:v2+s11+$0xFFFFFFD0 ss:$0x1], $0xffff  }
0x1a3: {  	v11 =	vld.idx.msk [tilespmem:v2+s11+$0xFFFFFFC0 ss:$0x1], $0xffff  }
0x1a4: {  	v12 =	vld.idx.msk [tilespmem:v2+s11+$0xFFFFFFF0 ss:$0x1], $0xffff  }
0x1a5: {  	v13 =	vld.idx.msk [tilespmem:v2+s11+$0x10 ss:$0x1], $0xffff  }
0x1a6: {  	v14 =	vld.idx.msk [tilespmem:v1+s11+$0x10 ss:$0x1], $0xffff;
	v9 =	vmul.f32 v55, v0  }
0x1a7: {  	v15 =	vld.idx.msk [tilespmem:v1+s11+$0x20 ss:$0x1], $0xffff;
	v5 =	vmul.f32 v5, v0  }
0x1a8: {  	v16 =	vld.idx.msk [tilespmem:v1+s11+$0x30 ss:$0x1], $0xffff;
	v3 =	vmul.f32 v3, v0;
	v9 =	vadd.f32 v11, v9  }
0x1a9: {  	v58 =	vld.idx.msk [tilespmem:v2+s11+$0x20 ss:$0x1], $0xffff;
	v4 =	vmul.f32 v4, v0;
	v5 =	vadd.f32 v10, v5  }
0x1aa: {  	v2 =	vld.idx.msk [tilespmem:v2+s11+$0x30 ss:$0x1], $0xffff;
	v7 =	vmul.f32 v56, v0;
	v3 =	vadd.f32 v57, v3;
	[tilespmem:v1+s11+$0xFFFFFFC0 ss:$0x1] =	vst.idx.msk $0xffff, v9  }
0x1ab: {  	s4 =	sadd.s32 $0x1, s4;
	v59 =	vmul.f32 v14, v0;
	v4 =	vadd.f32 v12, v4;
	[tilespmem:v1+s11+$0xFFFFFFD0 ss:$0x1] =	vst.idx.msk $0xffff, v5  }
0x1ac: {  	p1 =	sne.s32 s4, $0x8;
	v61 =	vmul.f32 v15, v0;
	v60 =	vadd.f32 v6, v7;
	[tilespmem:v1+s11+$0xFFFFFFE0 ss:$0x1] =	vst.idx.msk $0xffff, v3  }
.Ltmp9:
0x1ad: {  	v62 =	vmul.f32 v16, v0;
	v3 =	vadd.f32 v13, v59;
	[tilespmem:v1+s11+$0xFFFFFFF0 ss:$0x1] =	vst.idx.msk $0xffff, v4;
	(pc) =	sbr.rel @p1 .LBB2_19-.Ltmp9, $4  }
0x1ae: {  	v63 =	vadd.f32 v58, v61;
	[tilespmem:v1+s11+$0x0 ss:$0x1] =	vst.idx.msk $0xffff, v60  }
0x1af: {  	v2 =	vadd.f32 v2, v62;
	[tilespmem:v1+s11+$0x10 ss:$0x1] =	vst.idx.msk $0xffff, v3  }
0x1b0: {  	[tilespmem:v1+s11+$0x20 ss:$0x1] =	vst.idx.msk $0xffff, v63  }
0x1b1: {  	s6 =	sadd.s32 $0x80, s6;
	s10 =	sadd.s32 $0x80, s10;
	[tilespmem:v1+s11+$0x30 ss:$0x1] =	vst.idx.msk $0xffff, v2  }
0x1b2: {  	s4 =	sadd.s32 s23, s2;
	s0 =	simm.s32 $0x8000  }
0x1b3: {  	[hbm4b:s4+s5] =	stream.linear.scatter [tilespmem:s0], [sflag:$0xD], $0x2000, $0x38;
	[tilespmem:$0x14080] =	vst v63  }
0x1b4: {  	_ =	swait.ge [sflag:s15], $0x2000  }
0x1b5: {  	s6 =	simm.s32 @!p0 $0x0;
	[sflag:s15] =	ssyncset.done $0x0;
	s0 =	rddreg [dreg:$0x9]  }
0x1b6: {  	s10 =	simm.s32 @!p0 $0x2000;
	[sflag:s15] =	ssyncadd.s32 $0xFFFFE000;
	s4 =	sadd.s32 @!p0 s1, s0  }
0x1b7: {  	[tilespmem:s10], [sflag:$0x2] =	stream.linear.gather @!p0 [hbm4b:s4+s6], $0x2000, $0x38;
	[tilespmem:$0x14080] =	vst v63  }
0x1b8: {  	_ =	swait.ge [sflag:s22], $0x2000  }
0x1b9: {  	s4 =	simm.s32 $0x0;
	[sflag:s22] =	ssyncset.done $0x0  }
0x1ba: {  	s6 =	simm.s32 $0x12040;
	s10 =	simm.s32 $0xA040;
	[sflag:s22] =	ssyncadd.s32 $0xFFFFE000  }
.LBB2_23:
0x1bb: {  	v1 =	vmov s10;
	_ =	sdelay $0x3  }
0x1bc: {  	v2 =	vmov s6;
	s14 =	simm.s32 $0x0  }
0x1bd: {  	v4 =	vld.idx.msk [tilespmem:v1+s14+$0xFFFFFFC0 ss:$0x1], $0xffff  }
0x1be: {  	v5 =	vld.idx.msk [tilespmem:v1+s14+$0xFFFFFFD0 ss:$0x1], $0xffff  }
0x1bf: {  	v6 =	vld.idx.msk [tilespmem:v1+s14+$0xFFFFFFE0 ss:$0x1], $0xffff  }
0x1c0: {  	v9 =	vld.idx.msk [tilespmem:v1+s14+$0xFFFFFFF0 ss:$0x1], $0xffff  }
0x1c1: {  	v11 =	vld.idx.msk [tilespmem:v2+s14+$0x0 ss:$0x1], $0xffff  }
0x1c2: {  	v7 =	vld.idx.msk [tilespmem:v1+s14+$0x0 ss:$0x1], $0xffff  }
0x1c3: {  	v12 =	vld.idx.msk [tilespmem:v2+s14+$0xFFFFFFE0 ss:$0x1], $0xffff  }
0x1c4: {  	v10 =	vld.idx.msk [tilespmem:v2+s14+$0xFFFFFFD0 ss:$0x1], $0xffff  }
0x1c5: {  	v13 =	vld.idx.msk [tilespmem:v2+s14+$0xFFFFFFC0 ss:$0x1], $0xffff  }
0x1c6: {  	v14 =	vld.idx.msk [tilespmem:v2+s14+$0xFFFFFFF0 ss:$0x1], $0xffff  }
0x1c7: {  	v3 =	vld.idx.msk [tilespmem:v2+s14+$0x10 ss:$0x1], $0xffff  }
0x1c8: {  	v8 =	vld.idx.msk [tilespmem:v1+s14+$0x10 ss:$0x1], $0xffff;
	v15 =	vmul.f32 v4, v0  }
0x1c9: {  	v5 =	vmul.f32 v5, v0;
	v16 =	vmul.f32 v7, v0;
	v7 =	vld.idx.msk [tilespmem:v1+s14+$0x20 ss:$0x1], $0xffff  }
0x1ca: {  	v17 =	vmul.f32 v6, v0;
	v13 =	vadd.f32 v13, v15;
	v15 =	vmul.f32 v9, v0;
	v9 =	vld.idx.msk [tilespmem:v1+s14+$0x30 ss:$0x1], $0xffff  }
0x1cb: {  	v4 =	vld.idx.msk [tilespmem:v2+s14+$0x20 ss:$0x1], $0xffff;
	v10 =	vadd.f32 v10, v5;
	v5 =	vadd.f32 v11, v16  }
0x1cc: {  	s16 =	simm.s32 $0x2000;
	s11 =	simm.s32 $0x400;
	v6 =	vld.idx.msk [tilespmem:v2+s14+$0x30 ss:$0x1], $0xffff;
	v12 =	vadd.f32 v12, v17;
	v11 =	vadd.f32 v14, v15;
	[tilespmem:v1+s14+$0xFFFFFFC0 ss:$0x1] =	vst.idx.msk $0xffff, v13  }
.LBB2_24:
0x1cd: {  	p1 =	sne.s32 s16, $0x7000;
	v8 =	vmul.f32 v8, v0;
	[tilespmem:v1+s14+$0xFFFFFFD0 ss:$0x1] =	vst.idx.msk $0xffff, v10;
	s17 =	smov.u32 s16;
	s16 =	sadd.s32 $0x1000, s16  }
0x1ce: {  	v7 =	vmul.f32 v7, v0;
	[tilespmem:v1+s14+$0xFFFFFFE0 ss:$0x1] =	vst.idx.msk $0xffff, v12  }
0x1cf: {  	s17 =	sshra.s32 s17, $0x2;
	v3 =	vadd.f32 v3, v8;
	v8 =	vmul.f32 v9, v0;
	[tilespmem:v1+s14+$0xFFFFFFF0 ss:$0x1] =	vst.idx.msk $0xffff, v11  }
0x1d0: {  	v4 =	vadd.f32 v4, v7;
	v9 =	vld.idx.msk [tilespmem:v1+s11+$0xFFFFFFC0 ss:$0x1], $0xffff;
	[tilespmem:v1+s14+$0x0 ss:$0x1] =	vst.idx.msk $0xffff, v5  }
0x1d1: {  	v5 =	vld.idx.msk [tilespmem:v1+s11+$0xFFFFFFD0 ss:$0x1], $0xffff;
	v6 =	vadd.f32 v6, v8;
	[tilespmem:v1+s14+$0x10 ss:$0x1] =	vst.idx.msk $0xffff, v3  }
0x1d2: {  	v11 =	vld.idx.msk [tilespmem:v1+s11+$0xFFFFFFE0 ss:$0x1], $0xffff;
	[tilespmem:v1+s14+$0x20 ss:$0x1] =	vst.idx.msk $0xffff, v4  }
0x1d3: {  	v12 =	vld.idx.msk [tilespmem:v1+s11+$0xFFFFFFF0 ss:$0x1], $0xffff;
	[tilespmem:v1+s14+$0x30 ss:$0x1] =	vst.idx.msk $0xffff, v6;
	s14 =	smov.u32 s11;
	s11 =	smov.u32 s17  }
0x1d4: {  	v4 =	vld.idx.msk [tilespmem:v2+s14+$0x0 ss:$0x1], $0xffff  }
0x1d5: {  	v6 =	vld.idx.msk [tilespmem:v1+s14+$0x0 ss:$0x1], $0xffff  }
0x1d6: {  	v14 =	vmul.f32 v9, v0;
	v13 =	vld.idx.msk [tilespmem:v2+s14+$0xFFFFFFE0 ss:$0x1], $0xffff  }
0x1d7: {  	v10 =	vld.idx.msk [tilespmem:v2+s14+$0xFFFFFFD0 ss:$0x1], $0xffff  }
0x1d8: {  	v15 =	vld.idx.msk [tilespmem:v2+s14+$0xFFFFFFC0 ss:$0x1], $0xffff  }
0x1d9: {  	v16 =	vld.idx.msk [tilespmem:v2+s14+$0xFFFFFFF0 ss:$0x1], $0xffff  }
0x1da: {  	v5 =	vmul.f32 v5, v0;
	v3 =	vld.idx.msk [tilespmem:v2+s14+$0x10 ss:$0x1], $0xffff  }
0x1db: {  	v6 =	vmul.f32 v6, v0;
	v8 =	vld.idx.msk [tilespmem:v1+s14+$0x10 ss:$0x1], $0xffff  }
.Ltmp10:
0x1dc: {  	v7 =	vld.idx.msk [tilespmem:v1+s14+$0x20 ss:$0x1], $0xffff;
	(pc) =	sbr.rel @p1 .LBB2_24-.Ltmp10, $4  }
0x1dd: {  	v11 =	vmul.f32 v11, v0;
	v10 =	vadd.f32 v10, v5;
	v5 =	vadd.f32 v4, v6;
	v9 =	vld.idx.msk [tilespmem:v1+s14+$0x30 ss:$0x1], $0xffff  }
0x1de: {  	v14 =	vadd.f32 v15, v14;
	v15 =	vmul.f32 v12, v0;
	v4 =	vld.idx.msk [tilespmem:v2+s14+$0x20 ss:$0x1], $0xffff  }
0x1df: {  	v12 =	vadd.f32 v13, v11;
	v6 =	vld.idx.msk [tilespmem:v2+s14+$0x30 ss:$0x1], $0xffff  }
0x1e0: {  	v11 =	vadd.f32 v16, v15;
	[tilespmem:v1+s14+$0xFFFFFFC0 ss:$0x1] =	vst.idx.msk $0xffff, v14  }
0x1e1: {  	_ =	sdelay $0x3  }
0x1e2: {  	v8 =	vmul.f32 v8, v0;
	[tilespmem:v1+s14+$0xFFFFFFD0 ss:$0x1] =	vst.idx.msk $0xffff, v10  }
0x1e3: {  	v7 =	vmul.f32 v7, v0;
	[tilespmem:v1+s14+$0xFFFFFFE0 ss:$0x1] =	vst.idx.msk $0xffff, v12  }
0x1e4: {  	v54 =	vmul.f32 v9, v0;
	v3 =	vadd.f32 v3, v8;
	[tilespmem:v1+s14+$0xFFFFFFF0 ss:$0x1] =	vst.idx.msk $0xffff, v11  }
0x1e5: {  	v4 =	vadd.f32 v4, v7;
	v55 =	vld.idx.msk [tilespmem:v1+s11+$0xFFFFFFC0 ss:$0x1], $0xffff;
	[tilespmem:v1+s14+$0x0 ss:$0x1] =	vst.idx.msk $0xffff, v5  }
0x1e6: {  	v6 =	vadd.f32 v6, v54;
	v5 =	vld.idx.msk [tilespmem:v1+s11+$0xFFFFFFD0 ss:$0x1], $0xffff;
	[tilespmem:v1+s14+$0x10 ss:$0x1] =	vst.idx.msk $0xffff, v3  }
0x1e7: {  	v3 =	vld.idx.msk [tilespmem:v1+s11+$0xFFFFFFE0 ss:$0x1], $0xffff;
	[tilespmem:v1+s14+$0x20 ss:$0x1] =	vst.idx.msk $0xffff, v4  }
0x1e8: {  	v4 =	vld.idx.msk [tilespmem:v1+s11+$0xFFFFFFF0 ss:$0x1], $0xffff;
	[tilespmem:v1+s14+$0x30 ss:$0x1] =	vst.idx.msk $0xffff, v6  }
0x1e9: {  	v6 =	vld.idx.msk [tilespmem:v2+s11+$0x0 ss:$0x1], $0xffff  }
0x1ea: {  	v56 =	vld.idx.msk [tilespmem:v1+s11+$0x0 ss:$0x1], $0xffff  }
0x1eb: {  	v57 =	vld.idx.msk [tilespmem:v2+s11+$0xFFFFFFE0 ss:$0x1], $0xffff  }
0x1ec: {  	v10 =	vld.idx.msk [tilespmem:v2+s11+$0xFFFFFFD0 ss:$0x1], $0xffff  }
0x1ed: {  	v11 =	vld.idx.msk [tilespmem:v2+s11+$0xFFFFFFC0 ss:$0x1], $0xffff  }
0x1ee: {  	v12 =	vld.idx.msk [tilespmem:v2+s11+$0xFFFFFFF0 ss:$0x1], $0xffff  }
0x1ef: {  	v13 =	vld.idx.msk [tilespmem:v2+s11+$0x10 ss:$0x1], $0xffff  }
0x1f0: {  	v14 =	vld.idx.msk [tilespmem:v1+s11+$0x10 ss:$0x1], $0xffff;
	v9 =	vmul.f32 v55, v0  }
0x1f1: {  	v15 =	vld.idx.msk [tilespmem:v1+s11+$0x20 ss:$0x1], $0xffff;
	v5 =	vmul.f32 v5, v0  }
0x1f2: {  	v16 =	vld.idx.msk [tilespmem:v1+s11+$0x30 ss:$0x1], $0xffff;
	v3 =	vmul.f32 v3, v0;
	v9 =	vadd.f32 v11, v9  }
0x1f3: {  	v58 =	vld.idx.msk [tilespmem:v2+s11+$0x20 ss:$0x1], $0xffff;
	v4 =	vmul.f32 v4, v0;
	v5 =	vadd.f32 v10, v5  }
0x1f4: {  	v2 =	vld.idx.msk [tilespmem:v2+s11+$0x30 ss:$0x1], $0xffff;
	v7 =	vmul.f32 v56, v0;
	v3 =	vadd.f32 v57, v3;
	[tilespmem:v1+s11+$0xFFFFFFC0 ss:$0x1] =	vst.idx.msk $0xffff, v9  }
0x1f5: {  	s4 =	sadd.s32 $0x1, s4;
	v59 =	vmul.f32 v14, v0;
	v4 =	vadd.f32 v12, v4;
	[tilespmem:v1+s11+$0xFFFFFFD0 ss:$0x1] =	vst.idx.msk $0xffff, v5  }
0x1f6: {  	p1 =	sne.s32 s4, $0x8;
	v61 =	vmul.f32 v15, v0;
	v60 =	vadd.f32 v6, v7;
	[tilespmem:v1+s11+$0xFFFFFFE0 ss:$0x1] =	vst.idx.msk $0xffff, v3  }
.Ltmp11:
0x1f7: {  	v62 =	vmul.f32 v16, v0;
	v3 =	vadd.f32 v13, v59;
	[tilespmem:v1+s11+$0xFFFFFFF0 ss:$0x1] =	vst.idx.msk $0xffff, v4;
	(pc) =	sbr.rel @p1 .LBB2_23-.Ltmp11, $4  }
0x1f8: {  	v63 =	vadd.f32 v58, v61;
	[tilespmem:v1+s11+$0x0 ss:$0x1] =	vst.idx.msk $0xffff, v60  }
0x1f9: {  	v2 =	vadd.f32 v2, v62;
	[tilespmem:v1+s11+$0x10 ss:$0x1] =	vst.idx.msk $0xffff, v3  }
0x1fa: {  	[tilespmem:v1+s11+$0x20 ss:$0x1] =	vst.idx.msk $0xffff, v63  }
0x1fb: {  	s6 =	sadd.s32 $0x80, s6;
	s10 =	sadd.s32 $0x80, s10;
	[tilespmem:v1+s11+$0x30 ss:$0x1] =	vst.idx.msk $0xffff, v2  }
0x1fc: {  	s4 =	sadd.s32 s2, s18;
	s0 =	simm.s32 $0xA000  }
0x1fd: {  	[hbm4b:s4+s5] =	stream.linear.scatter [tilespmem:s0], [sflag:$0xE], $0x2000, $0x38;
	[tilespmem:$0x14080] =	vst v63  }
0x1fe: {  	_ =	swait.ge [sflag:s24], $0x2000  }
0x1ff: {  	s6 =	simm.s32 @!p0 $0x0;
	[sflag:s24] =	ssyncset.done $0x0;
	s0 =	rddreg [dreg:$0xa]  }
0x200: {  	s10 =	simm.s32 @!p0 $0x4000;
	[sflag:s24] =	ssyncadd.s32 $0xFFFFE000;
	s4 =	sadd.s32 @!p0 s1, s0  }
0x201: {  	[tilespmem:s10], [sflag:$0x3] =	stream.linear.gather @!p0 [hbm4b:s4+s6], $0x2000, $0x38;
	[tilespmem:$0x14080] =	vst v63  }
0x202: {  	_ =	swait.ge [sflag:s30], $0x2000  }
0x203: {  	s4 =	simm.s32 $0x0;
	[sflag:s30] =	ssyncset.done $0x0  }
0x204: {  	s6 =	simm.s32 $0x12040;
	s10 =	simm.s32 $0xC040;
	[sflag:s30] =	ssyncadd.s32 $0xFFFFE000  }
.LBB2_27:
0x205: {  	v1 =	vmov s10;
	_ =	sdelay $0x3  }
0x206: {  	v2 =	vmov s6;
	s14 =	simm.s32 $0x0  }
0x207: {  	v4 =	vld.idx.msk [tilespmem:v1+s14+$0xFFFFFFC0 ss:$0x1], $0xffff  }
0x208: {  	v5 =	vld.idx.msk [tilespmem:v1+s14+$0xFFFFFFD0 ss:$0x1], $0xffff  }
0x209: {  	v6 =	vld.idx.msk [tilespmem:v1+s14+$0xFFFFFFE0 ss:$0x1], $0xffff  }
0x20a: {  	v9 =	vld.idx.msk [tilespmem:v1+s14+$0xFFFFFFF0 ss:$0x1], $0xffff  }
0x20b: {  	v11 =	vld.idx.msk [tilespmem:v2+s14+$0x0 ss:$0x1], $0xffff  }
0x20c: {  	v7 =	vld.idx.msk [tilespmem:v1+s14+$0x0 ss:$0x1], $0xffff  }
0x20d: {  	v12 =	vld.idx.msk [tilespmem:v2+s14+$0xFFFFFFE0 ss:$0x1], $0xffff  }
0x20e: {  	v10 =	vld.idx.msk [tilespmem:v2+s14+$0xFFFFFFD0 ss:$0x1], $0xffff  }
0x20f: {  	v13 =	vld.idx.msk [tilespmem:v2+s14+$0xFFFFFFC0 ss:$0x1], $0xffff  }
0x210: {  	v14 =	vld.idx.msk [tilespmem:v2+s14+$0xFFFFFFF0 ss:$0x1], $0xffff  }
0x211: {  	v3 =	vld.idx.msk [tilespmem:v2+s14+$0x10 ss:$0x1], $0xffff  }
0x212: {  	v8 =	vld.idx.msk [tilespmem:v1+s14+$0x10 ss:$0x1], $0xffff;
	v15 =	vmul.f32 v4, v0  }
0x213: {  	v5 =	vmul.f32 v5, v0;
	v16 =	vmul.f32 v7, v0;
	v7 =	vld.idx.msk [tilespmem:v1+s14+$0x20 ss:$0x1], $0xffff  }
0x214: {  	v17 =	vmul.f32 v6, v0;
	v13 =	vadd.f32 v13, v15;
	v15 =	vmul.f32 v9, v0;
	v9 =	vld.idx.msk [tilespmem:v1+s14+$0x30 ss:$0x1], $0xffff  }
0x215: {  	v4 =	vld.idx.msk [tilespmem:v2+s14+$0x20 ss:$0x1], $0xffff;
	v10 =	vadd.f32 v10, v5;
	v5 =	vadd.f32 v11, v16  }
0x216: {  	s16 =	simm.s32 $0x2000;
	s11 =	simm.s32 $0x400;
	v6 =	vld.idx.msk [tilespmem:v2+s14+$0x30 ss:$0x1], $0xffff;
	v12 =	vadd.f32 v12, v17;
	v11 =	vadd.f32 v14, v15;
	[tilespmem:v1+s14+$0xFFFFFFC0 ss:$0x1] =	vst.idx.msk $0xffff, v13  }
.LBB2_28:
0x217: {  	p1 =	sne.s32 s16, $0x7000;
	v8 =	vmul.f32 v8, v0;
	[tilespmem:v1+s14+$0xFFFFFFD0 ss:$0x1] =	vst.idx.msk $0xffff, v10;
	s17 =	smov.u32 s16;
	s16 =	sadd.s32 $0x1000, s16  }
0x218: {  	v7 =	vmul.f32 v7, v0;
	[tilespmem:v1+s14+$0xFFFFFFE0 ss:$0x1] =	vst.idx.msk $0xffff, v12  }
0x219: {  	s17 =	sshra.s32 s17, $0x2;
	v3 =	vadd.f32 v3, v8;
	v8 =	vmul.f32 v9, v0;
	[tilespmem:v1+s14+$0xFFFFFFF0 ss:$0x1] =	vst.idx.msk $0xffff, v11  }
0x21a: {  	v4 =	vadd.f32 v4, v7;
	v9 =	vld.idx.msk [tilespmem:v1+s11+$0xFFFFFFC0 ss:$0x1], $0xffff;
	[tilespmem:v1+s14+$0x0 ss:$0x1] =	vst.idx.msk $0xffff, v5  }
0x21b: {  	v5 =	vld.idx.msk [tilespmem:v1+s11+$0xFFFFFFD0 ss:$0x1], $0xffff;
	v6 =	vadd.f32 v6, v8;
	[tilespmem:v1+s14+$0x10 ss:$0x1] =	vst.idx.msk $0xffff, v3  }
0x21c: {  	v11 =	vld.idx.msk [tilespmem:v1+s11+$0xFFFFFFE0 ss:$0x1], $0xffff;
	[tilespmem:v1+s14+$0x20 ss:$0x1] =	vst.idx.msk $0xffff, v4  }
0x21d: {  	v12 =	vld.idx.msk [tilespmem:v1+s11+$0xFFFFFFF0 ss:$0x1], $0xffff;
	[tilespmem:v1+s14+$0x30 ss:$0x1] =	vst.idx.msk $0xffff, v6;
	s14 =	smov.u32 s11;
	s11 =	smov.u32 s17  }
0x21e: {  	v4 =	vld.idx.msk [tilespmem:v2+s14+$0x0 ss:$0x1], $0xffff  }
0x21f: {  	v6 =	vld.idx.msk [tilespmem:v1+s14+$0x0 ss:$0x1], $0xffff  }
0x220: {  	v14 =	vmul.f32 v9, v0;
	v13 =	vld.idx.msk [tilespmem:v2+s14+$0xFFFFFFE0 ss:$0x1], $0xffff  }
0x221: {  	v10 =	vld.idx.msk [tilespmem:v2+s14+$0xFFFFFFD0 ss:$0x1], $0xffff  }
0x222: {  	v15 =	vld.idx.msk [tilespmem:v2+s14+$0xFFFFFFC0 ss:$0x1], $0xffff  }
0x223: {  	v16 =	vld.idx.msk [tilespmem:v2+s14+$0xFFFFFFF0 ss:$0x1], $0xffff  }
0x224: {  	v5 =	vmul.f32 v5, v0;
	v3 =	vld.idx.msk [tilespmem:v2+s14+$0x10 ss:$0x1], $0xffff  }
0x225: {  	v6 =	vmul.f32 v6, v0;
	v8 =	vld.idx.msk [tilespmem:v1+s14+$0x10 ss:$0x1], $0xffff  }
.Ltmp12:
0x226: {  	v7 =	vld.idx.msk [tilespmem:v1+s14+$0x20 ss:$0x1], $0xffff;
	(pc) =	sbr.rel @p1 .LBB2_28-.Ltmp12, $4  }
0x227: {  	v11 =	vmul.f32 v11, v0;
	v10 =	vadd.f32 v10, v5;
	v5 =	vadd.f32 v4, v6;
	v9 =	vld.idx.msk [tilespmem:v1+s14+$0x30 ss:$0x1], $0xffff  }
0x228: {  	v14 =	vadd.f32 v15, v14;
	v15 =	vmul.f32 v12, v0;
	v4 =	vld.idx.msk [tilespmem:v2+s14+$0x20 ss:$0x1], $0xffff  }
0x229: {  	v12 =	vadd.f32 v13, v11;
	v6 =	vld.idx.msk [tilespmem:v2+s14+$0x30 ss:$0x1], $0xffff  }
0x22a: {  	v11 =	vadd.f32 v16, v15;
	[tilespmem:v1+s14+$0xFFFFFFC0 ss:$0x1] =	vst.idx.msk $0xffff, v14  }
0x22b: {  	_ =	sdelay $0x3  }
0x22c: {  	v8 =	vmul.f32 v8, v0;
	[tilespmem:v1+s14+$0xFFFFFFD0 ss:$0x1] =	vst.idx.msk $0xffff, v10  }
0x22d: {  	v7 =	vmul.f32 v7, v0;
	[tilespmem:v1+s14+$0xFFFFFFE0 ss:$0x1] =	vst.idx.msk $0xffff, v12  }
0x22e: {  	v54 =	vmul.f32 v9, v0;
	v3 =	vadd.f32 v3, v8;
	[tilespmem:v1+s14+$0xFFFFFFF0 ss:$0x1] =	vst.idx.msk $0xffff, v11  }
0x22f: {  	v4 =	vadd.f32 v4, v7;
	v55 =	vld.idx.msk [tilespmem:v1+s11+$0xFFFFFFC0 ss:$0x1], $0xffff;
	[tilespmem:v1+s14+$0x0 ss:$0x1] =	vst.idx.msk $0xffff, v5  }
0x230: {  	v6 =	vadd.f32 v6, v54;
	v5 =	vld.idx.msk [tilespmem:v1+s11+$0xFFFFFFD0 ss:$0x1], $0xffff;
	[tilespmem:v1+s14+$0x10 ss:$0x1] =	vst.idx.msk $0xffff, v3  }
0x231: {  	v3 =	vld.idx.msk [tilespmem:v1+s11+$0xFFFFFFE0 ss:$0x1], $0xffff;
	[tilespmem:v1+s14+$0x20 ss:$0x1] =	vst.idx.msk $0xffff, v4  }
0x232: {  	v4 =	vld.idx.msk [tilespmem:v1+s11+$0xFFFFFFF0 ss:$0x1], $0xffff;
	[tilespmem:v1+s14+$0x30 ss:$0x1] =	vst.idx.msk $0xffff, v6  }
0x233: {  	v6 =	vld.idx.msk [tilespmem:v2+s11+$0x0 ss:$0x1], $0xffff  }
0x234: {  	v56 =	vld.idx.msk [tilespmem:v1+s11+$0x0 ss:$0x1], $0xffff  }
0x235: {  	v57 =	vld.idx.msk [tilespmem:v2+s11+$0xFFFFFFE0 ss:$0x1], $0xffff  }
0x236: {  	v10 =	vld.idx.msk [tilespmem:v2+s11+$0xFFFFFFD0 ss:$0x1], $0xffff  }
0x237: {  	v11 =	vld.idx.msk [tilespmem:v2+s11+$0xFFFFFFC0 ss:$0x1], $0xffff  }
0x238: {  	v12 =	vld.idx.msk [tilespmem:v2+s11+$0xFFFFFFF0 ss:$0x1], $0xffff  }
0x239: {  	v13 =	vld.idx.msk [tilespmem:v2+s11+$0x10 ss:$0x1], $0xffff  }
0x23a: {  	v14 =	vld.idx.msk [tilespmem:v1+s11+$0x10 ss:$0x1], $0xffff;
	v9 =	vmul.f32 v55, v0  }
0x23b: {  	v15 =	vld.idx.msk [tilespmem:v1+s11+$0x20 ss:$0x1], $0xffff;
	v5 =	vmul.f32 v5, v0  }
0x23c: {  	v16 =	vld.idx.msk [tilespmem:v1+s11+$0x30 ss:$0x1], $0xffff;
	v3 =	vmul.f32 v3, v0;
	v9 =	vadd.f32 v11, v9  }
0x23d: {  	v58 =	vld.idx.msk [tilespmem:v2+s11+$0x20 ss:$0x1], $0xffff;
	v4 =	vmul.f32 v4, v0;
	v5 =	vadd.f32 v10, v5  }
0x23e: {  	v2 =	vld.idx.msk [tilespmem:v2+s11+$0x30 ss:$0x1], $0xffff;
	v7 =	vmul.f32 v56, v0;
	v3 =	vadd.f32 v57, v3;
	[tilespmem:v1+s11+$0xFFFFFFC0 ss:$0x1] =	vst.idx.msk $0xffff, v9  }
0x23f: {  	s4 =	sadd.s32 $0x1, s4;
	v59 =	vmul.f32 v14, v0;
	v4 =	vadd.f32 v12, v4;
	[tilespmem:v1+s11+$0xFFFFFFD0 ss:$0x1] =	vst.idx.msk $0xffff, v5  }
0x240: {  	p1 =	sne.s32 s4, $0x8;
	v61 =	vmul.f32 v15, v0;
	v60 =	vadd.f32 v6, v7;
	[tilespmem:v1+s11+$0xFFFFFFE0 ss:$0x1] =	vst.idx.msk $0xffff, v3  }
.Ltmp13:
0x241: {  	v62 =	vmul.f32 v16, v0;
	v3 =	vadd.f32 v13, v59;
	[tilespmem:v1+s11+$0xFFFFFFF0 ss:$0x1] =	vst.idx.msk $0xffff, v4;
	(pc) =	sbr.rel @p1 .LBB2_27-.Ltmp13, $4  }
0x242: {  	v63 =	vadd.f32 v58, v61;
	[tilespmem:v1+s11+$0x0 ss:$0x1] =	vst.idx.msk $0xffff, v60  }
0x243: {  	v2 =	vadd.f32 v2, v62;
	[tilespmem:v1+s11+$0x10 ss:$0x1] =	vst.idx.msk $0xffff, v3  }
0x244: {  	[tilespmem:v1+s11+$0x20 ss:$0x1] =	vst.idx.msk $0xffff, v63  }
0x245: {  	s6 =	sadd.s32 $0x80, s6;
	s10 =	sadd.s32 $0x80, s10;
	[tilespmem:v1+s11+$0x30 ss:$0x1] =	vst.idx.msk $0xffff, v2  }
0x246: {  	s4 =	sadd.s32 s2, s19  }
0x247: {  	[hbm4b:s4+s5] =	stream.linear.scatter [tilespmem:s7], [sflag:$0xF], $0x2000, $0x38;
	[tilespmem:$0x14080] =	vst v63  }
0x248: {  	_ =	swait.ge [sflag:s26], $0x2000  }
0x249: {  	s6 =	simm.s32 @!p0 $0x6000;
	[sflag:s26] =	ssyncset.done $0x0;
	s0 =	rddreg [dreg:$0xd]  }
0x24a: {  	s4 =	simm.s32 @!p0 $0x0;
	[sflag:s26] =	ssyncadd.s32 $0xFFFFE000;
	s1 =	sadd.s32 @!p0 s1, s0  }
0x24b: {  	[tilespmem:s6], [sflag:$0x4] =	stream.linear.gather @!p0 [hbm4b:s1+s4], $0x2000, $0x38;
	[tilespmem:$0x14080] =	vst v63  }
0x24c: {  	_ =	swait.ge [sflag:s28], $0x2000  }
0x24d: {  	s1 =	simm.s32 $0x0;
	[sflag:s28] =	ssyncset.done $0x0  }
0x24e: {  	s4 =	simm.s32 $0x12040;
	s6 =	simm.s32 $0xE040;
	[sflag:s28] =	ssyncadd.s32 $0xFFFFE000  }
.LBB2_31:
0x24f: {  	v1 =	vmov s6;
	_ =	sdelay $0x3  }
0x250: {  	v2 =	vmov s4;
	s11 =	simm.s32 $0x0  }
0x251: {  	v4 =	vld.idx.msk [tilespmem:v1+s11+$0xFFFFFFC0 ss:$0x1], $0xffff  }
0x252: {  	v5 =	vld.idx.msk [tilespmem:v1+s11+$0xFFFFFFD0 ss:$0x1], $0xffff  }
0x253: {  	v6 =	vld.idx.msk [tilespmem:v1+s11+$0xFFFFFFE0 ss:$0x1], $0xffff  }
0x254: {  	v9 =	vld.idx.msk [tilespmem:v1+s11+$0xFFFFFFF0 ss:$0x1], $0xffff  }
0x255: {  	v11 =	vld.idx.msk [tilespmem:v2+s11+$0x0 ss:$0x1], $0xffff  }
0x256: {  	v7 =	vld.idx.msk [tilespmem:v1+s11+$0x0 ss:$0x1], $0xffff  }
0x257: {  	v12 =	vld.idx.msk [tilespmem:v2+s11+$0xFFFFFFE0 ss:$0x1], $0xffff  }
0x258: {  	v10 =	vld.idx.msk [tilespmem:v2+s11+$0xFFFFFFD0 ss:$0x1], $0xffff  }
0x259: {  	v13 =	vld.idx.msk [tilespmem:v2+s11+$0xFFFFFFC0 ss:$0x1], $0xffff  }
0x25a: {  	v14 =	vld.idx.msk [tilespmem:v2+s11+$0xFFFFFFF0 ss:$0x1], $0xffff  }
0x25b: {  	v3 =	vld.idx.msk [tilespmem:v2+s11+$0x10 ss:$0x1], $0xffff  }
0x25c: {  	v8 =	vld.idx.msk [tilespmem:v1+s11+$0x10 ss:$0x1], $0xffff;
	v15 =	vmul.f32 v4, v0  }
0x25d: {  	v5 =	vmul.f32 v5, v0;
	v16 =	vmul.f32 v7, v0;
	v7 =	vld.idx.msk [tilespmem:v1+s11+$0x20 ss:$0x1], $0xffff  }
0x25e: {  	v17 =	vmul.f32 v6, v0;
	v13 =	vadd.f32 v13, v15;
	v15 =	vmul.f32 v9, v0;
	v9 =	vld.idx.msk [tilespmem:v1+s11+$0x30 ss:$0x1], $0xffff  }
0x25f: {  	v4 =	vld.idx.msk [tilespmem:v2+s11+$0x20 ss:$0x1], $0xffff;
	v10 =	vadd.f32 v10, v5;
	v5 =	vadd.f32 v11, v16  }
0x260: {  	s14 =	simm.s32 $0x2000;
	s10 =	simm.s32 $0x400;
	v6 =	vld.idx.msk [tilespmem:v2+s11+$0x30 ss:$0x1], $0xffff;
	v12 =	vadd.f32 v12, v17;
	v11 =	vadd.f32 v14, v15;
	[tilespmem:v1+s11+$0xFFFFFFC0 ss:$0x1] =	vst.idx.msk $0xffff, v13  }
.LBB2_32:
0x261: {  	p0 =	sne.s32 s14, $0x7000;
	v8 =	vmul.f32 v8, v0;
	[tilespmem:v1+s11+$0xFFFFFFD0 ss:$0x1] =	vst.idx.msk $0xffff, v10;
	s16 =	smov.u32 s14;
	s14 =	sadd.s32 $0x1000, s14  }
0x262: {  	v7 =	vmul.f32 v7, v0;
	[tilespmem:v1+s11+$0xFFFFFFE0 ss:$0x1] =	vst.idx.msk $0xffff, v12  }
0x263: {  	s16 =	sshra.s32 s16, $0x2;
	v3 =	vadd.f32 v3, v8;
	v8 =	vmul.f32 v9, v0;
	[tilespmem:v1+s11+$0xFFFFFFF0 ss:$0x1] =	vst.idx.msk $0xffff, v11  }
0x264: {  	v4 =	vadd.f32 v4, v7;
	v9 =	vld.idx.msk [tilespmem:v1+s10+$0xFFFFFFC0 ss:$0x1], $0xffff;
	[tilespmem:v1+s11+$0x0 ss:$0x1] =	vst.idx.msk $0xffff, v5  }
0x265: {  	v5 =	vld.idx.msk [tilespmem:v1+s10+$0xFFFFFFD0 ss:$0x1], $0xffff;
	v6 =	vadd.f32 v6, v8;
	[tilespmem:v1+s11+$0x10 ss:$0x1] =	vst.idx.msk $0xffff, v3  }
0x266: {  	v11 =	vld.idx.msk [tilespmem:v1+s10+$0xFFFFFFE0 ss:$0x1], $0xffff;
	[tilespmem:v1+s11+$0x20 ss:$0x1] =	vst.idx.msk $0xffff, v4  }
0x267: {  	v12 =	vld.idx.msk [tilespmem:v1+s10+$0xFFFFFFF0 ss:$0x1], $0xffff;
	[tilespmem:v1+s11+$0x30 ss:$0x1] =	vst.idx.msk $0xffff, v6;
	s11 =	smov.u32 s10;
	s10 =	smov.u32 s16  }
0x268: {  	v4 =	vld.idx.msk [tilespmem:v2+s11+$0x0 ss:$0x1], $0xffff  }
0x269: {  	v6 =	vld.idx.msk [tilespmem:v1+s11+$0x0 ss:$0x1], $0xffff  }
0x26a: {  	v14 =	vmul.f32 v9, v0;
	v13 =	vld.idx.msk [tilespmem:v2+s11+$0xFFFFFFE0 ss:$0x1], $0xffff  }
0x26b: {  	v10 =	vld.idx.msk [tilespmem:v2+s11+$0xFFFFFFD0 ss:$0x1], $0xffff  }
0x26c: {  	v15 =	vld.idx.msk [tilespmem:v2+s11+$0xFFFFFFC0 ss:$0x1], $0xffff  }
0x26d: {  	v16 =	vld.idx.msk [tilespmem:v2+s11+$0xFFFFFFF0 ss:$0x1], $0xffff  }
0x26e: {  	v5 =	vmul.f32 v5, v0;
	v3 =	vld.idx.msk [tilespmem:v2+s11+$0x10 ss:$0x1], $0xffff  }
0x26f: {  	v6 =	vmul.f32 v6, v0;
	v8 =	vld.idx.msk [tilespmem:v1+s11+$0x10 ss:$0x1], $0xffff  }
.Ltmp14:
0x270: {  	v7 =	vld.idx.msk [tilespmem:v1+s11+$0x20 ss:$0x1], $0xffff;
	(pc) =	sbr.rel @p0 .LBB2_32-.Ltmp14, $4  }
0x271: {  	v11 =	vmul.f32 v11, v0;
	v10 =	vadd.f32 v10, v5;
	v5 =	vadd.f32 v4, v6;
	v9 =	vld.idx.msk [tilespmem:v1+s11+$0x30 ss:$0x1], $0xffff  }
0x272: {  	v14 =	vadd.f32 v15, v14;
	v15 =	vmul.f32 v12, v0;
	v4 =	vld.idx.msk [tilespmem:v2+s11+$0x20 ss:$0x1], $0xffff  }
0x273: {  	v12 =	vadd.f32 v13, v11;
	v6 =	vld.idx.msk [tilespmem:v2+s11+$0x30 ss:$0x1], $0xffff  }
0x274: {  	v11 =	vadd.f32 v16, v15;
	[tilespmem:v1+s11+$0xFFFFFFC0 ss:$0x1] =	vst.idx.msk $0xffff, v14  }
0x275: {  	_ =	sdelay $0x3  }
0x276: {  	v8 =	vmul.f32 v8, v0;
	[tilespmem:v1+s11+$0xFFFFFFD0 ss:$0x1] =	vst.idx.msk $0xffff, v10  }
0x277: {  	v7 =	vmul.f32 v7, v0;
	[tilespmem:v1+s11+$0xFFFFFFE0 ss:$0x1] =	vst.idx.msk $0xffff, v12  }
0x278: {  	v54 =	vmul.f32 v9, v0;
	v3 =	vadd.f32 v3, v8;
	[tilespmem:v1+s11+$0xFFFFFFF0 ss:$0x1] =	vst.idx.msk $0xffff, v11  }
0x279: {  	v4 =	vadd.f32 v4, v7;
	v55 =	vld.idx.msk [tilespmem:v1+s10+$0xFFFFFFC0 ss:$0x1], $0xffff;
	[tilespmem:v1+s11+$0x0 ss:$0x1] =	vst.idx.msk $0xffff, v5  }
0x27a: {  	v6 =	vadd.f32 v6, v54;
	v5 =	vld.idx.msk [tilespmem:v1+s10+$0xFFFFFFD0 ss:$0x1], $0xffff;
	[tilespmem:v1+s11+$0x10 ss:$0x1] =	vst.idx.msk $0xffff, v3  }
0x27b: {  	v3 =	vld.idx.msk [tilespmem:v1+s10+$0xFFFFFFE0 ss:$0x1], $0xffff;
	[tilespmem:v1+s11+$0x20 ss:$0x1] =	vst.idx.msk $0xffff, v4  }
0x27c: {  	v4 =	vld.idx.msk [tilespmem:v1+s10+$0xFFFFFFF0 ss:$0x1], $0xffff;
	[tilespmem:v1+s11+$0x30 ss:$0x1] =	vst.idx.msk $0xffff, v6  }
0x27d: {  	v6 =	vld.idx.msk [tilespmem:v2+s10+$0x0 ss:$0x1], $0xffff  }
0x27e: {  	v56 =	vld.idx.msk [tilespmem:v1+s10+$0x0 ss:$0x1], $0xffff  }
0x27f: {  	v57 =	vld.idx.msk [tilespmem:v2+s10+$0xFFFFFFE0 ss:$0x1], $0xffff  }
0x280: {  	v10 =	vld.idx.msk [tilespmem:v2+s10+$0xFFFFFFD0 ss:$0x1], $0xffff  }
0x281: {  	v11 =	vld.idx.msk [tilespmem:v2+s10+$0xFFFFFFC0 ss:$0x1], $0xffff  }
0x282: {  	v12 =	vld.idx.msk [tilespmem:v2+s10+$0xFFFFFFF0 ss:$0x1], $0xffff  }
0x283: {  	v13 =	vld.idx.msk [tilespmem:v2+s10+$0x10 ss:$0x1], $0xffff  }
0x284: {  	v14 =	vld.idx.msk [tilespmem:v1+s10+$0x10 ss:$0x1], $0xffff;
	v9 =	vmul.f32 v55, v0  }
0x285: {  	v15 =	vld.idx.msk [tilespmem:v1+s10+$0x20 ss:$0x1], $0xffff;
	v5 =	vmul.f32 v5, v0  }
0x286: {  	v16 =	vld.idx.msk [tilespmem:v1+s10+$0x30 ss:$0x1], $0xffff;
	v3 =	vmul.f32 v3, v0;
	v9 =	vadd.f32 v11, v9  }
0x287: {  	v58 =	vld.idx.msk [tilespmem:v2+s10+$0x20 ss:$0x1], $0xffff;
	v4 =	vmul.f32 v4, v0;
	v5 =	vadd.f32 v10, v5  }
0x288: {  	v2 =	vld.idx.msk [tilespmem:v2+s10+$0x30 ss:$0x1], $0xffff;
	v7 =	vmul.f32 v56, v0;
	v3 =	vadd.f32 v57, v3;
	[tilespmem:v1+s10+$0xFFFFFFC0 ss:$0x1] =	vst.idx.msk $0xffff, v9  }
0x289: {  	s1 =	sadd.s32 $0x1, s1;
	v59 =	vmul.f32 v14, v0;
	v4 =	vadd.f32 v12, v4;
	[tilespmem:v1+s10+$0xFFFFFFD0 ss:$0x1] =	vst.idx.msk $0xffff, v5  }
0x28a: {  	p0 =	sne.s32 s1, $0x8;
	v61 =	vmul.f32 v15, v0;
	v60 =	vadd.f32 v6, v7;
	[tilespmem:v1+s10+$0xFFFFFFE0 ss:$0x1] =	vst.idx.msk $0xffff, v3  }
.Ltmp15:
0x28b: {  	v62 =	vmul.f32 v16, v0;
	v3 =	vadd.f32 v13, v59;
	[tilespmem:v1+s10+$0xFFFFFFF0 ss:$0x1] =	vst.idx.msk $0xffff, v4;
	(pc) =	sbr.rel @p0 .LBB2_31-.Ltmp15, $4  }
0x28c: {  	v63 =	vadd.f32 v58, v61;
	[tilespmem:v1+s10+$0x0 ss:$0x1] =	vst.idx.msk $0xffff, v60  }
0x28d: {  	v2 =	vadd.f32 v2, v62;
	[tilespmem:v1+s10+$0x10 ss:$0x1] =	vst.idx.msk $0xffff, v3  }
0x28e: {  	[tilespmem:v1+s10+$0x20 ss:$0x1] =	vst.idx.msk $0xffff, v63  }
0x28f: {  	s4 =	sadd.s32 $0x80, s4;
	s6 =	sadd.s32 $0x80, s6;
	[tilespmem:v1+s10+$0x30 ss:$0x1] =	vst.idx.msk $0xffff, v2  }
0x290: {  	s29 =	sadd.s32 $0x1, s29  }
0x291: {  	p0 =	sne.s32 s29, $0x10  }
.Ltmp16:
0x292: {  	_ = 	snop;
	(pc) =	sbr.rel @p0 .LBB2_2-.Ltmp16, $3  }
0x293: {  	_ =	sdelay $0x1  }
0x294: {  	s1 =	sadd.s32 s2, s21  }
0x295: {  	[hbm4b:s1+s5] =	stream.linear.scatter [tilespmem:s9], [sflag:$0x10], $0x2000, $0x38;
	[tilespmem:$0x14080] =	vst v63  }
0x296: {  	s0 =	simm.s32 $0xD  }
0x297: {  	_ =	swait.ge [sflag:s0], $0x2000  }
0x298: {  	[sflag:s0] =	ssyncset.done $0x0  }
0x299: {  	s16 =	simm.s32 $0xE;
	[sflag:s0] =	ssyncadd.s32 $0xFFFFE000  }
0x29a: {  	_ =	swait.ge [sflag:s16], $0x2000  }
0x29b: {  	[sflag:s16] =	ssyncset.done $0x0  }
0x29c: {  	s17 =	simm.s32 $0xF;
	[sflag:s16] =	ssyncadd.s32 $0xFFFFE000  }
0x29d: {  	_ =	swait.ge [sflag:s17], $0x2000  }
0x29e: {  	[sflag:s17] =	ssyncset.done $0x0  }
0x29f: {  	s1 =	simm.s32 $0x10;
	[sflag:s17] =	ssyncadd.s32 $0xFFFFE000  }
0x2a0: {  	_ =	swait.ge [sflag:s1], $0x2000  }
0x2a1: {  	s2 =	rddreg [dreg:$0x13]  }
0x2a2: {  	s29 =	rddreg [dreg:$0x12];
	s2 =	sadd.s32 $0x1, s2  }
0x2a3: {  	p0 =	sne.s32 s2, s29  }
.Ltmp17:
0x2a4: {  	_ = 	snop;
	(pc) =	sbr.rel @p0 .LBB2_1-.Ltmp17, $3  }
0x2a5: {  	_ =	sdelay $0x1  }
0x2a6: {  	[sflag:s1] =	ssyncset.done $0x0  }
0x2a7: {  	[sflag:s1] =	ssyncadd.s32 $0xFFFFE000  }
0x2a8: {  	_ =	sfence.sel $0x180000  }
0x2a9: {  	[bflag:$0x0] =	sbarrier.arrive $0xFFFF  }
0x2aa: {  	_ =	strace $0x90000047  }
0x2ab: {  	s0 =	stileid.u32;
	[bflag:$0x2] =	sbarrier.arrive $0xFFFF  }
0x2ac: {  	p0 =	sne.s32 s0, $0x0;
	s0 =	rddreg [dreg:$0x4]  }
0x2ad: {  	s0 =	sadd.s32 @!p0 $0x100000, s0  }
0x2ae: {  	[sflag:s0] =	ssyncadd.tile.s32 @!p0 $0x1;
	_ =	shalt  }
.Lfunc_end2:
_tile_overlayer_lowered:
.L_overlay_start_2:
0x2af: {  	(tag) =	ssettag $0x2  }
0x2b0: {  	s0 =	rddreg [dreg:$0x0];
	s2 =	stileid.u32  }
0x2b1: {  	s1 =	rddreg [dreg:$0x1];
	p0 =	sne.s32 s2, $0x0  }
0x2b2: {  	s3 =	rddreg [dreg:$0x2];
	[bflag:$0x3] =	sbarrier.arrive $0xFFFF;
	s2 =	simm.s32 @!p0 $0x1C13  }
0x2b3: {  	[timem:s3], [sflag:s2] =	dma.local @!p0 [hbm:s0], s1  }
0x2b4: {  	s0 =	simm.s32 @!p0 $0x13  }
0x2b5: {  	_ =	swait.ge @!p0 [sflag:s0], s1  }
0x2b6: {  	s1 =	ssub.s32 @!p0 $0x0, s1;
	[sflag:s0] =	ssyncset.done @!p0 $0x0  }
0x2b7: {  	[sflag:s0] =	ssyncadd.s32 @!p0 s1  }
0x2b8: {  	[bflag:$0x3] =	sbarrier.arrive $0xFFFF  }
0x2b9: {  	_ =	shalt  }

</sc_bundles>
